<compile_context>
chip_gen: v7x
topology: tpu7x:2x2x1
jax: 0.10.2.dev20260603
libtpu: 0.0.44.dev20260713+nightly
codegen_flags: <defaults>
</compile_context>

<pallas_src>
import jax
import jax.numpy as jnp
import numpy as np
from jax import lax
from jax.experimental import pallas as pl
from jax.experimental.pallas import tpu as pltpu
from jax.experimental.pallas import tpu_sc as plsc

HIDDEN_DIM = 256
NUM_QUERIES = 4096
NUM_LEARNED = NUM_QUERIES // 4
NUM_SCENE = NUM_QUERIES - NUM_LEARNED
V = 100000

NC, NS = 2, 16
NW = NC * NS
BPW = NUM_SCENE // NW
LPW = NUM_LEARNED // NW

_CONST_CACHE = {}


def _rotl32(x, d):
    d = np.uint32(d)
    return (x << d) | (x >> np.uint32(32 - d))


def _threefry2x32(k1, k2, x1, x2):
    rot_a = (13, 15, 26, 6)
    rot_b = (17, 29, 16, 24)
    ks = [np.uint32(k1), np.uint32(k2),
          np.uint32(k1) ^ np.uint32(k2) ^ np.uint32(0x1BD11BDA)]
    a = (x1 + ks[0]).astype(np.uint32)
    b = (x2 + ks[1]).astype(np.uint32)

    def rounds(a, b, rots):
        for r in rots:
            a = (a + b).astype(np.uint32)
            b = a ^ _rotl32(b, r)
        return a, b

    for i, (rots, ka, kb) in enumerate(
            [(rot_a, 1, 2), (rot_b, 2, 0), (rot_a, 0, 1),
             (rot_b, 1, 2), (rot_a, 2, 0)]):
        a, b = rounds(a, b, rots)
        a = (a + ks[ka]).astype(np.uint32)
        b = (b + ks[kb] + np.uint32(i + 1)).astype(np.uint32)
    return a, b


def _np_permutation_key1(n):
    key = (np.uint32(0), np.uint32(1))
    x = np.arange(n, dtype=np.int32)
    uint32max = np.iinfo(np.uint32).max
    num_rounds = int(np.ceil(3 * np.log(max(1, n)) / np.log(uint32max)))
    for _ in range(num_rounds):
        b1, b2 = _threefry2x32(key[0], key[1],
                               np.zeros(2, np.uint32),
                               np.arange(2, dtype=np.uint32))
        key, subkey = (b1[0], b2[0]), (b1[1], b2[1])
        s1, s2 = _threefry2x32(subkey[0], subkey[1],
                               np.zeros(n, np.uint32),
                               np.arange(n, dtype=np.uint32))
        x = x[np.argsort(s1 ^ s2, kind="stable")]
    return x


def _scene_indices():
    if "idx" not in _CONST_CACHE:
        _CONST_CACHE["idx"] = _np_permutation_key1(V)[:NUM_SCENE].astype(
            np.int32)
    return _CONST_CACHE["idx"]


def _sc_gather_concat(tok, xyz, lq, lx, idx):
    mesh = plsc.VectorSubcoreMesh(core_axis_name="c", subcore_axis_name="s")

    def body(tok_h, xyz_h, lq_h, lx_h, idx_h, out_f, out_x,
             idx_v, rows_v, lq_v, xyz_v, lx_v,
             sem_i, sem_l, sem_g, sem_w, sem_x, sem_y):
        wid = lax.axis_index("s") * NC + lax.axis_index("c")
        base = wid * BPW
        lbase = wid * LPW
        c_idx = pltpu.async_copy(idx_h.at[pl.ds(base, BPW)], idx_v, sem_i)
        c_lq = pltpu.async_copy(lq_h.at[pl.ds(lbase, LPW)], lq_v, sem_l)
        c_lx = pltpu.async_copy(lx_h.at[pl.ds(lbase, LPW)], lx_v, sem_l)
        c_idx.wait()
        g_tok = pltpu.async_copy(tok_h.at[idx_v], rows_v, sem_g)

        half = BPW // 2
        for k in range(BPW // 16):
            vec = idx_v[pl.ds(16 * k, 16)]
            for j in range(16):
                row = vec[j]
                p = 16 * k + j
                pltpu.async_copy(xyz_h.at[pl.ds(row, 1)],
                                 xyz_v.at[pl.ds(p, 1)],
                                 sem_x if p < half else sem_y)
        c_lq.wait()
        c_lx.wait()
        w_lq = pltpu.async_copy(lq_v, out_f.at[pl.ds(NUM_SCENE + lbase, LPW)],
                                sem_w)
        w_lx = pltpu.async_copy(lx_v, out_x.at[pl.ds(NUM_SCENE + lbase, LPW)],
                                sem_w)
        g_tok.wait()
        pltpu.make_async_copy(xyz_h.at[pl.ds(0, half)],
                              xyz_v.at[pl.ds(0, half)], sem_x).wait()
        pltpu.make_async_copy(xyz_h.at[pl.ds(0, half)],
                              xyz_v.at[pl.ds(half, half)], sem_y).wait()
        w_tok = pltpu.async_copy(rows_v, out_f.at[pl.ds(base, BPW)], sem_w)
        w_xyz = pltpu.async_copy(xyz_v, out_x.at[pl.ds(base, BPW)], sem_w)
        w_lq.wait()
        w_lx.wait()
        w_tok.wait()
        w_xyz.wait()

    run = pl.kernel(
        body,
        mesh=mesh,
        out_type=(
            jax.ShapeDtypeStruct((NUM_QUERIES, HIDDEN_DIM), jnp.float32),
            jax.ShapeDtypeStruct((NUM_QUERIES, 3), jnp.float32),
        ),
        scratch_types=[
            pltpu.VMEM((BPW,), jnp.int32),
            pltpu.VMEM((BPW, HIDDEN_DIM), jnp.float32),
            pltpu.VMEM((LPW, HIDDEN_DIM), jnp.float32),
            pltpu.VMEM((BPW, 3), jnp.float32),
            pltpu.VMEM((LPW, 3), jnp.float32),
            pltpu.SemaphoreType.DMA,
            pltpu.SemaphoreType.DMA,
            pltpu.SemaphoreType.DMA,
            pltpu.SemaphoreType.DMA,
            pltpu.SemaphoreType.DMA,
            pltpu.SemaphoreType.DMA,
        ],
    )
    return run(tok, xyz, lq, lx, idx)


def kernel(scene_tokens, scene_xyz, learned_queries, learned_xyz):
    idx = _scene_indices()
    return _sc_gather_concat(scene_tokens, scene_xyz, learned_queries,
                             learned_xyz, jnp.asarray(idx))

# --- scband reference (transcript-rebuilt; emitter-appended) ---
"""Pipeline reference for scband-hybrid-query-initializer-20298015441488 (READ-ONLY COPY).

The authoritative reference and input builder live on the scoring server;
editing this copy changes nothing except your own understanding.
"""

import jax, jax.numpy as jnp
import numpy as np

HIDDEN_DIM = 256
NUM_QUERIES = 4096
LEARNED_RATIO = 0.25
NUM_LEARNED = int(NUM_QUERIES * LEARNED_RATIO)
NUM_SCENE = NUM_QUERIES - NUM_LEARNED
V = 100000


def setup_inputs(seed: int = 0) -> dict:
    key = jax.random.key(seed)
    k1, k2, k3, k4 = jax.random.split(key, 4)
    return {
        "scene_tokens": jax.random.normal(k1, (V, HIDDEN_DIM), dtype=jnp.float32),
        "scene_xyz": jax.random.normal(k2, (V, 3), dtype=jnp.float32),
        "learned_queries": jax.random.normal(k3, (NUM_LEARNED, HIDDEN_DIM), dtype=jnp.float32) * 0.02,
        "learned_xyz": jax.random.normal(k4, (NUM_LEARNED, 3), dtype=jnp.float32) * 0.02,
    }


def reference(scene_tokens, scene_xyz, learned_queries, learned_xyz):
    Vn = scene_tokens.shape[0]
    if Vn >= NUM_SCENE:
        perm = jax.random.permutation(jax.random.key(1), Vn)
        idx = perm[:NUM_SCENE]
        scene_q = jnp.take(scene_tokens, idx, axis=0)
        scene_q_xyz = jnp.take(scene_xyz, idx, axis=0)
    else:
        pad_n = NUM_SCENE - Vn
        pad_idx = jax.random.randint(jax.random.key(1), (pad_n,), 0, Vn)
        scene_q = jnp.concatenate([scene_tokens, jnp.take(scene_tokens, pad_idx, axis=0)], axis=0)
        scene_q_xyz = jnp.concatenate([scene_xyz, jnp.take(scene_xyz, pad_idx, axis=0)], axis=0)
    q_feat = jnp.concatenate([scene_q, learned_queries], axis=0)
    q_xyz = jnp.concatenate([scene_q_xyz, learned_xyz], axis=0)
    return (q_feat, q_xyz)

if __name__ == "__main__":
    import jax
    _d = setup_inputs()
    print(jax.jit(kernel)(*tuple(_d.values())))

</pallas_src>

<mosaic_0001>
#map = affine_map<(d0, d1) -> (0, 0)>
#map1 = affine_map<(d0, d1) -> (0)>
module attributes {stable_mosaic.version = 14 : i64} {
  func.func @body(%arg0: i32, %arg1: i32, %arg2: memref<100000x256xf32, #tpu.memory_space<hbm>>, %arg3: memref<100000x3xf32, #tpu.memory_space<hbm>>, %arg4: memref<1024x256xf32, #tpu.memory_space<hbm>>, %arg5: memref<1024x3xf32, #tpu.memory_space<hbm>>, %arg6: memref<3072xi32, #tpu.memory_space<hbm>>, %arg7: memref<4096x256xf32, #tpu.memory_space<hbm>>, %arg8: memref<4096x3xf32, #tpu.memory_space<hbm>>, %arg9: memref<96xi32, #tpu.memory_space<vmem>>, %arg10: memref<96x256xf32, #tpu.memory_space<vmem>>, %arg11: memref<32x256xf32, #tpu.memory_space<vmem>>, %arg12: memref<96x3xf32, #tpu.memory_space<vmem>>, %arg13: memref<32x3xf32, #tpu.memory_space<vmem>>, %arg14: memref<!tpu.dma_semaphore, #tpu.memory_space<semaphore_mem>>, %arg15: memref<!tpu.dma_semaphore, #tpu.memory_space<semaphore_mem>>, %arg16: memref<!tpu.dma_semaphore, #tpu.memory_space<semaphore_mem>>, %arg17: memref<!tpu.dma_semaphore, #tpu.memory_space<semaphore_mem>>, %arg18: memref<!tpu.dma_semaphore, #tpu.memory_space<semaphore_mem>>, %arg19: memref<!tpu.dma_semaphore, #tpu.memory_space<semaphore_mem>>) attributes {dimension_semantics = [#tpu.dimension_semantics<core_parallel>, #tpu.dimension_semantics<subcore_parallel>], iteration_bounds = array<i64: 2, 16>, scalar_prefetch = 0 : i64, scratch_operands = 11 : i64, tpu.core_type = #tpu.core_type<sc_vector_subcore>, window_params = [{transform_indices = #map}, {transform_indices = #map}, {transform_indices = #map}, {transform_indices = #map}, {transform_indices = #map1}, {transform_indices = #map}, {transform_indices = #map}]} {
    %mul3A = arith.constant 2 : i32
    %mul3A_0 = arith.muli %arg1, %mul3A : i32
    %add3A = arith.addi %mul3A_0, %arg0 : i32
    %mul3A_1 = arith.constant 96 : i32
    %mul3A_2 = arith.muli %add3A, %mul3A_1 : i32
    %mul3A_3 = arith.constant 32 : i32
    %mul3A_4 = arith.muli %add3A, %mul3A_3 : i32
    %dma_start3A = tpu.memref_slice %arg6[%mul3A_2] : memref<3072xi32, #tpu.memory_space<hbm>> -> memref<96xi32, #tpu.memory_space<hbm>>
    %dma_start3A_5 = tpu.memref_slice %arg6[%mul3A_2] : memref<3072xi32, #tpu.memory_space<hbm>> -> memref<96xi32, #tpu.memory_space<hbm>>
    tpu.enqueue_dma source(%dma_start3A_5 : memref<96xi32, #tpu.memory_space<hbm>>) target(%arg9 : memref<96xi32, #tpu.memory_space<vmem>>) target_semaphore(%arg14 : memref<!tpu.dma_semaphore, #tpu.memory_space<semaphore_mem>>)
    %dma_start3A_6 = arith.constant 0 : i32
    %dma_start3A_7 = tpu.memref_slice %arg4[%mul3A_4, %dma_start3A_6] : memref<1024x256xf32, #tpu.memory_space<hbm>> -> memref<32x256xf32, #tpu.memory_space<hbm>>
    %dma_start3A_8 = arith.constant 0 : i32
    %dma_start3A_9 = tpu.memref_slice %arg4[%mul3A_4, %dma_start3A_8] : memref<1024x256xf32, #tpu.memory_space<hbm>> -> memref<32x256xf32, #tpu.memory_space<hbm>>
    tpu.enqueue_dma source(%dma_start3A_9 : memref<32x256xf32, #tpu.memory_space<hbm>>) target(%arg11 : memref<32x256xf32, #tpu.memory_space<vmem>>) target_semaphore(%arg15 : memref<!tpu.dma_semaphore, #tpu.memory_space<semaphore_mem>>)
    %dma_start3A_10 = arith.constant 0 : i32
    %dma_start3A_11 = tpu.memref_slice %arg5[%mul3A_4, %dma_start3A_10] : memref<1024x3xf32, #tpu.memory_space<hbm>> -> memref<32x3xf32, #tpu.memory_space<hbm>>
    %dma_start3A_12 = arith.constant 0 : i32
    %dma_start3A_13 = tpu.memref_slice %arg5[%mul3A_4, %dma_start3A_12] : memref<1024x3xf32, #tpu.memory_space<hbm>> -> memref<32x3xf32, #tpu.memory_space<hbm>>
    tpu.enqueue_dma source(%dma_start3A_13 : memref<32x3xf32, #tpu.memory_space<hbm>>) target(%arg13 : memref<32x3xf32, #tpu.memory_space<vmem>>) target_semaphore(%arg15 : memref<!tpu.dma_semaphore, #tpu.memory_space<semaphore_mem>>)
    %dma_wait3A = tpu.memref_slice %arg6[%mul3A_2] : memref<3072xi32, #tpu.memory_space<hbm>> -> memref<96xi32, #tpu.memory_space<hbm>>
    %dma_wait3A_14 = tpu.memref_slice %arg6[%mul3A_2] : memref<3072xi32, #tpu.memory_space<hbm>> -> memref<96xi32, #tpu.memory_space<hbm>>
    tpu.wait_dma2 semaphore(%arg14 : memref<!tpu.dma_semaphore, #tpu.memory_space<semaphore_mem>>) src(%dma_wait3A_14 : memref<96xi32, #tpu.memory_space<hbm>>) dst(%arg9 : memref<96xi32, #tpu.memory_space<vmem>>)
    %dma_start3A_15 = arith.constant 0 : i32
    %dma_start3A_16 = arith.constant 0 : i32
    %dma_start3A_17 = tpu.memref_slice %arg2[%dma_start3A_15, %dma_start3A_16] : memref<100000x256xf32, #tpu.memory_space<hbm>> -> memref<100000x256xf32, #tpu.memory_space<hbm>>
    tpu.enqueue_indirect_dma source(%dma_start3A_17 : memref<100000x256xf32, #tpu.memory_space<hbm>>) target(%arg10 : memref<96x256xf32, #tpu.memory_space<vmem>>) offsets(%arg9 : memref<96xi32, #tpu.memory_space<vmem>>) semaphore(%arg16 : memref<!tpu.dma_semaphore, #tpu.memory_space<semaphore_mem>>)
    %get3A = arith.constant 0 : index
    %get3A_18 = tpu.vector_load %arg9[%get3A] {strides = array<i32>} : memref<96xi32, #tpu.memory_space<vmem>>, vector<16xi32>,
    %get3A_19 = vector.shape_cast %get3A_18 : vector<16xi32> to vector<16xi32>
    %slice3A = vector.extract_strided_slice %get3A_19 {offsets = [0], sizes = [1], strides = [1]} : vector<16xi32> to vector<1xi32>
    %squeeze3A = vector.extract %slice3A[0] : i32 from vector<1xi32>
    %dma_start3A_20 = arith.constant 0 : i32
    %dma_start3A_21 = arith.constant 0 : i32
    %dma_start3A_22 = tpu.memref_slice %arg12[%dma_start3A_20, %dma_start3A_21] : memref<96x3xf32, #tpu.memory_space<vmem>> -> memref<1x3xf32, #tpu.memory_space<vmem>>
    %dma_start3A_23 = arith.constant 0 : i32
    %dma_start3A_24 = tpu.memref_slice %arg3[%squeeze3A, %dma_start3A_23] : memref<100000x3xf32, #tpu.memory_space<hbm>> -> memref<1x3xf32, #tpu.memory_space<hbm>>
    %dma_start3A_25 = arith.constant 0 : i32
    %dma_start3A_26 = arith.constant 0 : i32
    %dma_start3A_27 = tpu.memref_slice %arg12[%dma_start3A_25, %dma_start3A_26] : memref<96x3xf32, #tpu.memory_space<vmem>> -> memref<1x3xf32, #tpu.memory_space<vmem>>
    %dma_start3A_28 = arith.constant 0 : i32
    %dma_start3A_29 = tpu.memref_slice %arg3[%squeeze3A, %dma_start3A_28] : memref<100000x3xf32, #tpu.memory_space<hbm>> -> memref<1x3xf32, #tpu.memory_space<hbm>>
    tpu.enqueue_dma source(%dma_start3A_29 : memref<1x3xf32, #tpu.memory_space<hbm>>) target(%dma_start3A_27 : memref<1x3xf32, #tpu.memory_space<vmem>>) target_semaphore(%arg18 : memref<!tpu.dma_semaphore, #tpu.memory_space<semaphore_mem>>)
    %slice3A_30 = vector.extract_strided_slice %get3A_19 {offsets = [1], sizes = [1], strides = [1]} : vector<16xi32> to vector<1xi32>
    %squeeze3A_31 = vector.extract %slice3A_30[0] : i32 from vector<1xi32>
    %dma_start3A_32 = arith.constant 1 : i32
    %dma_start3A_33 = arith.constant 0 : i32
    %dma_start3A_34 = tpu.memref_slice %arg12[%dma_start3A_32, %dma_start3A_33] : memref<96x3xf32, #tpu.memory_space<vmem>> -> memref<1x3xf32, #tpu.memory_space<vmem>>
    %dma_start3A_35 = arith.constant 0 : i32
    %dma_start3A_36 = tpu.memref_slice %arg3[%squeeze3A_31, %dma_start3A_35] : memref<100000x3xf32, #tpu.memory_space<hbm>> -> memref<1x3xf32, #tpu.memory_space<hbm>>
    %dma_start3A_37 = arith.constant 1 : i32
    %dma_start3A_38 = arith.constant 0 : i32
    %dma_start3A_39 = tpu.memref_slice %arg12[%dma_start3A_37, %dma_start3A_38] : memref<96x3xf32, #tpu.memory_space<vmem>> -> memref<1x3xf32, #tpu.memory_space<vmem>>
    %dma_start3A_40 = arith.constant 0 : i32
    %dma_start3A_41 = tpu.memref_slice %arg3[%squeeze3A_31, %dma_start3A_40] : memref<100000x3xf32, #tpu.memory_space<hbm>> -> memref<1x3xf32, #tpu.memory_space<hbm>>
    tpu.enqueue_dma source(%dma_start3A_41 : memref<1x3xf32, #tpu.memory_space<hbm>>) target(%dma_start3A_39 : memref<1x3xf32, #tpu.memory_space<vmem>>) target_semaphore(%arg18 : memref<!tpu.dma_semaphore, #tpu.memory_space<semaphore_mem>>)
    %slice3A_42 = vector.extract_strided_slice %get3A_19 {offsets = [2], sizes = [1], strides = [1]} : vector<16xi32> to vector<1xi32>
    %squeeze3A_43 = vector.extract %slice3A_42[0] : i32 from vector<1xi32>
    %dma_start3A_44 = arith.constant 2 : i32
    %dma_start3A_45 = arith.constant 0 : i32
    %dma_start3A_46 = tpu.memref_slice %arg12[%dma_start3A_44, %dma_start3A_45] : memref<96x3xf32, #tpu.memory_space<vmem>> -> memref<1x3xf32, #tpu.memory_space<vmem>>
    %dma_start3A_47 = arith.constant 0 : i32
    %dma_start3A_48 = tpu.memref_slice %arg3[%squeeze3A_43, %dma_start3A_47] : memref<100000x3xf32, #tpu.memory_space<hbm>> -> memref<1x3xf32, #tpu.memory_space<hbm>>
    %dma_start3A_49 = arith.constant 2 : i32
    %dma_start3A_50 = arith.constant 0 : i32
    %dma_start3A_51 = tpu.memref_slice %arg12[%dma_start3A_49, %dma_start3A_50] : memref<96x3xf32, #tpu.memory_space<vmem>> -> memref<1x3xf32, #tpu.memory_space<vmem>>
    %dma_start3A_52 = arith.constant 0 : i32
    %dma_start3A_53 = tpu.memref_slice %arg3[%squeeze3A_43, %dma_start3A_52] : memref<100000x3xf32, #tpu.memory_space<hbm>> -> memref<1x3xf32, #tpu.memory_space<hbm>>
    tpu.enqueue_dma source(%dma_start3A_53 : memref<1x3xf32, #tpu.memory_space<hbm>>) target(%dma_start3A_51 : memref<1x3xf32, #tpu.memory_space<vmem>>) target_semaphore(%arg18 : memref<!tpu.dma_semaphore, #tpu.memory_space<semaphore_mem>>)
    %slice3A_54 = vector.extract_strided_slice %get3A_19 {offsets = [3], sizes = [1], strides = [1]} : vector<16xi32> to vector<1xi32>
    %squeeze3A_55 = vector.extract %slice3A_54[0] : i32 from vector<1xi32>
    %dma_start3A_56 = arith.constant 3 : i32
    %dma_start3A_57 = arith.constant 0 : i32
    %dma_start3A_58 = tpu.memref_slice %arg12[%dma_start3A_56, %dma_start3A_57] : memref<96x3xf32, #tpu.memory_space<vmem>> -> memref<1x3xf32, #tpu.memory_space<vmem>>
    %dma_start3A_59 = arith.constant 0 : i32
    %dma_start3A_60 = tpu.memref_slice %arg3[%squeeze3A_55, %dma_start3A_59] : memref<100000x3xf32, #tpu.memory_space<hbm>> -> memref<1x3xf32, #tpu.memory_space<hbm>>
    %dma_start3A_61 = arith.constant 3 : i32
    %dma_start3A_62 = arith.constant 0 : i32
    %dma_start3A_63 = tpu.memref_slice %arg12[%dma_start3A_61, %dma_start3A_62] : memref<96x3xf32, #tpu.memory_space<vmem>> -> memref<1x3xf32, #tpu.memory_space<vmem>>
    %dma_start3A_64 = arith.constant 0 : i32
    %dma_start3A_65 = tpu.memref_slice %arg3[%squeeze3A_55, %dma_start3A_64] : memref<100000x3xf32, #tpu.memory_space<hbm>> -> memref<1x3xf32, #tpu.memory_space<hbm>>
    tpu.enqueue_dma source(%dma_start3A_65 : memref<1x3xf32, #tpu.memory_space<hbm>>) target(%dma_start3A_63 : memref<1x3xf32, #tpu.memory_space<vmem>>) target_semaphore(%arg18 : memref<!tpu.dma_semaphore, #tpu.memory_space<semaphore_mem>>)
    %slice3A_66 = vector.extract_strided_slice %get3A_19 {offsets = [4], sizes = [1], strides = [1]} : vector<16xi32> to vector<1xi32>
    %squeeze3A_67 = vector.extract %slice3A_66[0] : i32 from vector<1xi32>
    %dma_start3A_68 = arith.constant 4 : i32
    %dma_start3A_69 = arith.constant 0 : i32
    %dma_start3A_70 = tpu.memref_slice %arg12[%dma_start3A_68, %dma_start3A_69] : memref<96x3xf32, #tpu.memory_space<vmem>> -> memref<1x3xf32, #tpu.memory_space<vmem>>
    %dma_start3A_71 = arith.constant 0 : i32
    %dma_start3A_72 = tpu.memref_slice %arg3[%squeeze3A_67, %dma_start3A_71] : memref<100000x3xf32, #tpu.memory_space<hbm>> -> memref<1x3xf32, #tpu.memory_space<hbm>>
    %dma_start3A_73 = arith.constant 4 : i32
    %dma_start3A_74 = arith.constant 0 : i32
    %dma_start3A_75 = tpu.memref_slice %arg12[%dma_start3A_73, %dma_start3A_74] : memref<96x3xf32, #tpu.memory_space<vmem>> -> memref<1x3xf32, #tpu.memory_space<vmem>>
    %dma_start3A_76 = arith.constant 0 : i32
    %dma_start3A_77 = tpu.memref_slice %arg3[%squeeze3A_67, %dma_start3A_76] : memref<100000x3xf32, #tpu.memory_space<hbm>> -> memref<1x3xf32, #tpu.memory_space<hbm>>
    tpu.enqueue_dma source(%dma_start3A_77 : memref<1x3xf32, #tpu.memory_space<hbm>>) target(%dma_start3A_75 : memref<1x3xf32, #tpu.memory_space<vmem>>) target_semaphore(%arg18 : memref<!tpu.dma_semaphore, #tpu.memory_space<semaphore_mem>>)
    %slice3A_78 = vector.extract_strided_slice %get3A_19 {offsets = [5], sizes = [1], strides = [1]} : vector<16xi32> to vector<1xi32>
    %squeeze3A_79 = vector.extract %slice3A_78[0] : i32 from vector<1xi32>
    %dma_start3A_80 = arith.constant 5 : i32
    %dma_start3A_81 = arith.constant 0 : i32
    %dma_start3A_82 = tpu.memref_slice %arg12[%dma_start3A_80, %dma_start3A_81] : memref<96x3xf32, #tpu.memory_space<vmem>> -> memref<1x3xf32, #tpu.memory_space<vmem>>
    %dma_start3A_83 = arith.constant 0 : i32
    %dma_start3A_84 = tpu.memref_slice %arg3[%squeeze3A_79, %dma_start3A_83] : memref<100000x3xf32, #tpu.memory_space<hbm>> -> memref<1x3xf32, #tpu.memory_space<hbm>>
    %dma_start3A_85 = arith.constant 5 : i32
    %dma_start3A_86 = arith.constant 0 : i32
    %dma_start3A_87 = tpu.memref_slice %arg12[%dma_start3A_85, %dma_start3A_86] : memref<96x3xf32, #tpu.memory_space<vmem>> -> memref<1x3xf32, #tpu.memory_space<vmem>>
    %dma_start3A_88 = arith.constant 0 : i32
    %dma_start3A_89 = tpu.memref_slice %arg3[%squeeze3A_79, %dma_start3A_88] : memref<100000x3xf32, #tpu.memory_space<hbm>> -> memref<1x3xf32, #tpu.memory_space<hbm>>
    tpu.enqueue_dma source(%dma_start3A_89 : memref<1x3xf32, #tpu.memory_space<hbm>>) target(%dma_start3A_87 : memref<1x3xf32, #tpu.memory_space<vmem>>) target_semaphore(%arg18 : memref<!tpu.dma_semaphore, #tpu.memory_space<semaphore_mem>>)
    %slice3A_90 = vector.extract_strided_slice %get3A_19 {offsets = [6], sizes = [1], strides = [1]} : vector<16xi32> to vector<1xi32>
    %squeeze3A_91 = vector.extract %slice3A_90[0] : i32 from vector<1xi32>
    %dma_start3A_92 = arith.constant 6 : i32
    %dma_start3A_93 = arith.constant 0 : i32
    %dma_start3A_94 = tpu.memref_slice %arg12[%dma_start3A_92, %dma_start3A_93] : memref<96x3xf32, #tpu.memory_space<vmem>> -> memref<1x3xf32, #tpu.memory_space<vmem>>
    %dma_start3A_95 = arith.constant 0 : i32
    %dma_start3A_96 = tpu.memref_slice %arg3[%squeeze3A_91, %dma_start3A_95] : memref<100000x3xf32, #tpu.memory_space<hbm>> -> memref<1x3xf32, #tpu.memory_space<hbm>>
    %dma_start3A_97 = arith.constant 6 : i32
    %dma_start3A_98 = arith.constant 0 : i32
    %dma_start3A_99 = tpu.memref_slice %arg12[%dma_start3A_97, %dma_start3A_98] : memref<96x3xf32, #tpu.memory_space<vmem>> -> memref<1x3xf32, #tpu.memory_space<vmem>>
    %dma_start3A_100 = arith.constant 0 : i32
    %dma_start3A_101 = tpu.memref_slice %arg3[%squeeze3A_91, %dma_start3A_100] : memref<100000x3xf32, #tpu.memory_space<hbm>> -> memref<1x3xf32, #tpu.memory_space<hbm>>
    tpu.enqueue_dma source(%dma_start3A_101 : memref<1x3xf32, #tpu.memory_space<hbm>>) target(%dma_start3A_99 : memref<1x3xf32, #tpu.memory_space<vmem>>) target_semaphore(%arg18 : memref<!tpu.dma_semaphore, #tpu.memory_space<semaphore_mem>>)
    %slice3A_102 = vector.extract_strided_slice %get3A_19 {offsets = [7], sizes = [1], strides = [1]} : vector<16xi32> to vector<1xi32>
    %squeeze3A_103 = vector.extract %slice3A_102[0] : i32 from vector<1xi32>
    %dma_start3A_104 = arith.constant 7 : i32
    %dma_start3A_105 = arith.constant 0 : i32
    %dma_start3A_106 = tpu.memref_slice %arg12[%dma_start3A_104, %dma_start3A_105] : memref<96x3xf32, #tpu.memory_space<vmem>> -> memref<1x3xf32, #tpu.memory_space<vmem>>
    %dma_start3A_107 = arith.constant 0 : i32
    %dma_start3A_108 = tpu.memref_slice %arg3[%squeeze3A_103, %dma_start3A_107] : memref<100000x3xf32, #tpu.memory_space<hbm>> -> memref<1x3xf32, #tpu.memory_space<hbm>>
    %dma_start3A_109 = arith.constant 7 : i32
    %dma_start3A_110 = arith.constant 0 : i32
    %dma_start3A_111 = tpu.memref_slice %arg12[%dma_start3A_109, %dma_start3A_110] : memref<96x3xf32, #tpu.memory_space<vmem>> -> memref<1x3xf32, #tpu.memory_space<vmem>>
    %dma_start3A_112 = arith.constant 0 : i32
    %dma_start3A_113 = tpu.memref_slice %arg3[%squeeze3A_103, %dma_start3A_112] : memref<100000x3xf32, #tpu.memory_space<hbm>> -> memref<1x3xf32, #tpu.memory_space<hbm>>
    tpu.enqueue_dma source(%dma_start3A_113 : memref<1x3xf32, #tpu.memory_space<hbm>>) target(%dma_start3A_111 : memref<1x3xf32, #tpu.memory_space<vmem>>) target_semaphore(%arg18 : memref<!tpu.dma_semaphore, #tpu.memory_space<semaphore_mem>>)
    %slice3A_114 = vector.extract_strided_slice %get3A_19 {offsets = [8], sizes = [1], strides = [1]} : vector<16xi32> to vector<1xi32>
    %squeeze3A_115 = vector.extract %slice3A_114[0] : i32 from vector<1xi32>
    %dma_start3A_116 = arith.constant 8 : i32
    %dma_start3A_117 = arith.constant 0 : i32
    %dma_start3A_118 = tpu.memref_slice %arg12[%dma_start3A_116, %dma_start3A_117] : memref<96x3xf32, #tpu.memory_space<vmem>> -> memref<1x3xf32, #tpu.memory_space<vmem>>
    %dma_start3A_119 = arith.constant 0 : i32
    %dma_start3A_120 = tpu.memref_slice %arg3[%squeeze3A_115, %dma_start3A_119] : memref<100000x3xf32, #tpu.memory_space<hbm>> -> memref<1x3xf32, #tpu.memory_space<hbm>>
    %dma_start3A_121 = arith.constant 8 : i32
    %dma_start3A_122 = arith.constant 0 : i32
    %dma_start3A_123 = tpu.memref_slice %arg12[%dma_start3A_121, %dma_start3A_122] : memref<96x3xf32, #tpu.memory_space<vmem>> -> memref<1x3xf32, #tpu.memory_space<vmem>>
    %dma_start3A_124 = arith.constant 0 : i32
    %dma_start3A_125 = tpu.memref_slice %arg3[%squeeze3A_115, %dma_start3A_124] : memref<100000x3xf32, #tpu.memory_space<hbm>> -> memref<1x3xf32, #tpu.memory_space<hbm>>
    tpu.enqueue_dma source(%dma_start3A_125 : memref<1x3xf32, #tpu.memory_space<hbm>>) target(%dma_start3A_123 : memref<1x3xf32, #tpu.memory_space<vmem>>) target_semaphore(%arg18 : memref<!tpu.dma_semaphore, #tpu.memory_space<semaphore_mem>>)
    %slice3A_126 = vector.extract_strided_slice %get3A_19 {offsets = [9], sizes = [1], strides = [1]} : vector<16xi32> to vector<1xi32>
    %squeeze3A_127 = vector.extract %slice3A_126[0] : i32 from vector<1xi32>
    %dma_start3A_128 = arith.constant 9 : i32
    %dma_start3A_129 = arith.constant 0 : i32
    %dma_start3A_130 = tpu.memref_slice %arg12[%dma_start3A_128, %dma_start3A_129] : memref<96x3xf32, #tpu.memory_space<vmem>> -> memref<1x3xf32, #tpu.memory_space<vmem>>
    %dma_start3A_131 = arith.constant 0 : i32
    %dma_start3A_132 = tpu.memref_slice %arg3[%squeeze3A_127, %dma_start3A_131] : memref<100000x3xf32, #tpu.memory_space<hbm>> -> memref<1x3xf32, #tpu.memory_space<hbm>>
    %dma_start3A_133 = arith.constant 9 : i32
    %dma_start3A_134 = arith.constant 0 : i32
    %dma_start3A_135 = tpu.memref_slice %arg12[%dma_start3A_133, %dma_start3A_134] : memref<96x3xf32, #tpu.memory_space<vmem>> -> memref<1x3xf32, #tpu.memory_space<vmem>>
    %dma_start3A_136 = arith.constant 0 : i32
    %dma_start3A_137 = tpu.memref_slice %arg3[%squeeze3A_127, %dma_start3A_136] : memref<100000x3xf32, #tpu.memory_space<hbm>> -> memref<1x3xf32, #tpu.memory_space<hbm>>
    tpu.enqueue_dma source(%dma_start3A_137 : memref<1x3xf32, #tpu.memory_space<hbm>>) target(%dma_start3A_135 : memref<1x3xf32, #tpu.memory_space<vmem>>) target_semaphore(%arg18 : memref<!tpu.dma_semaphore, #tpu.memory_space<semaphore_mem>>)
    %slice3A_138 = vector.extract_strided_slice %get3A_19 {offsets = [10], sizes = [1], strides = [1]} : vector<16xi32> to vector<1xi32>
    %squeeze3A_139 = vector.extract %slice3A_138[0] : i32 from vector<1xi32>
    %dma_start3A_140 = arith.constant 10 : i32
    %dma_start3A_141 = arith.constant 0 : i32
    %dma_start3A_142 = tpu.memref_slice %arg12[%dma_start3A_140, %dma_start3A_141] : memref<96x3xf32, #tpu.memory_space<vmem>> -> memref<1x3xf32, #tpu.memory_space<vmem>>
    %dma_start3A_143 = arith.constant 0 : i32
    %dma_start3A_144 = tpu.memref_slice %arg3[%squeeze3A_139, %dma_start3A_143] : memref<100000x3xf32, #tpu.memory_space<hbm>> -> memref<1x3xf32, #tpu.memory_space<hbm>>
    %dma_start3A_145 = arith.constant 10 : i32
    %dma_start3A_146 = arith.constant 0 : i32
    %dma_start3A_147 = tpu.memref_slice %arg12[%dma_start3A_145, %dma_start3A_146] : memref<96x3xf32, #tpu.memory_space<vmem>> -> memref<1x3xf32, #tpu.memory_space<vmem>>
    %dma_start3A_148 = arith.constant 0 : i32
    %dma_start3A_149 = tpu.memref_slice %arg3[%squeeze3A_139, %dma_start3A_148] : memref<100000x3xf32, #tpu.memory_space<hbm>> -> memref<1x3xf32, #tpu.memory_space<hbm>>
    tpu.enqueue_dma source(%dma_start3A_149 : memref<1x3xf32, #tpu.memory_space<hbm>>) target(%dma_start3A_147 : memref<1x3xf32, #tpu.memory_space<vmem>>) target_semaphore(%arg18 : memref<!tpu.dma_semaphore, #tpu.memory_space<semaphore_mem>>)
    %slice3A_150 = vector.extract_strided_slice %get3A_19 {offsets = [11], sizes = [1], strides = [1]} : vector<16xi32> to vector<1xi32>
    %squeeze3A_151 = vector.extract %slice3A_150[0] : i32 from vector<1xi32>
    %dma_start3A_152 = arith.constant 11 : i32
    %dma_start3A_153 = arith.constant 0 : i32
    %dma_start3A_154 = tpu.memref_slice %arg12[%dma_start3A_152, %dma_start3A_153] : memref<96x3xf32, #tpu.memory_space<vmem>> -> memref<1x3xf32, #tpu.memory_space<vmem>>
    %dma_start3A_155 = arith.constant 0 : i32
    %dma_start3A_156 = tpu.memref_slice %arg3[%squeeze3A_151, %dma_start3A_155] : memref<100000x3xf32, #tpu.memory_space<hbm>> -> memref<1x3xf32, #tpu.memory_space<hbm>>
    %dma_start3A_157 = arith.constant 11 : i32
    %dma_start3A_158 = arith.constant 0 : i32
    %dma_start3A_159 = tpu.memref_slice %arg12[%dma_start3A_157, %dma_start3A_158] : memref<96x3xf32, #tpu.memory_space<vmem>> -> memref<1x3xf32, #tpu.memory_space<vmem>>
    %dma_start3A_160 = arith.constant 0 : i32
    %dma_start3A_161 = tpu.memref_slice %arg3[%squeeze3A_151, %dma_start3A_160] : memref<100000x3xf32, #tpu.memory_space<hbm>> -> memref<1x3xf32, #tpu.memory_space<hbm>>
    tpu.enqueue_dma source(%dma_start3A_161 : memref<1x3xf32, #tpu.memory_space<hbm>>) target(%dma_start3A_159 : memref<1x3xf32, #tpu.memory_space<vmem>>) target_semaphore(%arg18 : memref<!tpu.dma_semaphore, #tpu.memory_space<semaphore_mem>>)
    %slice3A_162 = vector.extract_strided_slice %get3A_19 {offsets = [12], sizes = [1], strides = [1]} : vector<16xi32> to vector<1xi32>
    %squeeze3A_163 = vector.extract %slice3A_162[0] : i32 from vector<1xi32>
    %dma_start3A_164 = arith.constant 12 : i32
    %dma_start3A_165 = arith.constant 0 : i32
    %dma_start3A_166 = tpu.memref_slice %arg12[%dma_start3A_164, %dma_start3A_165] : memref<96x3xf32, #tpu.memory_space<vmem>> -> memref<1x3xf32, #tpu.memory_space<vmem>>
    %dma_start3A_167 = arith.constant 0 : i32
    %dma_start3A_168 = tpu.memref_slice %arg3[%squeeze3A_163, %dma_start3A_167] : memref<100000x3xf32, #tpu.memory_space<hbm>> -> memref<1x3xf32, #tpu.memory_space<hbm>>
    %dma_start3A_169 = arith.constant 12 : i32
    %dma_start3A_170 = arith.constant 0 : i32
    %dma_start3A_171 = tpu.memref_slice %arg12[%dma_start3A_169, %dma_start3A_170] : memref<96x3xf32, #tpu.memory_space<vmem>> -> memref<1x3xf32, #tpu.memory_space<vmem>>
    %dma_start3A_172 = arith.constant 0 : i32
    %dma_start3A_173 = tpu.memref_slice %arg3[%squeeze3A_163, %dma_start3A_172] : memref<100000x3xf32, #tpu.memory_space<hbm>> -> memref<1x3xf32, #tpu.memory_space<hbm>>
    tpu.enqueue_dma source(%dma_start3A_173 : memref<1x3xf32, #tpu.memory_space<hbm>>) target(%dma_start3A_171 : memref<1x3xf32, #tpu.memory_space<vmem>>) target_semaphore(%arg18 : memref<!tpu.dma_semaphore, #tpu.memory_space<semaphore_mem>>)
    %slice3A_174 = vector.extract_strided_slice %get3A_19 {offsets = [13], sizes = [1], strides = [1]} : vector<16xi32> to vector<1xi32>
    %squeeze3A_175 = vector.extract %slice3A_174[0] : i32 from vector<1xi32>
    %dma_start3A_176 = arith.constant 13 : i32
    %dma_start3A_177 = arith.constant 0 : i32
    %dma_start3A_178 = tpu.memref_slice %arg12[%dma_start3A_176, %dma_start3A_177] : memref<96x3xf32, #tpu.memory_space<vmem>> -> memref<1x3xf32, #tpu.memory_space<vmem>>
    %dma_start3A_179 = arith.constant 0 : i32
    %dma_start3A_180 = tpu.memref_slice %arg3[%squeeze3A_175, %dma_start3A_179] : memref<100000x3xf32, #tpu.memory_space<hbm>> -> memref<1x3xf32, #tpu.memory_space<hbm>>
    %dma_start3A_181 = arith.constant 13 : i32
    %dma_start3A_182 = arith.constant 0 : i32
    %dma_start3A_183 = tpu.memref_slice %arg12[%dma_start3A_181, %dma_start3A_182] : memref<96x3xf32, #tpu.memory_space<vmem>> -> memref<1x3xf32, #tpu.memory_space<vmem>>
    %dma_start3A_184 = arith.constant 0 : i32
    %dma_start3A_185 = tpu.memref_slice %arg3[%squeeze3A_175, %dma_start3A_184] : memref<100000x3xf32, #tpu.memory_space<hbm>> -> memref<1x3xf32, #tpu.memory_space<hbm>>
    tpu.enqueue_dma source(%dma_start3A_185 : memref<1x3xf32, #tpu.memory_space<hbm>>) target(%dma_start3A_183 : memref<1x3xf32, #tpu.memory_space<vmem>>) target_semaphore(%arg18 : memref<!tpu.dma_semaphore, #tpu.memory_space<semaphore_mem>>)
    %slice3A_186 = vector.extract_strided_slice %get3A_19 {offsets = [14], sizes = [1], strides = [1]} : vector<16xi32> to vector<1xi32>
    %squeeze3A_187 = vector.extract %slice3A_186[0] : i32 from vector<1xi32>
    %dma_start3A_188 = arith.constant 14 : i32
    %dma_start3A_189 = arith.constant 0 : i32
    %dma_start3A_190 = tpu.memref_slice %arg12[%dma_start3A_188, %dma_start3A_189] : memref<96x3xf32, #tpu.memory_space<vmem>> -> memref<1x3xf32, #tpu.memory_space<vmem>>
    %dma_start3A_191 = arith.constant 0 : i32
    %dma_start3A_192 = tpu.memref_slice %arg3[%squeeze3A_187, %dma_start3A_191] : memref<100000x3xf32, #tpu.memory_space<hbm>> -> memref<1x3xf32, #tpu.memory_space<hbm>>
    %dma_start3A_193 = arith.constant 14 : i32
    %dma_start3A_194 = arith.constant 0 : i32
    %dma_start3A_195 = tpu.memref_slice %arg12[%dma_start3A_193, %dma_start3A_194] : memref<96x3xf32, #tpu.memory_space<vmem>> -> memref<1x3xf32, #tpu.memory_space<vmem>>
    %dma_start3A_196 = arith.constant 0 : i32
    %dma_start3A_197 = tpu.memref_slice %arg3[%squeeze3A_187, %dma_start3A_196] : memref<100000x3xf32, #tpu.memory_space<hbm>> -> memref<1x3xf32, #tpu.memory_space<hbm>>
    tpu.enqueue_dma source(%dma_start3A_197 : memref<1x3xf32, #tpu.memory_space<hbm>>) target(%dma_start3A_195 : memref<1x3xf32, #tpu.memory_space<vmem>>) target_semaphore(%arg18 : memref<!tpu.dma_semaphore, #tpu.memory_space<semaphore_mem>>)
    %slice3A_198 = vector.extract_strided_slice %get3A_19 {offsets = [15], sizes = [1], strides = [1]} : vector<16xi32> to vector<1xi32>
    %squeeze3A_199 = vector.extract %slice3A_198[0] : i32 from vector<1xi32>
    %dma_start3A_200 = arith.constant 15 : i32
    %dma_start3A_201 = arith.constant 0 : i32
    %dma_start3A_202 = tpu.memref_slice %arg12[%dma_start3A_200, %dma_start3A_201] : memref<96x3xf32, #tpu.memory_space<vmem>> -> memref<1x3xf32, #tpu.memory_space<vmem>>
    %dma_start3A_203 = arith.constant 0 : i32
    %dma_start3A_204 = tpu.memref_slice %arg3[%squeeze3A_199, %dma_start3A_203] : memref<100000x3xf32, #tpu.memory_space<hbm>> -> memref<1x3xf32, #tpu.memory_space<hbm>>
    %dma_start3A_205 = arith.constant 15 : i32
    %dma_start3A_206 = arith.constant 0 : i32
    %dma_start3A_207 = tpu.memref_slice %arg12[%dma_start3A_205, %dma_start3A_206] : memref<96x3xf32, #tpu.memory_space<vmem>> -> memref<1x3xf32, #tpu.memory_space<vmem>>
    %dma_start3A_208 = arith.constant 0 : i32
    %dma_start3A_209 = tpu.memref_slice %arg3[%squeeze3A_199, %dma_start3A_208] : memref<100000x3xf32, #tpu.memory_space<hbm>> -> memref<1x3xf32, #tpu.memory_space<hbm>>
    tpu.enqueue_dma source(%dma_start3A_209 : memref<1x3xf32, #tpu.memory_space<hbm>>) target(%dma_start3A_207 : memref<1x3xf32, #tpu.memory_space<vmem>>) target_semaphore(%arg18 : memref<!tpu.dma_semaphore, #tpu.memory_space<semaphore_mem>>)
    %get3A_210 = arith.constant 16 : index
    %get3A_211 = tpu.vector_load %arg9[%get3A_210] {strides = array<i32>} : memref<96xi32, #tpu.memory_space<vmem>>, vector<16xi32>,
    %get3A_212 = vector.shape_cast %get3A_211 : vector<16xi32> to vector<16xi32>
    %slice3A_213 = vector.extract_strided_slice %get3A_212 {offsets = [0], sizes = [1], strides = [1]} : vector<16xi32> to vector<1xi32>
    %squeeze3A_214 = vector.extract %slice3A_213[0] : i32 from vector<1xi32>
    %dma_start3A_215 = arith.constant 16 : i32
    %dma_start3A_216 = arith.constant 0 : i32
    %dma_start3A_217 = tpu.memref_slice %arg12[%dma_start3A_215, %dma_start3A_216] : memref<96x3xf32, #tpu.memory_space<vmem>> -> memref<1x3xf32, #tpu.memory_space<vmem>>
    %dma_start3A_218 = arith.constant 0 : i32
    %dma_start3A_219 = tpu.memref_slice %arg3[%squeeze3A_214, %dma_start3A_218] : memref<100000x3xf32, #tpu.memory_space<hbm>> -> memref<1x3xf32, #tpu.memory_space<hbm>>
    %dma_start3A_220 = arith.constant 16 : i32
    %dma_start3A_221 = arith.constant 0 : i32
    %dma_start3A_222 = tpu.memref_slice %arg12[%dma_start3A_220, %dma_start3A_221] : memref<96x3xf32, #tpu.memory_space<vmem>> -> memref<1x3xf32, #tpu.memory_space<vmem>>
    %dma_start3A_223 = arith.constant 0 : i32
    %dma_start3A_224 = tpu.memref_slice %arg3[%squeeze3A_214, %dma_start3A_223] : memref<100000x3xf32, #tpu.memory_space<hbm>> -> memref<1x3xf32, #tpu.memory_space<hbm>>
    tpu.enqueue_dma source(%dma_start3A_224 : memref<1x3xf32, #tpu.memory_space<hbm>>) target(%dma_start3A_222 : memref<1x3xf32, #tpu.memory_space<vmem>>) target_semaphore(%arg18 : memref<!tpu.dma_semaphore, #tpu.memory_space<semaphore_mem>>)
    %slice3A_225 = vector.extract_strided_slice %get3A_212 {offsets = [1], sizes = [1], strides = [1]} : vector<16xi32> to vector<1xi32>
    %squeeze3A_226 = vector.extract %slice3A_225[0] : i32 from vector<1xi32>
    %dma_start3A_227 = arith.constant 17 : i32
    %dma_start3A_228 = arith.constant 0 : i32
    %dma_start3A_229 = tpu.memref_slice %arg12[%dma_start3A_227, %dma_start3A_228] : memref<96x3xf32, #tpu.memory_space<vmem>> -> memref<1x3xf32, #tpu.memory_space<vmem>>
    %dma_start3A_230 = arith.constant 0 : i32
    %dma_start3A_231 = tpu.memref_slice %arg3[%squeeze3A_226, %dma_start3A_230] : memref<100000x3xf32, #tpu.memory_space<hbm>> -> memref<1x3xf32, #tpu.memory_space<hbm>>
    %dma_start3A_232 = arith.constant 17 : i32
    %dma_start3A_233 = arith.constant 0 : i32
    %dma_start3A_234 = tpu.memref_slice %arg12[%dma_start3A_232, %dma_start3A_233] : memref<96x3xf32, #tpu.memory_space<vmem>> -> memref<1x3xf32, #tpu.memory_space<vmem>>
    %dma_start3A_235 = arith.constant 0 : i32
    %dma_start3A_236 = tpu.memref_slice %arg3[%squeeze3A_226, %dma_start3A_235] : memref<100000x3xf32, #tpu.memory_space<hbm>> -> memref<1x3xf32, #tpu.memory_space<hbm>>
    tpu.enqueue_dma source(%dma_start3A_236 : memref<1x3xf32, #tpu.memory_space<hbm>>) target(%dma_start3A_234 : memref<1x3xf32, #tpu.memory_space<vmem>>) target_semaphore(%arg18 : memref<!tpu.dma_semaphore, #tpu.memory_space<semaphore_mem>>)
    %slice3A_237 = vector.extract_strided_slice %get3A_212 {offsets = [2], sizes = [1], strides = [1]} : vector<16xi32> to vector<1xi32>
    %squeeze3A_238 = vector.extract %slice3A_237[0] : i32 from vector<1xi32>
    %dma_start3A_239 = arith.constant 18 : i32
    %dma_start3A_240 = arith.constant 0 : i32
    %dma_start3A_241 = tpu.memref_slice %arg12[%dma_start3A_239, %dma_start3A_240] : memref<96x3xf32, #tpu.memory_space<vmem>> -> memref<1x3xf32, #tpu.memory_space<vmem>>
    %dma_start3A_242 = arith.constant 0 : i32
    %dma_start3A_243 = tpu.memref_slice %arg3[%squeeze3A_238, %dma_start3A_242] : memref<100000x3xf32, #tpu.memory_space<hbm>> -> memref<1x3xf32, #tpu.memory_space<hbm>>
    %dma_start3A_244 = arith.constant 18 : i32
    %dma_start3A_245 = arith.constant 0 : i32
    %dma_start3A_246 = tpu.memref_slice %arg12[%dma_start3A_244, %dma_start3A_245] : memref<96x3xf32, #tpu.memory_space<vmem>> -> memref<1x3xf32, #tpu.memory_space<vmem>>
    %dma_start3A_247 = arith.constant 0 : i32
    %dma_start3A_248 = tpu.memref_slice %arg3[%squeeze3A_238, %dma_start3A_247] : memref<100000x3xf32, #tpu.memory_space<hbm>> -> memref<1x3xf32, #tpu.memory_space<hbm>>
    tpu.enqueue_dma source(%dma_start3A_248 : memref<1x3xf32, #tpu.memory_space<hbm>>) target(%dma_start3A_246 : memref<1x3xf32, #tpu.memory_space<vmem>>) target_semaphore(%arg18 : memref<!tpu.dma_semaphore, #tpu.memory_space<semaphore_mem>>)
    %slice3A_249 = vector.extract_strided_slice %get3A_212 {offsets = [3], sizes = [1], strides = [1]} : vector<16xi32> to vector<1xi32>
    %squeeze3A_250 = vector.extract %slice3A_249[0] : i32 from vector<1xi32>
    %dma_start3A_251 = arith.constant 19 : i32
    %dma_start3A_252 = arith.constant 0 : i32
    %dma_start3A_253 = tpu.memref_slice %arg12[%dma_start3A_251, %dma_start3A_252] : memref<96x3xf32, #tpu.memory_space<vmem>> -> memref<1x3xf32, #tpu.memory_space<vmem>>
    %dma_start3A_254 = arith.constant 0 : i32
    %dma_start3A_255 = tpu.memref_slice %arg3[%squeeze3A_250, %dma_start3A_254] : memref<100000x3xf32, #tpu.memory_space<hbm>> -> memref<1x3xf32, #tpu.memory_space<hbm>>
    %dma_start3A_256 = arith.constant 19 : i32
    %dma_start3A_257 = arith.constant 0 : i32
    %dma_start3A_258 = tpu.memref_slice %arg12[%dma_start3A_256, %dma_start3A_257] : memref<96x3xf32, #tpu.memory_space<vmem>> -> memref<1x3xf32, #tpu.memory_space<vmem>>
    %dma_start3A_259 = arith.constant 0 : i32
    %dma_start3A_260 = tpu.memref_slice %arg3[%squeeze3A_250, %dma_start3A_259] : memref<100000x3xf32, #tpu.memory_space<hbm>> -> memref<1x3xf32, #tpu.memory_space<hbm>>
    tpu.enqueue_dma source(%dma_start3A_260 : memref<1x3xf32, #tpu.memory_space<hbm>>) target(%dma_start3A_258 : memref<1x3xf32, #tpu.memory_space<vmem>>) target_semaphore(%arg18 : memref<!tpu.dma_semaphore, #tpu.memory_space<semaphore_mem>>)
    %slice3A_261 = vector.extract_strided_slice %get3A_212 {offsets = [4], sizes = [1], strides = [1]} : vector<16xi32> to vector<1xi32>
    %squeeze3A_262 = vector.extract %slice3A_261[0] : i32 from vector<1xi32>
    %dma_start3A_263 = arith.constant 20 : i32
    %dma_start3A_264 = arith.constant 0 : i32
    %dma_start3A_265 = tpu.memref_slice %arg12[%dma_start3A_263, %dma_start3A_264] : memref<96x3xf32, #tpu.memory_space<vmem>> -> memref<1x3xf32, #tpu.memory_space<vmem>>
    %dma_start3A_266 = arith.constant 0 : i32
    %dma_start3A_267 = tpu.memref_slice %arg3[%squeeze3A_262, %dma_start3A_266] : memref<100000x3xf32, #tpu.memory_space<hbm>> -> memref<1x3xf32, #tpu.memory_space<hbm>>
    %dma_start3A_268 = arith.constant 20 : i32
    %dma_start3A_269 = arith.constant 0 : i32
    %dma_start3A_270 = tpu.memref_slice %arg12[%dma_start3A_268, %dma_start3A_269] : memref<96x3xf32, #tpu.memory_space<vmem>> -> memref<1x3xf32, #tpu.memory_space<vmem>>
    %dma_start3A_271 = arith.constant 0 : i32
    %dma_start3A_272 = tpu.memref_slice %arg3[%squeeze3A_262, %dma_start3A_271] : memref<100000x3xf32, #tpu.memory_space<hbm>> -> memref<1x3xf32, #tpu.memory_space<hbm>>
    tpu.enqueue_dma source(%dma_start3A_272 : memref<1x3xf32, #tpu.memory_space<hbm>>) target(%dma_start3A_270 : memref<1x3xf32, #tpu.memory_space<vmem>>) target_semaphore(%arg18 : memref<!tpu.dma_semaphore, #tpu.memory_space<semaphore_mem>>)
    %slice3A_273 = vector.extract_strided_slice %get3A_212 {offsets = [5], sizes = [1], strides = [1]} : vector<16xi32> to vector<1xi32>
    %squeeze3A_274 = vector.extract %slice3A_273[0] : i32 from vector<1xi32>
    %dma_start3A_275 = arith.constant 21 : i32
    %dma_start3A_276 = arith.constant 0 : i32
    %dma_start3A_277 = tpu.memref_slice %arg12[%dma_start3A_275, %dma_start3A_276] : memref<96x3xf32, #tpu.memory_space<vmem>> -> memref<1x3xf32, #tpu.memory_space<vmem>>
    %dma_start3A_278 = arith.constant 0 : i32
    %dma_start3A_279 = tpu.memref_slice %arg3[%squeeze3A_274, %dma_start3A_278] : memref<100000x3xf32, #tpu.memory_space<hbm>> -> memref<1x3xf32, #tpu.memory_space<hbm>>
    %dma_start3A_280 = arith.constant 21 : i32
    %dma_start3A_281 = arith.constant 0 : i32
    %dma_start3A_282 = tpu.memref_slice %arg12[%dma_start3A_280, %dma_start3A_281] : memref<96x3xf32, #tpu.memory_space<vmem>> -> memref<1x3xf32, #tpu.memory_space<vmem>>
    %dma_start3A_283 = arith.constant 0 : i32
    %dma_start3A_284 = tpu.memref_slice %arg3[%squeeze3A_274, %dma_start3A_283] : memref<100000x3xf32, #tpu.memory_space<hbm>> -> memref<1x3xf32, #tpu.memory_space<hbm>>
    tpu.enqueue_dma source(%dma_start3A_284 : memref<1x3xf32, #tpu.memory_space<hbm>>) target(%dma_start3A_282 : memref<1x3xf32, #tpu.memory_space<vmem>>) target_semaphore(%arg18 : memref<!tpu.dma_semaphore, #tpu.memory_space<semaphore_mem>>)
    %slice3A_285 = vector.extract_strided_slice %get3A_212 {offsets = [6], sizes = [1], strides = [1]} : vector<16xi32> to vector<1xi32>
    %squeeze3A_286 = vector.extract %slice3A_285[0] : i32 from vector<1xi32>
    %dma_start3A_287 = arith.constant 22 : i32
    %dma_start3A_288 = arith.constant 0 : i32
    %dma_start3A_289 = tpu.memref_slice %arg12[%dma_start3A_287, %dma_start3A_288] : memref<96x3xf32, #tpu.memory_space<vmem>> -> memref<1x3xf32, #tpu.memory_space<vmem>>
    %dma_start3A_290 = arith.constant 0 : i32
    %dma_start3A_291 = tpu.memref_slice %arg3[%squeeze3A_286, %dma_start3A_290] : memref<100000x3xf32, #tpu.memory_space<hbm>> -> memref<1x3xf32, #tpu.memory_space<hbm>>
    %dma_start3A_292 = arith.constant 22 : i32
    %dma_start3A_293 = arith.constant 0 : i32
    %dma_start3A_294 = tpu.memref_slice %arg12[%dma_start3A_292, %dma_start3A_293] : memref<96x3xf32, #tpu.memory_space<vmem>> -> memref<1x3xf32, #tpu.memory_space<vmem>>
    %dma_start3A_295 = arith.constant 0 : i32
    %dma_start3A_296 = tpu.memref_slice %arg3[%squeeze3A_286, %dma_start3A_295] : memref<100000x3xf32, #tpu.memory_space<hbm>> -> memref<1x3xf32, #tpu.memory_space<hbm>>
    tpu.enqueue_dma source(%dma_start3A_296 : memref<1x3xf32, #tpu.memory_space<hbm>>) target(%dma_start3A_294 : memref<1x3xf32, #tpu.memory_space<vmem>>) target_semaphore(%arg18 : memref<!tpu.dma_semaphore, #tpu.memory_space<semaphore_mem>>)
    %slice3A_297 = vector.extract_strided_slice %get3A_212 {offsets = [7], sizes = [1], strides = [1]} : vector<16xi32> to vector<1xi32>
    %squeeze3A_298 = vector.extract %slice3A_297[0] : i32 from vector<1xi32>
    %dma_start3A_299 = arith.constant 23 : i32
    %dma_start3A_300 = arith.constant 0 : i32
    %dma_start3A_301 = tpu.memref_slice %arg12[%dma_start3A_299, %dma_start3A_300] : memref<96x3xf32, #tpu.memory_space<vmem>> -> memref<1x3xf32, #tpu.memory_space<vmem>>
    %dma_start3A_302 = arith.constant 0 : i32
    %dma_start3A_303 = tpu.memref_slice %arg3[%squeeze3A_298, %dma_start3A_302] : memref<100000x3xf32, #tpu.memory_space<hbm>> -> memref<1x3xf32, #tpu.memory_space<hbm>>
    %dma_start3A_304 = arith.constant 23 : i32
    %dma_start3A_305 = arith.constant 0 : i32
    %dma_start3A_306 = tpu.memref_slice %arg12[%dma_start3A_304, %dma_start3A_305] : memref<96x3xf32, #tpu.memory_space<vmem>> -> memref<1x3xf32, #tpu.memory_space<vmem>>
    %dma_start3A_307 = arith.constant 0 : i32
    %dma_start3A_308 = tpu.memref_slice %arg3[%squeeze3A_298, %dma_start3A_307] : memref<100000x3xf32, #tpu.memory_space<hbm>> -> memref<1x3xf32, #tpu.memory_space<hbm>>
    tpu.enqueue_dma source(%dma_start3A_308 : memref<1x3xf32, #tpu.memory_space<hbm>>) target(%dma_start3A_306 : memref<1x3xf32, #tpu.memory_space<vmem>>) target_semaphore(%arg18 : memref<!tpu.dma_semaphore, #tpu.memory_space<semaphore_mem>>)
    %slice3A_309 = vector.extract_strided_slice %get3A_212 {offsets = [8], sizes = [1], strides = [1]} : vector<16xi32> to vector<1xi32>
    %squeeze3A_310 = vector.extract %slice3A_309[0] : i32 from vector<1xi32>
    %dma_start3A_311 = arith.constant 24 : i32
    %dma_start3A_312 = arith.constant 0 : i32
    %dma_start3A_313 = tpu.memref_slice %arg12[%dma_start3A_311, %dma_start3A_312] : memref<96x3xf32, #tpu.memory_space<vmem>> -> memref<1x3xf32, #tpu.memory_space<vmem>>
    %dma_start3A_314 = arith.constant 0 : i32
    %dma_start3A_315 = tpu.memref_slice %arg3[%squeeze3A_310, %dma_start3A_314] : memref<100000x3xf32, #tpu.memory_space<hbm>> -> memref<1x3xf32, #tpu.memory_space<hbm>>
    %dma_start3A_316 = arith.constant 24 : i32
    %dma_start3A_317 = arith.constant 0 : i32
    %dma_start3A_318 = tpu.memref_slice %arg12[%dma_start3A_316, %dma_start3A_317] : memref<96x3xf32, #tpu.memory_space<vmem>> -> memref<1x3xf32, #tpu.memory_space<vmem>>
    %dma_start3A_319 = arith.constant 0 : i32
    %dma_start3A_320 = tpu.memref_slice %arg3[%squeeze3A_310, %dma_start3A_319] : memref<100000x3xf32, #tpu.memory_space<hbm>> -> memref<1x3xf32, #tpu.memory_space<hbm>>
    tpu.enqueue_dma source(%dma_start3A_320 : memref<1x3xf32, #tpu.memory_space<hbm>>) target(%dma_start3A_318 : memref<1x3xf32, #tpu.memory_space<vmem>>) target_semaphore(%arg18 : memref<!tpu.dma_semaphore, #tpu.memory_space<semaphore_mem>>)
    %slice3A_321 = vector.extract_strided_slice %get3A_212 {offsets = [9], sizes = [1], strides = [1]} : vector<16xi32> to vector<1xi32>
    %squeeze3A_322 = vector.extract %slice3A_321[0] : i32 from vector<1xi32>
    %dma_start3A_323 = arith.constant 25 : i32
    %dma_start3A_324 = arith.constant 0 : i32
    %dma_start3A_325 = tpu.memref_slice %arg12[%dma_start3A_323, %dma_start3A_324] : memref<96x3xf32, #tpu.memory_space<vmem>> -> memref<1x3xf32, #tpu.memory_space<vmem>>
    %dma_start3A_326 = arith.constant 0 : i32
    %dma_start3A_327 = tpu.memref_slice %arg3[%squeeze3A_322, %dma_start3A_326] : memref<100000x3xf32, #tpu.memory_space<hbm>> -> memref<1x3xf32, #tpu.memory_space<hbm>>
    %dma_start3A_328 = arith.constant 25 : i32
    %dma_start3A_329 = arith.constant 0 : i32
    %dma_start3A_330 = tpu.memref_slice %arg12[%dma_start3A_328, %dma_start3A_329] : memref<96x3xf32, #tpu.memory_space<vmem>> -> memref<1x3xf32, #tpu.memory_space<vmem>>
    %dma_start3A_331 = arith.constant 0 : i32
    %dma_start3A_332 = tpu.memref_slice %arg3[%squeeze3A_322, %dma_start3A_331] : memref<100000x3xf32, #tpu.memory_space<hbm>> -> memref<1x3xf32, #tpu.memory_space<hbm>>
    tpu.enqueue_dma source(%dma_start3A_332 : memref<1x3xf32, #tpu.memory_space<hbm>>) target(%dma_start3A_330 : memref<1x3xf32, #tpu.memory_space<vmem>>) target_semaphore(%arg18 : memref<!tpu.dma_semaphore, #tpu.memory_space<semaphore_mem>>)
    %slice3A_333 = vector.extract_strided_slice %get3A_212 {offsets = [10], sizes = [1], strides = [1]} : vector<16xi32> to vector<1xi32>
    %squeeze3A_334 = vector.extract %slice3A_333[0] : i32 from vector<1xi32>
    %dma_start3A_335 = arith.constant 26 : i32
    %dma_start3A_336 = arith.constant 0 : i32
    %dma_start3A_337 = tpu.memref_slice %arg12[%dma_start3A_335, %dma_start3A_336] : memref<96x3xf32, #tpu.memory_space<vmem>> -> memref<1x3xf32, #tpu.memory_space<vmem>>
    %dma_start3A_338 = arith.constant 0 : i32
    %dma_start3A_339 = tpu.memref_slice %arg3[%squeeze3A_334, %dma_start3A_338] : memref<100000x3xf32, #tpu.memory_space<hbm>> -> memref<1x3xf32, #tpu.memory_space<hbm>>
    %dma_start3A_340 = arith.constant 26 : i32
    %dma_start3A_341 = arith.constant 0 : i32
    %dma_start3A_342 = tpu.memref_slice %arg12[%dma_start3A_340, %dma_start3A_341] : memref<96x3xf32, #tpu.memory_space<vmem>> -> memref<1x3xf32, #tpu.memory_space<vmem>>
    %dma_start3A_343 = arith.constant 0 : i32
    %dma_start3A_344 = tpu.memref_slice %arg3[%squeeze3A_334, %dma_start3A_343] : memref<100000x3xf32, #tpu.memory_space<hbm>> -> memref<1x3xf32, #tpu.memory_space<hbm>>
    tpu.enqueue_dma source(%dma_start3A_344 : memref<1x3xf32, #tpu.memory_space<hbm>>) target(%dma_start3A_342 : memref<1x3xf32, #tpu.memory_space<vmem>>) target_semaphore(%arg18 : memref<!tpu.dma_semaphore, #tpu.memory_space<semaphore_mem>>)
    %slice3A_345 = vector.extract_strided_slice %get3A_212 {offsets = [11], sizes = [1], strides = [1]} : vector<16xi32> to vector<1xi32>
    %squeeze3A_346 = vector.extract %slice3A_345[0] : i32 from vector<1xi32>
    %dma_start3A_347 = arith.constant 27 : i32
    %dma_start3A_348 = arith.constant 0 : i32
    %dma_start3A_349 = tpu.memref_slice %arg12[%dma_start3A_347, %dma_start3A_348] : memref<96x3xf32, #tpu.memory_space<vmem>> -> memref<1x3xf32, #tpu.memory_space<vmem>>
    %dma_start3A_350 = arith.constant 0 : i32
    %dma_start3A_351 = tpu.memref_slice %arg3[%squeeze3A_346, %dma_start3A_350] : memref<100000x3xf32, #tpu.memory_space<hbm>> -> memref<1x3xf32, #tpu.memory_space<hbm>>
    %dma_start3A_352 = arith.constant 27 : i32
    %dma_start3A_353 = arith.constant 0 : i32
    %dma_start3A_354 = tpu.memref_slice %arg12[%dma_start3A_352, %dma_start3A_353] : memref<96x3xf32, #tpu.memory_space<vmem>> -> memref<1x3xf32, #tpu.memory_space<vmem>>
    %dma_start3A_355 = arith.constant 0 : i32
    %dma_start3A_356 = tpu.memref_slice %arg3[%squeeze3A_346, %dma_start3A_355] : memref<100000x3xf32, #tpu.memory_space<hbm>> -> memref<1x3xf32, #tpu.memory_space<hbm>>
    tpu.enqueue_dma source(%dma_start3A_356 : memref<1x3xf32, #tpu.memory_space<hbm>>) target(%dma_start3A_354 : memref<1x3xf32, #tpu.memory_space<vmem>>) target_semaphore(%arg18 : memref<!tpu.dma_semaphore, #tpu.memory_space<semaphore_mem>>)
    %slice3A_357 = vector.extract_strided_slice %get3A_212 {offsets = [12], sizes = [1], strides = [1]} : vector<16xi32> to vector<1xi32>
    %squeeze3A_358 = vector.extract %slice3A_357[0] : i32 from vector<1xi32>
    %dma_start3A_359 = arith.constant 28 : i32
    %dma_start3A_360 = arith.constant 0 : i32
    %dma_start3A_361 = tpu.memref_slice %arg12[%dma_start3A_359, %dma_start3A_360] : memref<96x3xf32, #tpu.memory_space<vmem>> -> memref<1x3xf32, #tpu.memory_space<vmem>>
    %dma_start3A_362 = arith.constant 0 : i32
    %dma_start3A_363 = tpu.memref_slice %arg3[%squeeze3A_358, %dma_start3A_362] : memref<100000x3xf32, #tpu.memory_space<hbm>> -> memref<1x3xf32, #tpu.memory_space<hbm>>
    %dma_start3A_364 = arith.constant 28 : i32
    %dma_start3A_365 = arith.constant 0 : i32
    %dma_start3A_366 = tpu.memref_slice %arg12[%dma_start3A_364, %dma_start3A_365] : memref<96x3xf32, #tpu.memory_space<vmem>> -> memref<1x3xf32, #tpu.memory_space<vmem>>
    %dma_start3A_367 = arith.constant 0 : i32
    %dma_start3A_368 = tpu.memref_slice %arg3[%squeeze3A_358, %dma_start3A_367] : memref<100000x3xf32, #tpu.memory_space<hbm>> -> memref<1x3xf32, #tpu.memory_space<hbm>>
    tpu.enqueue_dma source(%dma_start3A_368 : memref<1x3xf32, #tpu.memory_space<hbm>>) target(%dma_start3A_366 : memref<1x3xf32, #tpu.memory_space<vmem>>) target_semaphore(%arg18 : memref<!tpu.dma_semaphore, #tpu.memory_space<semaphore_mem>>)
    %slice3A_369 = vector.extract_strided_slice %get3A_212 {offsets = [13], sizes = [1], strides = [1]} : vector<16xi32> to vector<1xi32>
    %squeeze3A_370 = vector.extract %slice3A_369[0] : i32 from vector<1xi32>
    %dma_start3A_371 = arith.constant 29 : i32
    %dma_start3A_372 = arith.constant 0 : i32
    %dma_start3A_373 = tpu.memref_slice %arg12[%dma_start3A_371, %dma_start3A_372] : memref<96x3xf32, #tpu.memory_space<vmem>> -> memref<1x3xf32, #tpu.memory_space<vmem>>
    %dma_start3A_374 = arith.constant 0 : i32
    %dma_start3A_375 = tpu.memref_slice %arg3[%squeeze3A_370, %dma_start3A_374] : memref<100000x3xf32, #tpu.memory_space<hbm>> -> memref<1x3xf32, #tpu.memory_space<hbm>>
    %dma_start3A_376 = arith.constant 29 : i32
    %dma_start3A_377 = arith.constant 0 : i32
    %dma_start3A_378 = tpu.memref_slice %arg12[%dma_start3A_376, %dma_start3A_377] : memref<96x3xf32, #tpu.memory_space<vmem>> -> memref<1x3xf32, #tpu.memory_space<vmem>>
    %dma_start3A_379 = arith.constant 0 : i32
    %dma_start3A_380 = tpu.memref_slice %arg3[%squeeze3A_370, %dma_start3A_379] : memref<100000x3xf32, #tpu.memory_space<hbm>> -> memref<1x3xf32, #tpu.memory_space<hbm>>
    tpu.enqueue_dma source(%dma_start3A_380 : memref<1x3xf32, #tpu.memory_space<hbm>>) target(%dma_start3A_378 : memref<1x3xf32, #tpu.memory_space<vmem>>) target_semaphore(%arg18 : memref<!tpu.dma_semaphore, #tpu.memory_space<semaphore_mem>>)
    %slice3A_381 = vector.extract_strided_slice %get3A_212 {offsets = [14], sizes = [1], strides = [1]} : vector<16xi32> to vector<1xi32>
    %squeeze3A_382 = vector.extract %slice3A_381[0] : i32 from vector<1xi32>
    %dma_start3A_383 = arith.constant 30 : i32
    %dma_start3A_384 = arith.constant 0 : i32
    %dma_start3A_385 = tpu.memref_slice %arg12[%dma_start3A_383, %dma_start3A_384] : memref<96x3xf32, #tpu.memory_space<vmem>> -> memref<1x3xf32, #tpu.memory_space<vmem>>
    %dma_start3A_386 = arith.constant 0 : i32
    %dma_start3A_387 = tpu.memref_slice %arg3[%squeeze3A_382, %dma_start3A_386] : memref<100000x3xf32, #tpu.memory_space<hbm>> -> memref<1x3xf32, #tpu.memory_space<hbm>>
    %dma_start3A_388 = arith.constant 30 : i32
    %dma_start3A_389 = arith.constant 0 : i32
    %dma_start3A_390 = tpu.memref_slice %arg12[%dma_start3A_388, %dma_start3A_389] : memref<96x3xf32, #tpu.memory_space<vmem>> -> memref<1x3xf32, #tpu.memory_space<vmem>>
    %dma_start3A_391 = arith.constant 0 : i32
    %dma_start3A_392 = tpu.memref_slice %arg3[%squeeze3A_382, %dma_start3A_391] : memref<100000x3xf32, #tpu.memory_space<hbm>> -> memref<1x3xf32, #tpu.memory_space<hbm>>
    tpu.enqueue_dma source(%dma_start3A_392 : memref<1x3xf32, #tpu.memory_space<hbm>>) target(%dma_start3A_390 : memref<1x3xf32, #tpu.memory_space<vmem>>) target_semaphore(%arg18 : memref<!tpu.dma_semaphore, #tpu.memory_space<semaphore_mem>>)
    %slice3A_393 = vector.extract_strided_slice %get3A_212 {offsets = [15], sizes = [1], strides = [1]} : vector<16xi32> to vector<1xi32>
    %squeeze3A_394 = vector.extract %slice3A_393[0] : i32 from vector<1xi32>
    %dma_start3A_395 = arith.constant 31 : i32
    %dma_start3A_396 = arith.constant 0 : i32
    %dma_start3A_397 = tpu.memref_slice %arg12[%dma_start3A_395, %dma_start3A_396] : memref<96x3xf32, #tpu.memory_space<vmem>> -> memref<1x3xf32, #tpu.memory_space<vmem>>
    %dma_start3A_398 = arith.constant 0 : i32
    %dma_start3A_399 = tpu.memref_slice %arg3[%squeeze3A_394, %dma_start3A_398] : memref<100000x3xf32, #tpu.memory_space<hbm>> -> memref<1x3xf32, #tpu.memory_space<hbm>>
    %dma_start3A_400 = arith.constant 31 : i32
    %dma_start3A_401 = arith.constant 0 : i32
    %dma_start3A_402 = tpu.memref_slice %arg12[%dma_start3A_400, %dma_start3A_401] : memref<96x3xf32, #tpu.memory_space<vmem>> -> memref<1x3xf32, #tpu.memory_space<vmem>>
    %dma_start3A_403 = arith.constant 0 : i32
    %dma_start3A_404 = tpu.memref_slice %arg3[%squeeze3A_394, %dma_start3A_403] : memref<100000x3xf32, #tpu.memory_space<hbm>> -> memref<1x3xf32, #tpu.memory_space<hbm>>
    tpu.enqueue_dma source(%dma_start3A_404 : memref<1x3xf32, #tpu.memory_space<hbm>>) target(%dma_start3A_402 : memref<1x3xf32, #tpu.memory_space<vmem>>) target_semaphore(%arg18 : memref<!tpu.dma_semaphore, #tpu.memory_space<semaphore_mem>>)
    %get3A_405 = arith.constant 32 : index
    %get3A_406 = tpu.vector_load %arg9[%get3A_405] {strides = array<i32>} : memref<96xi32, #tpu.memory_space<vmem>>, vector<16xi32>,
    %get3A_407 = vector.shape_cast %get3A_406 : vector<16xi32> to vector<16xi32>
    %slice3A_408 = vector.extract_strided_slice %get3A_407 {offsets = [0], sizes = [1], strides = [1]} : vector<16xi32> to vector<1xi32>
    %squeeze3A_409 = vector.extract %slice3A_408[0] : i32 from vector<1xi32>
    %dma_start3A_410 = arith.constant 32 : i32
    %dma_start3A_411 = arith.constant 0 : i32
    %dma_start3A_412 = tpu.memref_slice %arg12[%dma_start3A_410, %dma_start3A_411] : memref<96x3xf32, #tpu.memory_space<vmem>> -> memref<1x3xf32, #tpu.memory_space<vmem>>
    %dma_start3A_413 = arith.constant 0 : i32
    %dma_start3A_414 = tpu.memref_slice %arg3[%squeeze3A_409, %dma_start3A_413] : memref<100000x3xf32, #tpu.memory_space<hbm>> -> memref<1x3xf32, #tpu.memory_space<hbm>>
    %dma_start3A_415 = arith.constant 32 : i32
    %dma_start3A_416 = arith.constant 0 : i32
    %dma_start3A_417 = tpu.memref_slice %arg12[%dma_start3A_415, %dma_start3A_416] : memref<96x3xf32, #tpu.memory_space<vmem>> -> memref<1x3xf32, #tpu.memory_space<vmem>>
    %dma_start3A_418 = arith.constant 0 : i32
    %dma_start3A_419 = tpu.memref_slice %arg3[%squeeze3A_409, %dma_start3A_418] : memref<100000x3xf32, #tpu.memory_space<hbm>> -> memref<1x3xf32, #tpu.memory_space<hbm>>
    tpu.enqueue_dma source(%dma_start3A_419 : memref<1x3xf32, #tpu.memory_space<hbm>>) target(%dma_start3A_417 : memref<1x3xf32, #tpu.memory_space<vmem>>) target_semaphore(%arg18 : memref<!tpu.dma_semaphore, #tpu.memory_space<semaphore_mem>>)
    %slice3A_420 = vector.extract_strided_slice %get3A_407 {offsets = [1], sizes = [1], strides = [1]} : vector<16xi32> to vector<1xi32>
    %squeeze3A_421 = vector.extract %slice3A_420[0] : i32 from vector<1xi32>
    %dma_start3A_422 = arith.constant 33 : i32
    %dma_start3A_423 = arith.constant 0 : i32
    %dma_start3A_424 = tpu.memref_slice %arg12[%dma_start3A_422, %dma_start3A_423] : memref<96x3xf32, #tpu.memory_space<vmem>> -> memref<1x3xf32, #tpu.memory_space<vmem>>
    %dma_start3A_425 = arith.constant 0 : i32
    %dma_start3A_426 = tpu.memref_slice %arg3[%squeeze3A_421, %dma_start3A_425] : memref<100000x3xf32, #tpu.memory_space<hbm>> -> memref<1x3xf32, #tpu.memory_space<hbm>>
    %dma_start3A_427 = arith.constant 33 : i32
    %dma_start3A_428 = arith.constant 0 : i32
    %dma_start3A_429 = tpu.memref_slice %arg12[%dma_start3A_427, %dma_start3A_428] : memref<96x3xf32, #tpu.memory_space<vmem>> -> memref<1x3xf32, #tpu.memory_space<vmem>>
    %dma_start3A_430 = arith.constant 0 : i32
    %dma_start3A_431 = tpu.memref_slice %arg3[%squeeze3A_421, %dma_start3A_430] : memref<100000x3xf32, #tpu.memory_space<hbm>> -> memref<1x3xf32, #tpu.memory_space<hbm>>
    tpu.enqueue_dma source(%dma_start3A_431 : memref<1x3xf32, #tpu.memory_space<hbm>>) target(%dma_start3A_429 : memref<1x3xf32, #tpu.memory_space<vmem>>) target_semaphore(%arg18 : memref<!tpu.dma_semaphore, #tpu.memory_space<semaphore_mem>>)
    %slice3A_432 = vector.extract_strided_slice %get3A_407 {offsets = [2], sizes = [1], strides = [1]} : vector<16xi32> to vector<1xi32>
    %squeeze3A_433 = vector.extract %slice3A_432[0] : i32 from vector<1xi32>
    %dma_start3A_434 = arith.constant 34 : i32
    %dma_start3A_435 = arith.constant 0 : i32
    %dma_start3A_436 = tpu.memref_slice %arg12[%dma_start3A_434, %dma_start3A_435] : memref<96x3xf32, #tpu.memory_space<vmem>> -> memref<1x3xf32, #tpu.memory_space<vmem>>
    %dma_start3A_437 = arith.constant 0 : i32
    %dma_start3A_438 = tpu.memref_slice %arg3[%squeeze3A_433, %dma_start3A_437] : memref<100000x3xf32, #tpu.memory_space<hbm>> -> memref<1x3xf32, #tpu.memory_space<hbm>>
    %dma_start3A_439 = arith.constant 34 : i32
    %dma_start3A_440 = arith.constant 0 : i32
    %dma_start3A_441 = tpu.memref_slice %arg12[%dma_start3A_439, %dma_start3A_440] : memref<96x3xf32, #tpu.memory_space<vmem>> -> memref<1x3xf32, #tpu.memory_space<vmem>>
    %dma_start3A_442 = arith.constant 0 : i32
    %dma_start3A_443 = tpu.memref_slice %arg3[%squeeze3A_433, %dma_start3A_442] : memref<100000x3xf32, #tpu.memory_space<hbm>> -> memref<1x3xf32, #tpu.memory_space<hbm>>
    tpu.enqueue_dma source(%dma_start3A_443 : memref<1x3xf32, #tpu.memory_space<hbm>>) target(%dma_start3A_441 : memref<1x3xf32, #tpu.memory_space<vmem>>) target_semaphore(%arg18 : memref<!tpu.dma_semaphore, #tpu.memory_space<semaphore_mem>>)
    %slice3A_444 = vector.extract_strided_slice %get3A_407 {offsets = [3], sizes = [1], strides = [1]} : vector<16xi32> to vector<1xi32>
    %squeeze3A_445 = vector.extract %slice3A_444[0] : i32 from vector<1xi32>
    %dma_start3A_446 = arith.constant 35 : i32
    %dma_start3A_447 = arith.constant 0 : i32
    %dma_start3A_448 = tpu.memref_slice %arg12[%dma_start3A_446, %dma_start3A_447] : memref<96x3xf32, #tpu.memory_space<vmem>> -> memref<1x3xf32, #tpu.memory_space<vmem>>
    %dma_start3A_449 = arith.constant 0 : i32
    %dma_start3A_450 = tpu.memref_slice %arg3[%squeeze3A_445, %dma_start3A_449] : memref<100000x3xf32, #tpu.memory_space<hbm>> -> memref<1x3xf32, #tpu.memory_space<hbm>>
    %dma_start3A_451 = arith.constant 35 : i32
    %dma_start3A_452 = arith.constant 0 : i32
    %dma_start3A_453 = tpu.memref_slice %arg12[%dma_start3A_451, %dma_start3A_452] : memref<96x3xf32, #tpu.memory_space<vmem>> -> memref<1x3xf32, #tpu.memory_space<vmem>>
    %dma_start3A_454 = arith.constant 0 : i32
    %dma_start3A_455 = tpu.memref_slice %arg3[%squeeze3A_445, %dma_start3A_454] : memref<100000x3xf32, #tpu.memory_space<hbm>> -> memref<1x3xf32, #tpu.memory_space<hbm>>
    tpu.enqueue_dma source(%dma_start3A_455 : memref<1x3xf32, #tpu.memory_space<hbm>>) target(%dma_start3A_453 : memref<1x3xf32, #tpu.memory_space<vmem>>) target_semaphore(%arg18 : memref<!tpu.dma_semaphore, #tpu.memory_space<semaphore_mem>>)
    %slice3A_456 = vector.extract_strided_slice %get3A_407 {offsets = [4], sizes = [1], strides = [1]} : vector<16xi32> to vector<1xi32>
    %squeeze3A_457 = vector.extract %slice3A_456[0] : i32 from vector<1xi32>
    %dma_start3A_458 = arith.constant 36 : i32
    %dma_start3A_459 = arith.constant 0 : i32
    %dma_start3A_460 = tpu.memref_slice %arg12[%dma_start3A_458, %dma_start3A_459] : memref<96x3xf32, #tpu.memory_space<vmem>> -> memref<1x3xf32, #tpu.memory_space<vmem>>
    %dma_start3A_461 = arith.constant 0 : i32
    %dma_start3A_462 = tpu.memref_slice %arg3[%squeeze3A_457, %dma_start3A_461] : memref<100000x3xf32, #tpu.memory_space<hbm>> -> memref<1x3xf32, #tpu.memory_space<hbm>>
    %dma_start3A_463 = arith.constant 36 : i32
    %dma_start3A_464 = arith.constant 0 : i32
    %dma_start3A_465 = tpu.memref_slice %arg12[%dma_start3A_463, %dma_start3A_464] : memref<96x3xf32, #tpu.memory_space<vmem>> -> memref<1x3xf32, #tpu.memory_space<vmem>>
    %dma_start3A_466 = arith.constant 0 : i32
    %dma_start3A_467 = tpu.memref_slice %arg3[%squeeze3A_457, %dma_start3A_466] : memref<100000x3xf32, #tpu.memory_space<hbm>> -> memref<1x3xf32, #tpu.memory_space<hbm>>
    tpu.enqueue_dma source(%dma_start3A_467 : memref<1x3xf32, #tpu.memory_space<hbm>>) target(%dma_start3A_465 : memref<1x3xf32, #tpu.memory_space<vmem>>) target_semaphore(%arg18 : memref<!tpu.dma_semaphore, #tpu.memory_space<semaphore_mem>>)
    %slice3A_468 = vector.extract_strided_slice %get3A_407 {offsets = [5], sizes = [1], strides = [1]} : vector<16xi32> to vector<1xi32>
    %squeeze3A_469 = vector.extract %slice3A_468[0] : i32 from vector<1xi32>
    %dma_start3A_470 = arith.constant 37 : i32
    %dma_start3A_471 = arith.constant 0 : i32
    %dma_start3A_472 = tpu.memref_slice %arg12[%dma_start3A_470, %dma_start3A_471] : memref<96x3xf32, #tpu.memory_space<vmem>> -> memref<1x3xf32, #tpu.memory_space<vmem>>
    %dma_start3A_473 = arith.constant 0 : i32
    %dma_start3A_474 = tpu.memref_slice %arg3[%squeeze3A_469, %dma_start3A_473] : memref<100000x3xf32, #tpu.memory_space<hbm>> -> memref<1x3xf32, #tpu.memory_space<hbm>>
    %dma_start3A_475 = arith.constant 37 : i32
    %dma_start3A_476 = arith.constant 0 : i32
    %dma_start3A_477 = tpu.memref_slice %arg12[%dma_start3A_475, %dma_start3A_476] : memref<96x3xf32, #tpu.memory_space<vmem>> -> memref<1x3xf32, #tpu.memory_space<vmem>>
    %dma_start3A_478 = arith.constant 0 : i32
    %dma_start3A_479 = tpu.memref_slice %arg3[%squeeze3A_469, %dma_start3A_478] : memref<100000x3xf32, #tpu.memory_space<hbm>> -> memref<1x3xf32, #tpu.memory_space<hbm>>
    tpu.enqueue_dma source(%dma_start3A_479 : memref<1x3xf32, #tpu.memory_space<hbm>>) target(%dma_start3A_477 : memref<1x3xf32, #tpu.memory_space<vmem>>) target_semaphore(%arg18 : memref<!tpu.dma_semaphore, #tpu.memory_space<semaphore_mem>>)
    %slice3A_480 = vector.extract_strided_slice %get3A_407 {offsets = [6], sizes = [1], strides = [1]} : vector<16xi32> to vector<1xi32>
    %squeeze3A_481 = vector.extract %slice3A_480[0] : i32 from vector<1xi32>
    %dma_start3A_482 = arith.constant 38 : i32
    %dma_start3A_483 = arith.constant 0 : i32
    %dma_start3A_484 = tpu.memref_slice %arg12[%dma_start3A_482, %dma_start3A_483] : memref<96x3xf32, #tpu.memory_space<vmem>> -> memref<1x3xf32, #tpu.memory_space<vmem>>
    %dma_start3A_485 = arith.constant 0 : i32
    %dma_start3A_486 = tpu.memref_slice %arg3[%squeeze3A_481, %dma_start3A_485] : memref<100000x3xf32, #tpu.memory_space<hbm>> -> memref<1x3xf32, #tpu.memory_space<hbm>>
    %dma_start3A_487 = arith.constant 38 : i32
    %dma_start3A_488 = arith.constant 0 : i32
    %dma_start3A_489 = tpu.memref_slice %arg12[%dma_start3A_487, %dma_start3A_488] : memref<96x3xf32, #tpu.memory_space<vmem>> -> memref<1x3xf32, #tpu.memory_space<vmem>>
    %dma_start3A_490 = arith.constant 0 : i32
    %dma_start3A_491 = tpu.memref_slice %arg3[%squeeze3A_481, %dma_start3A_490] : memref<100000x3xf32, #tpu.memory_space<hbm>> -> memref<1x3xf32, #tpu.memory_space<hbm>>
    tpu.enqueue_dma source(%dma_start3A_491 : memref<1x3xf32, #tpu.memory_space<hbm>>) target(%dma_start3A_489 : memref<1x3xf32, #tpu.memory_space<vmem>>) target_semaphore(%arg18 : memref<!tpu.dma_semaphore, #tpu.memory_space<semaphore_mem>>)
    %slice3A_492 = vector.extract_strided_slice %get3A_407 {offsets = [7], sizes = [1], strides = [1]} : vector<16xi32> to vector<1xi32>
    %squeeze3A_493 = vector.extract %slice3A_492[0] : i32 from vector<1xi32>
    %dma_start3A_494 = arith.constant 39 : i32
    %dma_start3A_495 = arith.constant 0 : i32
    %dma_start3A_496 = tpu.memref_slice %arg12[%dma_start3A_494, %dma_start3A_495] : memref<96x3xf32, #tpu.memory_space<vmem>> -> memref<1x3xf32, #tpu.memory_space<vmem>>
    %dma_start3A_497 = arith.constant 0 : i32
    %dma_start3A_498 = tpu.memref_slice %arg3[%squeeze3A_493, %dma_start3A_497] : memref<100000x3xf32, #tpu.memory_space<hbm>> -> memref<1x3xf32, #tpu.memory_space<hbm>>
    %dma_start3A_499 = arith.constant 39 : i32
    %dma_start3A_500 = arith.constant 0 : i32
    %dma_start3A_501 = tpu.memref_slice %arg12[%dma_start3A_499, %dma_start3A_500] : memref<96x3xf32, #tpu.memory_space<vmem>> -> memref<1x3xf32, #tpu.memory_space<vmem>>
    %dma_start3A_502 = arith.constant 0 : i32
    %dma_start3A_503 = tpu.memref_slice %arg3[%squeeze3A_493, %dma_start3A_502] : memref<100000x3xf32, #tpu.memory_space<hbm>> -> memref<1x3xf32, #tpu.memory_space<hbm>>
    tpu.enqueue_dma source(%dma_start3A_503 : memref<1x3xf32, #tpu.memory_space<hbm>>) target(%dma_start3A_501 : memref<1x3xf32, #tpu.memory_space<vmem>>) target_semaphore(%arg18 : memref<!tpu.dma_semaphore, #tpu.memory_space<semaphore_mem>>)
    %slice3A_504 = vector.extract_strided_slice %get3A_407 {offsets = [8], sizes = [1], strides = [1]} : vector<16xi32> to vector<1xi32>
    %squeeze3A_505 = vector.extract %slice3A_504[0] : i32 from vector<1xi32>
    %dma_start3A_506 = arith.constant 40 : i32
    %dma_start3A_507 = arith.constant 0 : i32
    %dma_start3A_508 = tpu.memref_slice %arg12[%dma_start3A_506, %dma_start3A_507] : memref<96x3xf32, #tpu.memory_space<vmem>> -> memref<1x3xf32, #tpu.memory_space<vmem>>
    %dma_start3A_509 = arith.constant 0 : i32
    %dma_start3A_510 = tpu.memref_slice %arg3[%squeeze3A_505, %dma_start3A_509] : memref<100000x3xf32, #tpu.memory_space<hbm>> -> memref<1x3xf32, #tpu.memory_space<hbm>>
    %dma_start3A_511 = arith.constant 40 : i32
    %dma_start3A_512 = arith.constant 0 : i32
    %dma_start3A_513 = tpu.memref_slice %arg12[%dma_start3A_511, %dma_start3A_512] : memref<96x3xf32, #tpu.memory_space<vmem>> -> memref<1x3xf32, #tpu.memory_space<vmem>>
    %dma_start3A_514 = arith.constant 0 : i32
    %dma_start3A_515 = tpu.memref_slice %arg3[%squeeze3A_505, %dma_start3A_514] : memref<100000x3xf32, #tpu.memory_space<hbm>> -> memref<1x3xf32, #tpu.memory_space<hbm>>
    tpu.enqueue_dma source(%dma_start3A_515 : memref<1x3xf32, #tpu.memory_space<hbm>>) target(%dma_start3A_513 : memref<1x3xf32, #tpu.memory_space<vmem>>) target_semaphore(%arg18 : memref<!tpu.dma_semaphore, #tpu.memory_space<semaphore_mem>>)
    %slice3A_516 = vector.extract_strided_slice %get3A_407 {offsets = [9], sizes = [1], strides = [1]} : vector<16xi32> to vector<1xi32>
    %squeeze3A_517 = vector.extract %slice3A_516[0] : i32 from vector<1xi32>
    %dma_start3A_518 = arith.constant 41 : i32
    %dma_start3A_519 = arith.constant 0 : i32
    %dma_start3A_520 = tpu.memref_slice %arg12[%dma_start3A_518, %dma_start3A_519] : memref<96x3xf32, #tpu.memory_space<vmem>> -> memref<1x3xf32, #tpu.memory_space<vmem>>
    %dma_start3A_521 = arith.constant 0 : i32
    %dma_start3A_522 = tpu.memref_slice %arg3[%squeeze3A_517, %dma_start3A_521] : memref<100000x3xf32, #tpu.memory_space<hbm>> -> memref<1x3xf32, #tpu.memory_space<hbm>>
    %dma_start3A_523 = arith.constant 41 : i32
    %dma_start3A_524 = arith.constant 0 : i32
    %dma_start3A_525 = tpu.memref_slice %arg12[%dma_start3A_523, %dma_start3A_524] : memref<96x3xf32, #tpu.memory_space<vmem>> -> memref<1x3xf32, #tpu.memory_space<vmem>>
    %dma_start3A_526 = arith.constant 0 : i32
    %dma_start3A_527 = tpu.memref_slice %arg3[%squeeze3A_517, %dma_start3A_526] : memref<100000x3xf32, #tpu.memory_space<hbm>> -> memref<1x3xf32, #tpu.memory_space<hbm>>
    tpu.enqueue_dma source(%dma_start3A_527 : memref<1x3xf32, #tpu.memory_space<hbm>>) target(%dma_start3A_525 : memref<1x3xf32, #tpu.memory_space<vmem>>) target_semaphore(%arg18 : memref<!tpu.dma_semaphore, #tpu.memory_space<semaphore_mem>>)
    %slice3A_528 = vector.extract_strided_slice %get3A_407 {offsets = [10], sizes = [1], strides = [1]} : vector<16xi32> to vector<1xi32>
    %squeeze3A_529 = vector.extract %slice3A_528[0] : i32 from vector<1xi32>
    %dma_start3A_530 = arith.constant 42 : i32
    %dma_start3A_531 = arith.constant 0 : i32
    %dma_start3A_532 = tpu.memref_slice %arg12[%dma_start3A_530, %dma_start3A_531] : memref<96x3xf32, #tpu.memory_space<vmem>> -> memref<1x3xf32, #tpu.memory_space<vmem>>
    %dma_start3A_533 = arith.constant 0 : i32
    %dma_start3A_534 = tpu.memref_slice %arg3[%squeeze3A_529, %dma_start3A_533] : memref<100000x3xf32, #tpu.memory_space<hbm>> -> memref<1x3xf32, #tpu.memory_space<hbm>>
    %dma_start3A_535 = arith.constant 42 : i32
    %dma_start3A_536 = arith.constant 0 : i32
    %dma_start3A_537 = tpu.memref_slice %arg12[%dma_start3A_535, %dma_start3A_536] : memref<96x3xf32, #tpu.memory_space<vmem>> -> memref<1x3xf32, #tpu.memory_space<vmem>>
    %dma_start3A_538 = arith.constant 0 : i32
    %dma_start3A_539 = tpu.memref_slice %arg3[%squeeze3A_529, %dma_start3A_538] : memref<100000x3xf32, #tpu.memory_space<hbm>> -> memref<1x3xf32, #tpu.memory_space<hbm>>
    tpu.enqueue_dma source(%dma_start3A_539 : memref<1x3xf32, #tpu.memory_space<hbm>>) target(%dma_start3A_537 : memref<1x3xf32, #tpu.memory_space<vmem>>) target_semaphore(%arg18 : memref<!tpu.dma_semaphore, #tpu.memory_space<semaphore_mem>>)
    %slice3A_540 = vector.extract_strided_slice %get3A_407 {offsets = [11], sizes = [1], strides = [1]} : vector<16xi32> to vector<1xi32>
    %squeeze3A_541 = vector.extract %slice3A_540[0] : i32 from vector<1xi32>
    %dma_start3A_542 = arith.constant 43 : i32
    %dma_start3A_543 = arith.constant 0 : i32
    %dma_start3A_544 = tpu.memref_slice %arg12[%dma_start3A_542, %dma_start3A_543] : memref<96x3xf32, #tpu.memory_space<vmem>> -> memref<1x3xf32, #tpu.memory_space<vmem>>
    %dma_start3A_545 = arith.constant 0 : i32
    %dma_start3A_546 = tpu.memref_slice %arg3[%squeeze3A_541, %dma_start3A_545] : memref<100000x3xf32, #tpu.memory_space<hbm>> -> memref<1x3xf32, #tpu.memory_space<hbm>>
    %dma_start3A_547 = arith.constant 43 : i32
    %dma_start3A_548 = arith.constant 0 : i32
    %dma_start3A_549 = tpu.memref_slice %arg12[%dma_start3A_547, %dma_start3A_548] : memref<96x3xf32, #tpu.memory_space<vmem>> -> memref<1x3xf32, #tpu.memory_space<vmem>>
    %dma_start3A_550 = arith.constant 0 : i32
    %dma_start3A_551 = tpu.memref_slice %arg3[%squeeze3A_541, %dma_start3A_550] : memref<100000x3xf32, #tpu.memory_space<hbm>> -> memref<1x3xf32, #tpu.memory_space<hbm>>
    tpu.enqueue_dma source(%dma_start3A_551 : memref<1x3xf32, #tpu.memory_space<hbm>>) target(%dma_start3A_549 : memref<1x3xf32, #tpu.memory_space<vmem>>) target_semaphore(%arg18 : memref<!tpu.dma_semaphore, #tpu.memory_space<semaphore_mem>>)
    %slice3A_552 = vector.extract_strided_slice %get3A_407 {offsets = [12], sizes = [1], strides = [1]} : vector<16xi32> to vector<1xi32>
    %squeeze3A_553 = vector.extract %slice3A_552[0] : i32 from vector<1xi32>
    %dma_start3A_554 = arith.constant 44 : i32
    %dma_start3A_555 = arith.constant 0 : i32
    %dma_start3A_556 = tpu.memref_slice %arg12[%dma_start3A_554, %dma_start3A_555] : memref<96x3xf32, #tpu.memory_space<vmem>> -> memref<1x3xf32, #tpu.memory_space<vmem>>
    %dma_start3A_557 = arith.constant 0 : i32
    %dma_start3A_558 = tpu.memref_slice %arg3[%squeeze3A_553, %dma_start3A_557] : memref<100000x3xf32, #tpu.memory_space<hbm>> -> memref<1x3xf32, #tpu.memory_space<hbm>>
    %dma_start3A_559 = arith.constant 44 : i32
    %dma_start3A_560 = arith.constant 0 : i32
    %dma_start3A_561 = tpu.memref_slice %arg12[%dma_start3A_559, %dma_start3A_560] : memref<96x3xf32, #tpu.memory_space<vmem>> -> memref<1x3xf32, #tpu.memory_space<vmem>>
    %dma_start3A_562 = arith.constant 0 : i32
    %dma_start3A_563 = tpu.memref_slice %arg3[%squeeze3A_553, %dma_start3A_562] : memref<100000x3xf32, #tpu.memory_space<hbm>> -> memref<1x3xf32, #tpu.memory_space<hbm>>
    tpu.enqueue_dma source(%dma_start3A_563 : memref<1x3xf32, #tpu.memory_space<hbm>>) target(%dma_start3A_561 : memref<1x3xf32, #tpu.memory_space<vmem>>) target_semaphore(%arg18 : memref<!tpu.dma_semaphore, #tpu.memory_space<semaphore_mem>>)
    %slice3A_564 = vector.extract_strided_slice %get3A_407 {offsets = [13], sizes = [1], strides = [1]} : vector<16xi32> to vector<1xi32>
    %squeeze3A_565 = vector.extract %slice3A_564[0] : i32 from vector<1xi32>
    %dma_start3A_566 = arith.constant 45 : i32
    %dma_start3A_567 = arith.constant 0 : i32
    %dma_start3A_568 = tpu.memref_slice %arg12[%dma_start3A_566, %dma_start3A_567] : memref<96x3xf32, #tpu.memory_space<vmem>> -> memref<1x3xf32, #tpu.memory_space<vmem>>
    %dma_start3A_569 = arith.constant 0 : i32
    %dma_start3A_570 = tpu.memref_slice %arg3[%squeeze3A_565, %dma_start3A_569] : memref<100000x3xf32, #tpu.memory_space<hbm>> -> memref<1x3xf32, #tpu.memory_space<hbm>>
    %dma_start3A_571 = arith.constant 45 : i32
    %dma_start3A_572 = arith.constant 0 : i32
    %dma_start3A_573 = tpu.memref_slice %arg12[%dma_start3A_571, %dma_start3A_572] : memref<96x3xf32, #tpu.memory_space<vmem>> -> memref<1x3xf32, #tpu.memory_space<vmem>>
    %dma_start3A_574 = arith.constant 0 : i32
    %dma_start3A_575 = tpu.memref_slice %arg3[%squeeze3A_565, %dma_start3A_574] : memref<100000x3xf32, #tpu.memory_space<hbm>> -> memref<1x3xf32, #tpu.memory_space<hbm>>
    tpu.enqueue_dma source(%dma_start3A_575 : memref<1x3xf32, #tpu.memory_space<hbm>>) target(%dma_start3A_573 : memref<1x3xf32, #tpu.memory_space<vmem>>) target_semaphore(%arg18 : memref<!tpu.dma_semaphore, #tpu.memory_space<semaphore_mem>>)
    %slice3A_576 = vector.extract_strided_slice %get3A_407 {offsets = [14], sizes = [1], strides = [1]} : vector<16xi32> to vector<1xi32>
    %squeeze3A_577 = vector.extract %slice3A_576[0] : i32 from vector<1xi32>
    %dma_start3A_578 = arith.constant 46 : i32
    %dma_start3A_579 = arith.constant 0 : i32
    %dma_start3A_580 = tpu.memref_slice %arg12[%dma_start3A_578, %dma_start3A_579] : memref<96x3xf32, #tpu.memory_space<vmem>> -> memref<1x3xf32, #tpu.memory_space<vmem>>
    %dma_start3A_581 = arith.constant 0 : i32
    %dma_start3A_582 = tpu.memref_slice %arg3[%squeeze3A_577, %dma_start3A_581] : memref<100000x3xf32, #tpu.memory_space<hbm>> -> memref<1x3xf32, #tpu.memory_space<hbm>>
    %dma_start3A_583 = arith.constant 46 : i32
    %dma_start3A_584 = arith.constant 0 : i32
    %dma_start3A_585 = tpu.memref_slice %arg12[%dma_start3A_583, %dma_start3A_584] : memref<96x3xf32, #tpu.memory_space<vmem>> -> memref<1x3xf32, #tpu.memory_space<vmem>>
    %dma_start3A_586 = arith.constant 0 : i32
    %dma_start3A_587 = tpu.memref_slice %arg3[%squeeze3A_577, %dma_start3A_586] : memref<100000x3xf32, #tpu.memory_space<hbm>> -> memref<1x3xf32, #tpu.memory_space<hbm>>
    tpu.enqueue_dma source(%dma_start3A_587 : memref<1x3xf32, #tpu.memory_space<hbm>>) target(%dma_start3A_585 : memref<1x3xf32, #tpu.memory_space<vmem>>) target_semaphore(%arg18 : memref<!tpu.dma_semaphore, #tpu.memory_space<semaphore_mem>>)
    %slice3A_588 = vector.extract_strided_slice %get3A_407 {offsets = [15], sizes = [1], strides = [1]} : vector<16xi32> to vector<1xi32>
    %squeeze3A_589 = vector.extract %slice3A_588[0] : i32 from vector<1xi32>
    %dma_start3A_590 = arith.constant 47 : i32
    %dma_start3A_591 = arith.constant 0 : i32
    %dma_start3A_592 = tpu.memref_slice %arg12[%dma_start3A_590, %dma_start3A_591] : memref<96x3xf32, #tpu.memory_space<vmem>> -> memref<1x3xf32, #tpu.memory_space<vmem>>
    %dma_start3A_593 = arith.constant 0 : i32
    %dma_start3A_594 = tpu.memref_slice %arg3[%squeeze3A_589, %dma_start3A_593] : memref<100000x3xf32, #tpu.memory_space<hbm>> -> memref<1x3xf32, #tpu.memory_space<hbm>>
    %dma_start3A_595 = arith.constant 47 : i32
    %dma_start3A_596 = arith.constant 0 : i32
    %dma_start3A_597 = tpu.memref_slice %arg12[%dma_start3A_595, %dma_start3A_596] : memref<96x3xf32, #tpu.memory_space<vmem>> -> memref<1x3xf32, #tpu.memory_space<vmem>>
    %dma_start3A_598 = arith.constant 0 : i32
    %dma_start3A_599 = tpu.memref_slice %arg3[%squeeze3A_589, %dma_start3A_598] : memref<100000x3xf32, #tpu.memory_space<hbm>> -> memref<1x3xf32, #tpu.memory_space<hbm>>
    tpu.enqueue_dma source(%dma_start3A_599 : memref<1x3xf32, #tpu.memory_space<hbm>>) target(%dma_start3A_597 : memref<1x3xf32, #tpu.memory_space<vmem>>) target_semaphore(%arg18 : memref<!tpu.dma_semaphore, #tpu.memory_space<semaphore_mem>>)
    %get3A_600 = arith.constant 48 : index
    %get3A_601 = tpu.vector_load %arg9[%get3A_600] {strides = array<i32>} : memref<96xi32, #tpu.memory_space<vmem>>, vector<16xi32>,
    %get3A_602 = vector.shape_cast %get3A_601 : vector<16xi32> to vector<16xi32>
    %slice3A_603 = vector.extract_strided_slice %get3A_602 {offsets = [0], sizes = [1], strides = [1]} : vector<16xi32> to vector<1xi32>
    %squeeze3A_604 = vector.extract %slice3A_603[0] : i32 from vector<1xi32>
    %dma_start3A_605 = arith.constant 48 : i32
    %dma_start3A_606 = arith.constant 0 : i32
    %dma_start3A_607 = tpu.memref_slice %arg12[%dma_start3A_605, %dma_start3A_606] : memref<96x3xf32, #tpu.memory_space<vmem>> -> memref<1x3xf32, #tpu.memory_space<vmem>>
    %dma_start3A_608 = arith.constant 0 : i32
    %dma_start3A_609 = tpu.memref_slice %arg3[%squeeze3A_604, %dma_start3A_608] : memref<100000x3xf32, #tpu.memory_space<hbm>> -> memref<1x3xf32, #tpu.memory_space<hbm>>
    %dma_start3A_610 = arith.constant 48 : i32
    %dma_start3A_611 = arith.constant 0 : i32
    %dma_start3A_612 = tpu.memref_slice %arg12[%dma_start3A_610, %dma_start3A_611] : memref<96x3xf32, #tpu.memory_space<vmem>> -> memref<1x3xf32, #tpu.memory_space<vmem>>
    %dma_start3A_613 = arith.constant 0 : i32
    %dma_start3A_614 = tpu.memref_slice %arg3[%squeeze3A_604, %dma_start3A_613] : memref<100000x3xf32, #tpu.memory_space<hbm>> -> memref<1x3xf32, #tpu.memory_space<hbm>>
    tpu.enqueue_dma source(%dma_start3A_614 : memref<1x3xf32, #tpu.memory_space<hbm>>) target(%dma_start3A_612 : memref<1x3xf32, #tpu.memory_space<vmem>>) target_semaphore(%arg19 : memref<!tpu.dma_semaphore, #tpu.memory_space<semaphore_mem>>)
    %slice3A_615 = vector.extract_strided_slice %get3A_602 {offsets = [1], sizes = [1], strides = [1]} : vector<16xi32> to vector<1xi32>
    %squeeze3A_616 = vector.extract %slice3A_615[0] : i32 from vector<1xi32>
    %dma_start3A_617 = arith.constant 49 : i32
    %dma_start3A_618 = arith.constant 0 : i32
    %dma_start3A_619 = tpu.memref_slice %arg12[%dma_start3A_617, %dma_start3A_618] : memref<96x3xf32, #tpu.memory_space<vmem>> -> memref<1x3xf32, #tpu.memory_space<vmem>>
    %dma_start3A_620 = arith.constant 0 : i32
    %dma_start3A_621 = tpu.memref_slice %arg3[%squeeze3A_616, %dma_start3A_620] : memref<100000x3xf32, #tpu.memory_space<hbm>> -> memref<1x3xf32, #tpu.memory_space<hbm>>
    %dma_start3A_622 = arith.constant 49 : i32
    %dma_start3A_623 = arith.constant 0 : i32
    %dma_start3A_624 = tpu.memref_slice %arg12[%dma_start3A_622, %dma_start3A_623] : memref<96x3xf32, #tpu.memory_space<vmem>> -> memref<1x3xf32, #tpu.memory_space<vmem>>
    %dma_start3A_625 = arith.constant 0 : i32
    %dma_start3A_626 = tpu.memref_slice %arg3[%squeeze3A_616, %dma_start3A_625] : memref<100000x3xf32, #tpu.memory_space<hbm>> -> memref<1x3xf32, #tpu.memory_space<hbm>>
    tpu.enqueue_dma source(%dma_start3A_626 : memref<1x3xf32, #tpu.memory_space<hbm>>) target(%dma_start3A_624 : memref<1x3xf32, #tpu.memory_space<vmem>>) target_semaphore(%arg19 : memref<!tpu.dma_semaphore, #tpu.memory_space<semaphore_mem>>)
    %slice3A_627 = vector.extract_strided_slice %get3A_602 {offsets = [2], sizes = [1], strides = [1]} : vector<16xi32> to vector<1xi32>
    %squeeze3A_628 = vector.extract %slice3A_627[0] : i32 from vector<1xi32>
    %dma_start3A_629 = arith.constant 50 : i32
    %dma_start3A_630 = arith.constant 0 : i32
    %dma_start3A_631 = tpu.memref_slice %arg12[%dma_start3A_629, %dma_start3A_630] : memref<96x3xf32, #tpu.memory_space<vmem>> -> memref<1x3xf32, #tpu.memory_space<vmem>>
    %dma_start3A_632 = arith.constant 0 : i32
    %dma_start3A_633 = tpu.memref_slice %arg3[%squeeze3A_628, %dma_start3A_632] : memref<100000x3xf32, #tpu.memory_space<hbm>> -> memref<1x3xf32, #tpu.memory_space<hbm>>
    %dma_start3A_634 = arith.constant 50 : i32
    %dma_start3A_635 = arith.constant 0 : i32
    %dma_start3A_636 = tpu.memref_slice %arg12[%dma_start3A_634, %dma_start3A_635] : memref<96x3xf32, #tpu.memory_space<vmem>> -> memref<1x3xf32, #tpu.memory_space<vmem>>
    %dma_start3A_637 = arith.constant 0 : i32
    %dma_start3A_638 = tpu.memref_slice %arg3[%squeeze3A_628, %dma_start3A_637] : memref<100000x3xf32, #tpu.memory_space<hbm>> -> memref<1x3xf32, #tpu.memory_space<hbm>>
    tpu.enqueue_dma source(%dma_start3A_638 : memref<1x3xf32, #tpu.memory_space<hbm>>) target(%dma_start3A_636 : memref<1x3xf32, #tpu.memory_space<vmem>>) target_semaphore(%arg19 : memref<!tpu.dma_semaphore, #tpu.memory_space<semaphore_mem>>)
    %slice3A_639 = vector.extract_strided_slice %get3A_602 {offsets = [3], sizes = [1], strides = [1]} : vector<16xi32> to vector<1xi32>
    %squeeze3A_640 = vector.extract %slice3A_639[0] : i32 from vector<1xi32>
    %dma_start3A_641 = arith.constant 51 : i32
    %dma_start3A_642 = arith.constant 0 : i32
    %dma_start3A_643 = tpu.memref_slice %arg12[%dma_start3A_641, %dma_start3A_642] : memref<96x3xf32, #tpu.memory_space<vmem>> -> memref<1x3xf32, #tpu.memory_space<vmem>>
    %dma_start3A_644 = arith.constant 0 : i32
    %dma_start3A_645 = tpu.memref_slice %arg3[%squeeze3A_640, %dma_start3A_644] : memref<100000x3xf32, #tpu.memory_space<hbm>> -> memref<1x3xf32, #tpu.memory_space<hbm>>
    %dma_start3A_646 = arith.constant 51 : i32
    %dma_start3A_647 = arith.constant 0 : i32
    %dma_start3A_648 = tpu.memref_slice %arg12[%dma_start3A_646, %dma_start3A_647] : memref<96x3xf32, #tpu.memory_space<vmem>> -> memref<1x3xf32, #tpu.memory_space<vmem>>
    %dma_start3A_649 = arith.constant 0 : i32
    %dma_start3A_650 = tpu.memref_slice %arg3[%squeeze3A_640, %dma_start3A_649] : memref<100000x3xf32, #tpu.memory_space<hbm>> -> memref<1x3xf32, #tpu.memory_space<hbm>>
    tpu.enqueue_dma source(%dma_start3A_650 : memref<1x3xf32, #tpu.memory_space<hbm>>) target(%dma_start3A_648 : memref<1x3xf32, #tpu.memory_space<vmem>>) target_semaphore(%arg19 : memref<!tpu.dma_semaphore, #tpu.memory_space<semaphore_mem>>)
    %slice3A_651 = vector.extract_strided_slice %get3A_602 {offsets = [4], sizes = [1], strides = [1]} : vector<16xi32> to vector<1xi32>
    %squeeze3A_652 = vector.extract %slice3A_651[0] : i32 from vector<1xi32>
    %dma_start3A_653 = arith.constant 52 : i32
    %dma_start3A_654 = arith.constant 0 : i32
    %dma_start3A_655 = tpu.memref_slice %arg12[%dma_start3A_653, %dma_start3A_654] : memref<96x3xf32, #tpu.memory_space<vmem>> -> memref<1x3xf32, #tpu.memory_space<vmem>>
    %dma_start3A_656 = arith.constant 0 : i32
    %dma_start3A_657 = tpu.memref_slice %arg3[%squeeze3A_652, %dma_start3A_656] : memref<100000x3xf32, #tpu.memory_space<hbm>> -> memref<1x3xf32, #tpu.memory_space<hbm>>
    %dma_start3A_658 = arith.constant 52 : i32
    %dma_start3A_659 = arith.constant 0 : i32
    %dma_start3A_660 = tpu.memref_slice %arg12[%dma_start3A_658, %dma_start3A_659] : memref<96x3xf32, #tpu.memory_space<vmem>> -> memref<1x3xf32, #tpu.memory_space<vmem>>
    %dma_start3A_661 = arith.constant 0 : i32
    %dma_start3A_662 = tpu.memref_slice %arg3[%squeeze3A_652, %dma_start3A_661] : memref<100000x3xf32, #tpu.memory_space<hbm>> -> memref<1x3xf32, #tpu.memory_space<hbm>>
    tpu.enqueue_dma source(%dma_start3A_662 : memref<1x3xf32, #tpu.memory_space<hbm>>) target(%dma_start3A_660 : memref<1x3xf32, #tpu.memory_space<vmem>>) target_semaphore(%arg19 : memref<!tpu.dma_semaphore, #tpu.memory_space<semaphore_mem>>)
    %slice3A_663 = vector.extract_strided_slice %get3A_602 {offsets = [5], sizes = [1], strides = [1]} : vector<16xi32> to vector<1xi32>
    %squeeze3A_664 = vector.extract %slice3A_663[0] : i32 from vector<1xi32>
    %dma_start3A_665 = arith.constant 53 : i32
    %dma_start3A_666 = arith.constant 0 : i32
    %dma_start3A_667 = tpu.memref_slice %arg12[%dma_start3A_665, %dma_start3A_666] : memref<96x3xf32, #tpu.memory_space<vmem>> -> memref<1x3xf32, #tpu.memory_space<vmem>>
    %dma_start3A_668 = arith.constant 0 : i32
    %dma_start3A_669 = tpu.memref_slice %arg3[%squeeze3A_664, %dma_start3A_668] : memref<100000x3xf32, #tpu.memory_space<hbm>> -> memref<1x3xf32, #tpu.memory_space<hbm>>
    %dma_start3A_670 = arith.constant 53 : i32
    %dma_start3A_671 = arith.constant 0 : i32
    %dma_start3A_672 = tpu.memref_slice %arg12[%dma_start3A_670, %dma_start3A_671] : memref<96x3xf32, #tpu.memory_space<vmem>> -> memref<1x3xf32, #tpu.memory_space<vmem>>
    %dma_start3A_673 = arith.constant 0 : i32
    %dma_start3A_674 = tpu.memref_slice %arg3[%squeeze3A_664, %dma_start3A_673] : memref<100000x3xf32, #tpu.memory_space<hbm>> -> memref<1x3xf32, #tpu.memory_space<hbm>>
    tpu.enqueue_dma source(%dma_start3A_674 : memref<1x3xf32, #tpu.memory_space<hbm>>) target(%dma_start3A_672 : memref<1x3xf32, #tpu.memory_space<vmem>>) target_semaphore(%arg19 : memref<!tpu.dma_semaphore, #tpu.memory_space<semaphore_mem>>)
    %slice3A_675 = vector.extract_strided_slice %get3A_602 {offsets = [6], sizes = [1], strides = [1]} : vector<16xi32> to vector<1xi32>
    %squeeze3A_676 = vector.extract %slice3A_675[0] : i32 from vector<1xi32>
    %dma_start3A_677 = arith.constant 54 : i32
    %dma_start3A_678 = arith.constant 0 : i32
    %dma_start3A_679 = tpu.memref_slice %arg12[%dma_start3A_677, %dma_start3A_678] : memref<96x3xf32, #tpu.memory_space<vmem>> -> memref<1x3xf32, #tpu.memory_space<vmem>>
    %dma_start3A_680 = arith.constant 0 : i32
    %dma_start3A_681 = tpu.memref_slice %arg3[%squeeze3A_676, %dma_start3A_680] : memref<100000x3xf32, #tpu.memory_space<hbm>> -> memref<1x3xf32, #tpu.memory_space<hbm>>
    %dma_start3A_682 = arith.constant 54 : i32
    %dma_start3A_683 = arith.constant 0 : i32
    %dma_start3A_684 = tpu.memref_slice %arg12[%dma_start3A_682, %dma_start3A_683] : memref<96x3xf32, #tpu.memory_space<vmem>> -> memref<1x3xf32, #tpu.memory_space<vmem>>
    %dma_start3A_685 = arith.constant 0 : i32
    %dma_start3A_686 = tpu.memref_slice %arg3[%squeeze3A_676, %dma_start3A_685] : memref<100000x3xf32, #tpu.memory_space<hbm>> -> memref<1x3xf32, #tpu.memory_space<hbm>>
    tpu.enqueue_dma source(%dma_start3A_686 : memref<1x3xf32, #tpu.memory_space<hbm>>) target(%dma_start3A_684 : memref<1x3xf32, #tpu.memory_space<vmem>>) target_semaphore(%arg19 : memref<!tpu.dma_semaphore, #tpu.memory_space<semaphore_mem>>)
    %slice3A_687 = vector.extract_strided_slice %get3A_602 {offsets = [7], sizes = [1], strides = [1]} : vector<16xi32> to vector<1xi32>
    %squeeze3A_688 = vector.extract %slice3A_687[0] : i32 from vector<1xi32>
    %dma_start3A_689 = arith.constant 55 : i32
    %dma_start3A_690 = arith.constant 0 : i32
    %dma_start3A_691 = tpu.memref_slice %arg12[%dma_start3A_689, %dma_start3A_690] : memref<96x3xf32, #tpu.memory_space<vmem>> -> memref<1x3xf32, #tpu.memory_space<vmem>>
    %dma_start3A_692 = arith.constant 0 : i32
    %dma_start3A_693 = tpu.memref_slice %arg3[%squeeze3A_688, %dma_start3A_692] : memref<100000x3xf32, #tpu.memory_space<hbm>> -> memref<1x3xf32, #tpu.memory_space<hbm>>
    %dma_start3A_694 = arith.constant 55 : i32
    %dma_start3A_695 = arith.constant 0 : i32
    %dma_start3A_696 = tpu.memref_slice %arg12[%dma_start3A_694, %dma_start3A_695] : memref<96x3xf32, #tpu.memory_space<vmem>> -> memref<1x3xf32, #tpu.memory_space<vmem>>
    %dma_start3A_697 = arith.constant 0 : i32
    %dma_start3A_698 = tpu.memref_slice %arg3[%squeeze3A_688, %dma_start3A_697] : memref<100000x3xf32, #tpu.memory_space<hbm>> -> memref<1x3xf32, #tpu.memory_space<hbm>>
    tpu.enqueue_dma source(%dma_start3A_698 : memref<1x3xf32, #tpu.memory_space<hbm>>) target(%dma_start3A_696 : memref<1x3xf32, #tpu.memory_space<vmem>>) target_semaphore(%arg19 : memref<!tpu.dma_semaphore, #tpu.memory_space<semaphore_mem>>)
    %slice3A_699 = vector.extract_strided_slice %get3A_602 {offsets = [8], sizes = [1], strides = [1]} : vector<16xi32> to vector<1xi32>
    %squeeze3A_700 = vector.extract %slice3A_699[0] : i32 from vector<1xi32>
    %dma_start3A_701 = arith.constant 56 : i32
    %dma_start3A_702 = arith.constant 0 : i32
    %dma_start3A_703 = tpu.memref_slice %arg12[%dma_start3A_701, %dma_start3A_702] : memref<96x3xf32, #tpu.memory_space<vmem>> -> memref<1x3xf32, #tpu.memory_space<vmem>>
    %dma_start3A_704 = arith.constant 0 : i32
    %dma_start3A_705 = tpu.memref_slice %arg3[%squeeze3A_700, %dma_start3A_704] : memref<100000x3xf32, #tpu.memory_space<hbm>> -> memref<1x3xf32, #tpu.memory_space<hbm>>
    %dma_start3A_706 = arith.constant 56 : i32
    %dma_start3A_707 = arith.constant 0 : i32
    %dma_start3A_708 = tpu.memref_slice %arg12[%dma_start3A_706, %dma_start3A_707] : memref<96x3xf32, #tpu.memory_space<vmem>> -> memref<1x3xf32, #tpu.memory_space<vmem>>
    %dma_start3A_709 = arith.constant 0 : i32
    %dma_start3A_710 = tpu.memref_slice %arg3[%squeeze3A_700, %dma_start3A_709] : memref<100000x3xf32, #tpu.memory_space<hbm>> -> memref<1x3xf32, #tpu.memory_space<hbm>>
    tpu.enqueue_dma source(%dma_start3A_710 : memref<1x3xf32, #tpu.memory_space<hbm>>) target(%dma_start3A_708 : memref<1x3xf32, #tpu.memory_space<vmem>>) target_semaphore(%arg19 : memref<!tpu.dma_semaphore, #tpu.memory_space<semaphore_mem>>)
    %slice3A_711 = vector.extract_strided_slice %get3A_602 {offsets = [9], sizes = [1], strides = [1]} : vector<16xi32> to vector<1xi32>
    %squeeze3A_712 = vector.extract %slice3A_711[0] : i32 from vector<1xi32>
    %dma_start3A_713 = arith.constant 57 : i32
    %dma_start3A_714 = arith.constant 0 : i32
    %dma_start3A_715 = tpu.memref_slice %arg12[%dma_start3A_713, %dma_start3A_714] : memref<96x3xf32, #tpu.memory_space<vmem>> -> memref<1x3xf32, #tpu.memory_space<vmem>>
    %dma_start3A_716 = arith.constant 0 : i32
    %dma_start3A_717 = tpu.memref_slice %arg3[%squeeze3A_712, %dma_start3A_716] : memref<100000x3xf32, #tpu.memory_space<hbm>> -> memref<1x3xf32, #tpu.memory_space<hbm>>
    %dma_start3A_718 = arith.constant 57 : i32
    %dma_start3A_719 = arith.constant 0 : i32
    %dma_start3A_720 = tpu.memref_slice %arg12[%dma_start3A_718, %dma_start3A_719] : memref<96x3xf32, #tpu.memory_space<vmem>> -> memref<1x3xf32, #tpu.memory_space<vmem>>
    %dma_start3A_721 = arith.constant 0 : i32
    %dma_start3A_722 = tpu.memref_slice %arg3[%squeeze3A_712, %dma_start3A_721] : memref<100000x3xf32, #tpu.memory_space<hbm>> -> memref<1x3xf32, #tpu.memory_space<hbm>>
    tpu.enqueue_dma source(%dma_start3A_722 : memref<1x3xf32, #tpu.memory_space<hbm>>) target(%dma_start3A_720 : memref<1x3xf32, #tpu.memory_space<vmem>>) target_semaphore(%arg19 : memref<!tpu.dma_semaphore, #tpu.memory_space<semaphore_mem>>)
    %slice3A_723 = vector.extract_strided_slice %get3A_602 {offsets = [10], sizes = [1], strides = [1]} : vector<16xi32> to vector<1xi32>
    %squeeze3A_724 = vector.extract %slice3A_723[0] : i32 from vector<1xi32>
    %dma_start3A_725 = arith.constant 58 : i32
    %dma_start3A_726 = arith.constant 0 : i32
    %dma_start3A_727 = tpu.memref_slice %arg12[%dma_start3A_725, %dma_start3A_726] : memref<96x3xf32, #tpu.memory_space<vmem>> -> memref<1x3xf32, #tpu.memory_space<vmem>>
    %dma_start3A_728 = arith.constant 0 : i32
    %dma_start3A_729 = tpu.memref_slice %arg3[%squeeze3A_724, %dma_start3A_728] : memref<100000x3xf32, #tpu.memory_space<hbm>> -> memref<1x3xf32, #tpu.memory_space<hbm>>
    %dma_start3A_730 = arith.constant 58 : i32
    %dma_start3A_731 = arith.constant 0 : i32
    %dma_start3A_732 = tpu.memref_slice %arg12[%dma_start3A_730, %dma_start3A_731] : memref<96x3xf32, #tpu.memory_space<vmem>> -> memref<1x3xf32, #tpu.memory_space<vmem>>
    %dma_start3A_733 = arith.constant 0 : i32
    %dma_start3A_734 = tpu.memref_slice %arg3[%squeeze3A_724, %dma_start3A_733] : memref<100000x3xf32, #tpu.memory_space<hbm>> -> memref<1x3xf32, #tpu.memory_space<hbm>>
    tpu.enqueue_dma source(%dma_start3A_734 : memref<1x3xf32, #tpu.memory_space<hbm>>) target(%dma_start3A_732 : memref<1x3xf32, #tpu.memory_space<vmem>>) target_semaphore(%arg19 : memref<!tpu.dma_semaphore, #tpu.memory_space<semaphore_mem>>)
    %slice3A_735 = vector.extract_strided_slice %get3A_602 {offsets = [11], sizes = [1], strides = [1]} : vector<16xi32> to vector<1xi32>
    %squeeze3A_736 = vector.extract %slice3A_735[0] : i32 from vector<1xi32>
    %dma_start3A_737 = arith.constant 59 : i32
    %dma_start3A_738 = arith.constant 0 : i32
    %dma_start3A_739 = tpu.memref_slice %arg12[%dma_start3A_737, %dma_start3A_738] : memref<96x3xf32, #tpu.memory_space<vmem>> -> memref<1x3xf32, #tpu.memory_space<vmem>>
    %dma_start3A_740 = arith.constant 0 : i32
    %dma_start3A_741 = tpu.memref_slice %arg3[%squeeze3A_736, %dma_start3A_740] : memref<100000x3xf32, #tpu.memory_space<hbm>> -> memref<1x3xf32, #tpu.memory_space<hbm>>
    %dma_start3A_742 = arith.constant 59 : i32
    %dma_start3A_743 = arith.constant 0 : i32
    %dma_start3A_744 = tpu.memref_slice %arg12[%dma_start3A_742, %dma_start3A_743] : memref<96x3xf32, #tpu.memory_space<vmem>> -> memref<1x3xf32, #tpu.memory_space<vmem>>
    %dma_start3A_745 = arith.constant 0 : i32
    %dma_start3A_746 = tpu.memref_slice %arg3[%squeeze3A_736, %dma_start3A_745] : memref<100000x3xf32, #tpu.memory_space<hbm>> -> memref<1x3xf32, #tpu.memory_space<hbm>>
    tpu.enqueue_dma source(%dma_start3A_746 : memref<1x3xf32, #tpu.memory_space<hbm>>) target(%dma_start3A_744 : memref<1x3xf32, #tpu.memory_space<vmem>>) target_semaphore(%arg19 : memref<!tpu.dma_semaphore, #tpu.memory_space<semaphore_mem>>)
    %slice3A_747 = vector.extract_strided_slice %get3A_602 {offsets = [12], sizes = [1], strides = [1]} : vector<16xi32> to vector<1xi32>
    %squeeze3A_748 = vector.extract %slice3A_747[0] : i32 from vector<1xi32>
    %dma_start3A_749 = arith.constant 60 : i32
    %dma_start3A_750 = arith.constant 0 : i32
    %dma_start3A_751 = tpu.memref_slice %arg12[%dma_start3A_749, %dma_start3A_750] : memref<96x3xf32, #tpu.memory_space<vmem>> -> memref<1x3xf32, #tpu.memory_space<vmem>>
    %dma_start3A_752 = arith.constant 0 : i32
    %dma_start3A_753 = tpu.memref_slice %arg3[%squeeze3A_748, %dma_start3A_752] : memref<100000x3xf32, #tpu.memory_space<hbm>> -> memref<1x3xf32, #tpu.memory_space<hbm>>
    %dma_start3A_754 = arith.constant 60 : i32
    %dma_start3A_755 = arith.constant 0 : i32
    %dma_start3A_756 = tpu.memref_slice %arg12[%dma_start3A_754, %dma_start3A_755] : memref<96x3xf32, #tpu.memory_space<vmem>> -> memref<1x3xf32, #tpu.memory_space<vmem>>
    %dma_start3A_757 = arith.constant 0 : i32
    %dma_start3A_758 = tpu.memref_slice %arg3[%squeeze3A_748, %dma_start3A_757] : memref<100000x3xf32, #tpu.memory_space<hbm>> -> memref<1x3xf32, #tpu.memory_space<hbm>>
    tpu.enqueue_dma source(%dma_start3A_758 : memref<1x3xf32, #tpu.memory_space<hbm>>) target(%dma_start3A_756 : memref<1x3xf32, #tpu.memory_space<vmem>>) target_semaphore(%arg19 : memref<!tpu.dma_semaphore, #tpu.memory_space<semaphore_mem>>)
    %slice3A_759 = vector.extract_strided_slice %get3A_602 {offsets = [13], sizes = [1], strides = [1]} : vector<16xi32> to vector<1xi32>
    %squeeze3A_760 = vector.extract %slice3A_759[0] : i32 from vector<1xi32>
    %dma_start3A_761 = arith.constant 61 : i32
    %dma_start3A_762 = arith.constant 0 : i32
    %dma_start3A_763 = tpu.memref_slice %arg12[%dma_start3A_761, %dma_start3A_762] : memref<96x3xf32, #tpu.memory_space<vmem>> -> memref<1x3xf32, #tpu.memory_space<vmem>>
    %dma_start3A_764 = arith.constant 0 : i32
    %dma_start3A_765 = tpu.memref_slice %arg3[%squeeze3A_760, %dma_start3A_764] : memref<100000x3xf32, #tpu.memory_space<hbm>> -> memref<1x3xf32, #tpu.memory_space<hbm>>
    %dma_start3A_766 = arith.constant 61 : i32
    %dma_start3A_767 = arith.constant 0 : i32
    %dma_start3A_768 = tpu.memref_slice %arg12[%dma_start3A_766, %dma_start3A_767] : memref<96x3xf32, #tpu.memory_space<vmem>> -> memref<1x3xf32, #tpu.memory_space<vmem>>
    %dma_start3A_769 = arith.constant 0 : i32
    %dma_start3A_770 = tpu.memref_slice %arg3[%squeeze3A_760, %dma_start3A_769] : memref<100000x3xf32, #tpu.memory_space<hbm>> -> memref<1x3xf32, #tpu.memory_space<hbm>>
    tpu.enqueue_dma source(%dma_start3A_770 : memref<1x3xf32, #tpu.memory_space<hbm>>) target(%dma_start3A_768 : memref<1x3xf32, #tpu.memory_space<vmem>>) target_semaphore(%arg19 : memref<!tpu.dma_semaphore, #tpu.memory_space<semaphore_mem>>)
    %slice3A_771 = vector.extract_strided_slice %get3A_602 {offsets = [14], sizes = [1], strides = [1]} : vector<16xi32> to vector<1xi32>
    %squeeze3A_772 = vector.extract %slice3A_771[0] : i32 from vector<1xi32>
    %dma_start3A_773 = arith.constant 62 : i32
    %dma_start3A_774 = arith.constant 0 : i32
    %dma_start3A_775 = tpu.memref_slice %arg12[%dma_start3A_773, %dma_start3A_774] : memref<96x3xf32, #tpu.memory_space<vmem>> -> memref<1x3xf32, #tpu.memory_space<vmem>>
    %dma_start3A_776 = arith.constant 0 : i32
    %dma_start3A_777 = tpu.memref_slice %arg3[%squeeze3A_772, %dma_start3A_776] : memref<100000x3xf32, #tpu.memory_space<hbm>> -> memref<1x3xf32, #tpu.memory_space<hbm>>
    %dma_start3A_778 = arith.constant 62 : i32
    %dma_start3A_779 = arith.constant 0 : i32
    %dma_start3A_780 = tpu.memref_slice %arg12[%dma_start3A_778, %dma_start3A_779] : memref<96x3xf32, #tpu.memory_space<vmem>> -> memref<1x3xf32, #tpu.memory_space<vmem>>
    %dma_start3A_781 = arith.constant 0 : i32
    %dma_start3A_782 = tpu.memref_slice %arg3[%squeeze3A_772, %dma_start3A_781] : memref<100000x3xf32, #tpu.memory_space<hbm>> -> memref<1x3xf32, #tpu.memory_space<hbm>>
    tpu.enqueue_dma source(%dma_start3A_782 : memref<1x3xf32, #tpu.memory_space<hbm>>) target(%dma_start3A_780 : memref<1x3xf32, #tpu.memory_space<vmem>>) target_semaphore(%arg19 : memref<!tpu.dma_semaphore, #tpu.memory_space<semaphore_mem>>)
    %slice3A_783 = vector.extract_strided_slice %get3A_602 {offsets = [15], sizes = [1], strides = [1]} : vector<16xi32> to vector<1xi32>
    %squeeze3A_784 = vector.extract %slice3A_783[0] : i32 from vector<1xi32>
    %dma_start3A_785 = arith.constant 63 : i32
    %dma_start3A_786 = arith.constant 0 : i32
    %dma_start3A_787 = tpu.memref_slice %arg12[%dma_start3A_785, %dma_start3A_786] : memref<96x3xf32, #tpu.memory_space<vmem>> -> memref<1x3xf32, #tpu.memory_space<vmem>>
    %dma_start3A_788 = arith.constant 0 : i32
    %dma_start3A_789 = tpu.memref_slice %arg3[%squeeze3A_784, %dma_start3A_788] : memref<100000x3xf32, #tpu.memory_space<hbm>> -> memref<1x3xf32, #tpu.memory_space<hbm>>
    %dma_start3A_790 = arith.constant 63 : i32
    %dma_start3A_791 = arith.constant 0 : i32
    %dma_start3A_792 = tpu.memref_slice %arg12[%dma_start3A_790, %dma_start3A_791] : memref<96x3xf32, #tpu.memory_space<vmem>> -> memref<1x3xf32, #tpu.memory_space<vmem>>
    %dma_start3A_793 = arith.constant 0 : i32
    %dma_start3A_794 = tpu.memref_slice %arg3[%squeeze3A_784, %dma_start3A_793] : memref<100000x3xf32, #tpu.memory_space<hbm>> -> memref<1x3xf32, #tpu.memory_space<hbm>>
    tpu.enqueue_dma source(%dma_start3A_794 : memref<1x3xf32, #tpu.memory_space<hbm>>) target(%dma_start3A_792 : memref<1x3xf32, #tpu.memory_space<vmem>>) target_semaphore(%arg19 : memref<!tpu.dma_semaphore, #tpu.memory_space<semaphore_mem>>)
    %get3A_795 = arith.constant 64 : index
    %get3A_796 = tpu.vector_load %arg9[%get3A_795] {strides = array<i32>} : memref<96xi32, #tpu.memory_space<vmem>>, vector<16xi32>,
    %get3A_797 = vector.shape_cast %get3A_796 : vector<16xi32> to vector<16xi32>
    %slice3A_798 = vector.extract_strided_slice %get3A_797 {offsets = [0], sizes = [1], strides = [1]} : vector<16xi32> to vector<1xi32>
    %squeeze3A_799 = vector.extract %slice3A_798[0] : i32 from vector<1xi32>
    %dma_start3A_800 = arith.constant 64 : i32
    %dma_start3A_801 = arith.constant 0 : i32
    %dma_start3A_802 = tpu.memref_slice %arg12[%dma_start3A_800, %dma_start3A_801] : memref<96x3xf32, #tpu.memory_space<vmem>> -> memref<1x3xf32, #tpu.memory_space<vmem>>
    %dma_start3A_803 = arith.constant 0 : i32
    %dma_start3A_804 = tpu.memref_slice %arg3[%squeeze3A_799, %dma_start3A_803] : memref<100000x3xf32, #tpu.memory_space<hbm>> -> memref<1x3xf32, #tpu.memory_space<hbm>>
    %dma_start3A_805 = arith.constant 64 : i32
    %dma_start3A_806 = arith.constant 0 : i32
    %dma_start3A_807 = tpu.memref_slice %arg12[%dma_start3A_805, %dma_start3A_806] : memref<96x3xf32, #tpu.memory_space<vmem>> -> memref<1x3xf32, #tpu.memory_space<vmem>>
    %dma_start3A_808 = arith.constant 0 : i32
    %dma_start3A_809 = tpu.memref_slice %arg3[%squeeze3A_799, %dma_start3A_808] : memref<100000x3xf32, #tpu.memory_space<hbm>> -> memref<1x3xf32, #tpu.memory_space<hbm>>
    tpu.enqueue_dma source(%dma_start3A_809 : memref<1x3xf32, #tpu.memory_space<hbm>>) target(%dma_start3A_807 : memref<1x3xf32, #tpu.memory_space<vmem>>) target_semaphore(%arg19 : memref<!tpu.dma_semaphore, #tpu.memory_space<semaphore_mem>>)
    %slice3A_810 = vector.extract_strided_slice %get3A_797 {offsets = [1], sizes = [1], strides = [1]} : vector<16xi32> to vector<1xi32>
    %squeeze3A_811 = vector.extract %slice3A_810[0] : i32 from vector<1xi32>
    %dma_start3A_812 = arith.constant 65 : i32
    %dma_start3A_813 = arith.constant 0 : i32
    %dma_start3A_814 = tpu.memref_slice %arg12[%dma_start3A_812, %dma_start3A_813] : memref<96x3xf32, #tpu.memory_space<vmem>> -> memref<1x3xf32, #tpu.memory_space<vmem>>
    %dma_start3A_815 = arith.constant 0 : i32
    %dma_start3A_816 = tpu.memref_slice %arg3[%squeeze3A_811, %dma_start3A_815] : memref<100000x3xf32, #tpu.memory_space<hbm>> -> memref<1x3xf32, #tpu.memory_space<hbm>>
    %dma_start3A_817 = arith.constant 65 : i32
    %dma_start3A_818 = arith.constant 0 : i32
    %dma_start3A_819 = tpu.memref_slice %arg12[%dma_start3A_817, %dma_start3A_818] : memref<96x3xf32, #tpu.memory_space<vmem>> -> memref<1x3xf32, #tpu.memory_space<vmem>>
    %dma_start3A_820 = arith.constant 0 : i32
    %dma_start3A_821 = tpu.memref_slice %arg3[%squeeze3A_811, %dma_start3A_820] : memref<100000x3xf32, #tpu.memory_space<hbm>> -> memref<1x3xf32, #tpu.memory_space<hbm>>
    tpu.enqueue_dma source(%dma_start3A_821 : memref<1x3xf32, #tpu.memory_space<hbm>>) target(%dma_start3A_819 : memref<1x3xf32, #tpu.memory_space<vmem>>) target_semaphore(%arg19 : memref<!tpu.dma_semaphore, #tpu.memory_space<semaphore_mem>>)
    %slice3A_822 = vector.extract_strided_slice %get3A_797 {offsets = [2], sizes = [1], strides = [1]} : vector<16xi32> to vector<1xi32>
    %squeeze3A_823 = vector.extract %slice3A_822[0] : i32 from vector<1xi32>
    %dma_start3A_824 = arith.constant 66 : i32
    %dma_start3A_825 = arith.constant 0 : i32
    %dma_start3A_826 = tpu.memref_slice %arg12[%dma_start3A_824, %dma_start3A_825] : memref<96x3xf32, #tpu.memory_space<vmem>> -> memref<1x3xf32, #tpu.memory_space<vmem>>
    %dma_start3A_827 = arith.constant 0 : i32
    %dma_start3A_828 = tpu.memref_slice %arg3[%squeeze3A_823, %dma_start3A_827] : memref<100000x3xf32, #tpu.memory_space<hbm>> -> memref<1x3xf32, #tpu.memory_space<hbm>>
    %dma_start3A_829 = arith.constant 66 : i32
    %dma_start3A_830 = arith.constant 0 : i32
    %dma_start3A_831 = tpu.memref_slice %arg12[%dma_start3A_829, %dma_start3A_830] : memref<96x3xf32, #tpu.memory_space<vmem>> -> memref<1x3xf32, #tpu.memory_space<vmem>>
    %dma_start3A_832 = arith.constant 0 : i32
    %dma_start3A_833 = tpu.memref_slice %arg3[%squeeze3A_823, %dma_start3A_832] : memref<100000x3xf32, #tpu.memory_space<hbm>> -> memref<1x3xf32, #tpu.memory_space<hbm>>
    tpu.enqueue_dma source(%dma_start3A_833 : memref<1x3xf32, #tpu.memory_space<hbm>>) target(%dma_start3A_831 : memref<1x3xf32, #tpu.memory_space<vmem>>) target_semaphore(%arg19 : memref<!tpu.dma_semaphore, #tpu.memory_space<semaphore_mem>>)
    %slice3A_834 = vector.extract_strided_slice %get3A_797 {offsets = [3], sizes = [1], strides = [1]} : vector<16xi32> to vector<1xi32>
    %squeeze3A_835 = vector.extract %slice3A_834[0] : i32 from vector<1xi32>
    %dma_start3A_836 = arith.constant 67 : i32
    %dma_start3A_837 = arith.constant 0 : i32
    %dma_start3A_838 = tpu.memref_slice %arg12[%dma_start3A_836, %dma_start3A_837] : memref<96x3xf32, #tpu.memory_space<vmem>> -> memref<1x3xf32, #tpu.memory_space<vmem>>
    %dma_start3A_839 = arith.constant 0 : i32
    %dma_start3A_840 = tpu.memref_slice %arg3[%squeeze3A_835, %dma_start3A_839] : memref<100000x3xf32, #tpu.memory_space<hbm>> -> memref<1x3xf32, #tpu.memory_space<hbm>>
    %dma_start3A_841 = arith.constant 67 : i32
    %dma_start3A_842 = arith.constant 0 : i32
    %dma_start3A_843 = tpu.memref_slice %arg12[%dma_start3A_841, %dma_start3A_842] : memref<96x3xf32, #tpu.memory_space<vmem>> -> memref<1x3xf32, #tpu.memory_space<vmem>>
    %dma_start3A_844 = arith.constant 0 : i32
    %dma_start3A_845 = tpu.memref_slice %arg3[%squeeze3A_835, %dma_start3A_844] : memref<100000x3xf32, #tpu.memory_space<hbm>> -> memref<1x3xf32, #tpu.memory_space<hbm>>
    tpu.enqueue_dma source(%dma_start3A_845 : memref<1x3xf32, #tpu.memory_space<hbm>>) target(%dma_start3A_843 : memref<1x3xf32, #tpu.memory_space<vmem>>) target_semaphore(%arg19 : memref<!tpu.dma_semaphore, #tpu.memory_space<semaphore_mem>>)
    %slice3A_846 = vector.extract_strided_slice %get3A_797 {offsets = [4], sizes = [1], strides = [1]} : vector<16xi32> to vector<1xi32>
    %squeeze3A_847 = vector.extract %slice3A_846[0] : i32 from vector<1xi32>
    %dma_start3A_848 = arith.constant 68 : i32
    %dma_start3A_849 = arith.constant 0 : i32
    %dma_start3A_850 = tpu.memref_slice %arg12[%dma_start3A_848, %dma_start3A_849] : memref<96x3xf32, #tpu.memory_space<vmem>> -> memref<1x3xf32, #tpu.memory_space<vmem>>
    %dma_start3A_851 = arith.constant 0 : i32
    %dma_start3A_852 = tpu.memref_slice %arg3[%squeeze3A_847, %dma_start3A_851] : memref<100000x3xf32, #tpu.memory_space<hbm>> -> memref<1x3xf32, #tpu.memory_space<hbm>>
    %dma_start3A_853 = arith.constant 68 : i32
    %dma_start3A_854 = arith.constant 0 : i32
    %dma_start3A_855 = tpu.memref_slice %arg12[%dma_start3A_853, %dma_start3A_854] : memref<96x3xf32, #tpu.memory_space<vmem>> -> memref<1x3xf32, #tpu.memory_space<vmem>>
    %dma_start3A_856 = arith.constant 0 : i32
    %dma_start3A_857 = tpu.memref_slice %arg3[%squeeze3A_847, %dma_start3A_856] : memref<100000x3xf32, #tpu.memory_space<hbm>> -> memref<1x3xf32, #tpu.memory_space<hbm>>
    tpu.enqueue_dma source(%dma_start3A_857 : memref<1x3xf32, #tpu.memory_space<hbm>>) target(%dma_start3A_855 : memref<1x3xf32, #tpu.memory_space<vmem>>) target_semaphore(%arg19 : memref<!tpu.dma_semaphore, #tpu.memory_space<semaphore_mem>>)
    %slice3A_858 = vector.extract_strided_slice %get3A_797 {offsets = [5], sizes = [1], strides = [1]} : vector<16xi32> to vector<1xi32>
    %squeeze3A_859 = vector.extract %slice3A_858[0] : i32 from vector<1xi32>
    %dma_start3A_860 = arith.constant 69 : i32
    %dma_start3A_861 = arith.constant 0 : i32
    %dma_start3A_862 = tpu.memref_slice %arg12[%dma_start3A_860, %dma_start3A_861] : memref<96x3xf32, #tpu.memory_space<vmem>> -> memref<1x3xf32, #tpu.memory_space<vmem>>
    %dma_start3A_863 = arith.constant 0 : i32
    %dma_start3A_864 = tpu.memref_slice %arg3[%squeeze3A_859, %dma_start3A_863] : memref<100000x3xf32, #tpu.memory_space<hbm>> -> memref<1x3xf32, #tpu.memory_space<hbm>>
    %dma_start3A_865 = arith.constant 69 : i32
    %dma_start3A_866 = arith.constant 0 : i32
    %dma_start3A_867 = tpu.memref_slice %arg12[%dma_start3A_865, %dma_start3A_866] : memref<96x3xf32, #tpu.memory_space<vmem>> -> memref<1x3xf32, #tpu.memory_space<vmem>>
    %dma_start3A_868 = arith.constant 0 : i32
    %dma_start3A_869 = tpu.memref_slice %arg3[%squeeze3A_859, %dma_start3A_868] : memref<100000x3xf32, #tpu.memory_space<hbm>> -> memref<1x3xf32, #tpu.memory_space<hbm>>
    tpu.enqueue_dma source(%dma_start3A_869 : memref<1x3xf32, #tpu.memory_space<hbm>>) target(%dma_start3A_867 : memref<1x3xf32, #tpu.memory_space<vmem>>) target_semaphore(%arg19 : memref<!tpu.dma_semaphore, #tpu.memory_space<semaphore_mem>>)
    %slice3A_870 = vector.extract_strided_slice %get3A_797 {offsets = [6], sizes = [1], strides = [1]} : vector<16xi32> to vector<1xi32>
    %squeeze3A_871 = vector.extract %slice3A_870[0] : i32 from vector<1xi32>
    %dma_start3A_872 = arith.constant 70 : i32
    %dma_start3A_873 = arith.constant 0 : i32
    %dma_start3A_874 = tpu.memref_slice %arg12[%dma_start3A_872, %dma_start3A_873] : memref<96x3xf32, #tpu.memory_space<vmem>> -> memref<1x3xf32, #tpu.memory_space<vmem>>
    %dma_start3A_875 = arith.constant 0 : i32
    %dma_start3A_876 = tpu.memref_slice %arg3[%squeeze3A_871, %dma_start3A_875] : memref<100000x3xf32, #tpu.memory_space<hbm>> -> memref<1x3xf32, #tpu.memory_space<hbm>>
    %dma_start3A_877 = arith.constant 70 : i32
    %dma_start3A_878 = arith.constant 0 : i32
    %dma_start3A_879 = tpu.memref_slice %arg12[%dma_start3A_877, %dma_start3A_878] : memref<96x3xf32, #tpu.memory_space<vmem>> -> memref<1x3xf32, #tpu.memory_space<vmem>>
    %dma_start3A_880 = arith.constant 0 : i32
    %dma_start3A_881 = tpu.memref_slice %arg3[%squeeze3A_871, %dma_start3A_880] : memref<100000x3xf32, #tpu.memory_space<hbm>> -> memref<1x3xf32, #tpu.memory_space<hbm>>
    tpu.enqueue_dma source(%dma_start3A_881 : memref<1x3xf32, #tpu.memory_space<hbm>>) target(%dma_start3A_879 : memref<1x3xf32, #tpu.memory_space<vmem>>) target_semaphore(%arg19 : memref<!tpu.dma_semaphore, #tpu.memory_space<semaphore_mem>>)
    %slice3A_882 = vector.extract_strided_slice %get3A_797 {offsets = [7], sizes = [1], strides = [1]} : vector<16xi32> to vector<1xi32>
    %squeeze3A_883 = vector.extract %slice3A_882[0] : i32 from vector<1xi32>
    %dma_start3A_884 = arith.constant 71 : i32
    %dma_start3A_885 = arith.constant 0 : i32
    %dma_start3A_886 = tpu.memref_slice %arg12[%dma_start3A_884, %dma_start3A_885] : memref<96x3xf32, #tpu.memory_space<vmem>> -> memref<1x3xf32, #tpu.memory_space<vmem>>
    %dma_start3A_887 = arith.constant 0 : i32
    %dma_start3A_888 = tpu.memref_slice %arg3[%squeeze3A_883, %dma_start3A_887] : memref<100000x3xf32, #tpu.memory_space<hbm>> -> memref<1x3xf32, #tpu.memory_space<hbm>>
    %dma_start3A_889 = arith.constant 71 : i32
    %dma_start3A_890 = arith.constant 0 : i32
    %dma_start3A_891 = tpu.memref_slice %arg12[%dma_start3A_889, %dma_start3A_890] : memref<96x3xf32, #tpu.memory_space<vmem>> -> memref<1x3xf32, #tpu.memory_space<vmem>>
    %dma_start3A_892 = arith.constant 0 : i32
    %dma_start3A_893 = tpu.memref_slice %arg3[%squeeze3A_883, %dma_start3A_892] : memref<100000x3xf32, #tpu.memory_space<hbm>> -> memref<1x3xf32, #tpu.memory_space<hbm>>
    tpu.enqueue_dma source(%dma_start3A_893 : memref<1x3xf32, #tpu.memory_space<hbm>>) target(%dma_start3A_891 : memref<1x3xf32, #tpu.memory_space<vmem>>) target_semaphore(%arg19 : memref<!tpu.dma_semaphore, #tpu.memory_space<semaphore_mem>>)
    %slice3A_894 = vector.extract_strided_slice %get3A_797 {offsets = [8], sizes = [1], strides = [1]} : vector<16xi32> to vector<1xi32>
    %squeeze3A_895 = vector.extract %slice3A_894[0] : i32 from vector<1xi32>
    %dma_start3A_896 = arith.constant 72 : i32
    %dma_start3A_897 = arith.constant 0 : i32
    %dma_start3A_898 = tpu.memref_slice %arg12[%dma_start3A_896, %dma_start3A_897] : memref<96x3xf32, #tpu.memory_space<vmem>> -> memref<1x3xf32, #tpu.memory_space<vmem>>
    %dma_start3A_899 = arith.constant 0 : i32
    %dma_start3A_900 = tpu.memref_slice %arg3[%squeeze3A_895, %dma_start3A_899] : memref<100000x3xf32, #tpu.memory_space<hbm>> -> memref<1x3xf32, #tpu.memory_space<hbm>>
    %dma_start3A_901 = arith.constant 72 : i32
    %dma_start3A_902 = arith.constant 0 : i32
    %dma_start3A_903 = tpu.memref_slice %arg12[%dma_start3A_901, %dma_start3A_902] : memref<96x3xf32, #tpu.memory_space<vmem>> -> memref<1x3xf32, #tpu.memory_space<vmem>>
    %dma_start3A_904 = arith.constant 0 : i32
    %dma_start3A_905 = tpu.memref_slice %arg3[%squeeze3A_895, %dma_start3A_904] : memref<100000x3xf32, #tpu.memory_space<hbm>> -> memref<1x3xf32, #tpu.memory_space<hbm>>
    tpu.enqueue_dma source(%dma_start3A_905 : memref<1x3xf32, #tpu.memory_space<hbm>>) target(%dma_start3A_903 : memref<1x3xf32, #tpu.memory_space<vmem>>) target_semaphore(%arg19 : memref<!tpu.dma_semaphore, #tpu.memory_space<semaphore_mem>>)
    %slice3A_906 = vector.extract_strided_slice %get3A_797 {offsets = [9], sizes = [1], strides = [1]} : vector<16xi32> to vector<1xi32>
    %squeeze3A_907 = vector.extract %slice3A_906[0] : i32 from vector<1xi32>
    %dma_start3A_908 = arith.constant 73 : i32
    %dma_start3A_909 = arith.constant 0 : i32
    %dma_start3A_910 = tpu.memref_slice %arg12[%dma_start3A_908, %dma_start3A_909] : memref<96x3xf32, #tpu.memory_space<vmem>> -> memref<1x3xf32, #tpu.memory_space<vmem>>
    %dma_start3A_911 = arith.constant 0 : i32
    %dma_start3A_912 = tpu.memref_slice %arg3[%squeeze3A_907, %dma_start3A_911] : memref<100000x3xf32, #tpu.memory_space<hbm>> -> memref<1x3xf32, #tpu.memory_space<hbm>>
    %dma_start3A_913 = arith.constant 73 : i32
    %dma_start3A_914 = arith.constant 0 : i32
    %dma_start3A_915 = tpu.memref_slice %arg12[%dma_start3A_913, %dma_start3A_914] : memref<96x3xf32, #tpu.memory_space<vmem>> -> memref<1x3xf32, #tpu.memory_space<vmem>>
    %dma_start3A_916 = arith.constant 0 : i32
    %dma_start3A_917 = tpu.memref_slice %arg3[%squeeze3A_907, %dma_start3A_916] : memref<100000x3xf32, #tpu.memory_space<hbm>> -> memref<1x3xf32, #tpu.memory_space<hbm>>
    tpu.enqueue_dma source(%dma_start3A_917 : memref<1x3xf32, #tpu.memory_space<hbm>>) target(%dma_start3A_915 : memref<1x3xf32, #tpu.memory_space<vmem>>) target_semaphore(%arg19 : memref<!tpu.dma_semaphore, #tpu.memory_space<semaphore_mem>>)
    %slice3A_918 = vector.extract_strided_slice %get3A_797 {offsets = [10], sizes = [1], strides = [1]} : vector<16xi32> to vector<1xi32>
    %squeeze3A_919 = vector.extract %slice3A_918[0] : i32 from vector<1xi32>
    %dma_start3A_920 = arith.constant 74 : i32
    %dma_start3A_921 = arith.constant 0 : i32
    %dma_start3A_922 = tpu.memref_slice %arg12[%dma_start3A_920, %dma_start3A_921] : memref<96x3xf32, #tpu.memory_space<vmem>> -> memref<1x3xf32, #tpu.memory_space<vmem>>
    %dma_start3A_923 = arith.constant 0 : i32
    %dma_start3A_924 = tpu.memref_slice %arg3[%squeeze3A_919, %dma_start3A_923] : memref<100000x3xf32, #tpu.memory_space<hbm>> -> memref<1x3xf32, #tpu.memory_space<hbm>>
    %dma_start3A_925 = arith.constant 74 : i32
    %dma_start3A_926 = arith.constant 0 : i32
    %dma_start3A_927 = tpu.memref_slice %arg12[%dma_start3A_925, %dma_start3A_926] : memref<96x3xf32, #tpu.memory_space<vmem>> -> memref<1x3xf32, #tpu.memory_space<vmem>>
    %dma_start3A_928 = arith.constant 0 : i32
    %dma_start3A_929 = tpu.memref_slice %arg3[%squeeze3A_919, %dma_start3A_928] : memref<100000x3xf32, #tpu.memory_space<hbm>> -> memref<1x3xf32, #tpu.memory_space<hbm>>
    tpu.enqueue_dma source(%dma_start3A_929 : memref<1x3xf32, #tpu.memory_space<hbm>>) target(%dma_start3A_927 : memref<1x3xf32, #tpu.memory_space<vmem>>) target_semaphore(%arg19 : memref<!tpu.dma_semaphore, #tpu.memory_space<semaphore_mem>>)
    %slice3A_930 = vector.extract_strided_slice %get3A_797 {offsets = [11], sizes = [1], strides = [1]} : vector<16xi32> to vector<1xi32>
    %squeeze3A_931 = vector.extract %slice3A_930[0] : i32 from vector<1xi32>
    %dma_start3A_932 = arith.constant 75 : i32
    %dma_start3A_933 = arith.constant 0 : i32
    %dma_start3A_934 = tpu.memref_slice %arg12[%dma_start3A_932, %dma_start3A_933] : memref<96x3xf32, #tpu.memory_space<vmem>> -> memref<1x3xf32, #tpu.memory_space<vmem>>
    %dma_start3A_935 = arith.constant 0 : i32
    %dma_start3A_936 = tpu.memref_slice %arg3[%squeeze3A_931, %dma_start3A_935] : memref<100000x3xf32, #tpu.memory_space<hbm>> -> memref<1x3xf32, #tpu.memory_space<hbm>>
    %dma_start3A_937 = arith.constant 75 : i32
    %dma_start3A_938 = arith.constant 0 : i32
    %dma_start3A_939 = tpu.memref_slice %arg12[%dma_start3A_937, %dma_start3A_938] : memref<96x3xf32, #tpu.memory_space<vmem>> -> memref<1x3xf32, #tpu.memory_space<vmem>>
    %dma_start3A_940 = arith.constant 0 : i32
    %dma_start3A_941 = tpu.memref_slice %arg3[%squeeze3A_931, %dma_start3A_940] : memref<100000x3xf32, #tpu.memory_space<hbm>> -> memref<1x3xf32, #tpu.memory_space<hbm>>
    tpu.enqueue_dma source(%dma_start3A_941 : memref<1x3xf32, #tpu.memory_space<hbm>>) target(%dma_start3A_939 : memref<1x3xf32, #tpu.memory_space<vmem>>) target_semaphore(%arg19 : memref<!tpu.dma_semaphore, #tpu.memory_space<semaphore_mem>>)
    %slice3A_942 = vector.extract_strided_slice %get3A_797 {offsets = [12], sizes = [1], strides = [1]} : vector<16xi32> to vector<1xi32>
    %squeeze3A_943 = vector.extract %slice3A_942[0] : i32 from vector<1xi32>
    %dma_start3A_944 = arith.constant 76 : i32
    %dma_start3A_945 = arith.constant 0 : i32
    %dma_start3A_946 = tpu.memref_slice %arg12[%dma_start3A_944, %dma_start3A_945] : memref<96x3xf32, #tpu.memory_space<vmem>> -> memref<1x3xf32, #tpu.memory_space<vmem>>
    %dma_start3A_947 = arith.constant 0 : i32
    %dma_start3A_948 = tpu.memref_slice %arg3[%squeeze3A_943, %dma_start3A_947] : memref<100000x3xf32, #tpu.memory_space<hbm>> -> memref<1x3xf32, #tpu.memory_space<hbm>>
    %dma_start3A_949 = arith.constant 76 : i32
    %dma_start3A_950 = arith.constant 0 : i32
    %dma_start3A_951 = tpu.memref_slice %arg12[%dma_start3A_949, %dma_start3A_950] : memref<96x3xf32, #tpu.memory_space<vmem>> -> memref<1x3xf32, #tpu.memory_space<vmem>>
    %dma_start3A_952 = arith.constant 0 : i32
    %dma_start3A_953 = tpu.memref_slice %arg3[%squeeze3A_943, %dma_start3A_952] : memref<100000x3xf32, #tpu.memory_space<hbm>> -> memref<1x3xf32, #tpu.memory_space<hbm>>
    tpu.enqueue_dma source(%dma_start3A_953 : memref<1x3xf32, #tpu.memory_space<hbm>>) target(%dma_start3A_951 : memref<1x3xf32, #tpu.memory_space<vmem>>) target_semaphore(%arg19 : memref<!tpu.dma_semaphore, #tpu.memory_space<semaphore_mem>>)
    %slice3A_954 = vector.extract_strided_slice %get3A_797 {offsets = [13], sizes = [1], strides = [1]} : vector<16xi32> to vector<1xi32>
    %squeeze3A_955 = vector.extract %slice3A_954[0] : i32 from vector<1xi32>
    %dma_start3A_956 = arith.constant 77 : i32
    %dma_start3A_957 = arith.constant 0 : i32
    %dma_start3A_958 = tpu.memref_slice %arg12[%dma_start3A_956, %dma_start3A_957] : memref<96x3xf32, #tpu.memory_space<vmem>> -> memref<1x3xf32, #tpu.memory_space<vmem>>
    %dma_start3A_959 = arith.constant 0 : i32
    %dma_start3A_960 = tpu.memref_slice %arg3[%squeeze3A_955, %dma_start3A_959] : memref<100000x3xf32, #tpu.memory_space<hbm>> -> memref<1x3xf32, #tpu.memory_space<hbm>>
    %dma_start3A_961 = arith.constant 77 : i32
    %dma_start3A_962 = arith.constant 0 : i32
    %dma_start3A_963 = tpu.memref_slice %arg12[%dma_start3A_961, %dma_start3A_962] : memref<96x3xf32, #tpu.memory_space<vmem>> -> memref<1x3xf32, #tpu.memory_space<vmem>>
    %dma_start3A_964 = arith.constant 0 : i32
    %dma_start3A_965 = tpu.memref_slice %arg3[%squeeze3A_955, %dma_start3A_964] : memref<100000x3xf32, #tpu.memory_space<hbm>> -> memref<1x3xf32, #tpu.memory_space<hbm>>
    tpu.enqueue_dma source(%dma_start3A_965 : memref<1x3xf32, #tpu.memory_space<hbm>>) target(%dma_start3A_963 : memref<1x3xf32, #tpu.memory_space<vmem>>) target_semaphore(%arg19 : memref<!tpu.dma_semaphore, #tpu.memory_space<semaphore_mem>>)
    %slice3A_966 = vector.extract_strided_slice %get3A_797 {offsets = [14], sizes = [1], strides = [1]} : vector<16xi32> to vector<1xi32>
    %squeeze3A_967 = vector.extract %slice3A_966[0] : i32 from vector<1xi32>
    %dma_start3A_968 = arith.constant 78 : i32
    %dma_start3A_969 = arith.constant 0 : i32
    %dma_start3A_970 = tpu.memref_slice %arg12[%dma_start3A_968, %dma_start3A_969] : memref<96x3xf32, #tpu.memory_space<vmem>> -> memref<1x3xf32, #tpu.memory_space<vmem>>
    %dma_start3A_971 = arith.constant 0 : i32
    %dma_start3A_972 = tpu.memref_slice %arg3[%squeeze3A_967, %dma_start3A_971] : memref<100000x3xf32, #tpu.memory_space<hbm>> -> memref<1x3xf32, #tpu.memory_space<hbm>>
    %dma_start3A_973 = arith.constant 78 : i32
    %dma_start3A_974 = arith.constant 0 : i32
    %dma_start3A_975 = tpu.memref_slice %arg12[%dma_start3A_973, %dma_start3A_974] : memref<96x3xf32, #tpu.memory_space<vmem>> -> memref<1x3xf32, #tpu.memory_space<vmem>>
    %dma_start3A_976 = arith.constant 0 : i32
    %dma_start3A_977 = tpu.memref_slice %arg3[%squeeze3A_967, %dma_start3A_976] : memref<100000x3xf32, #tpu.memory_space<hbm>> -> memref<1x3xf32, #tpu.memory_space<hbm>>
    tpu.enqueue_dma source(%dma_start3A_977 : memref<1x3xf32, #tpu.memory_space<hbm>>) target(%dma_start3A_975 : memref<1x3xf32, #tpu.memory_space<vmem>>) target_semaphore(%arg19 : memref<!tpu.dma_semaphore, #tpu.memory_space<semaphore_mem>>)
    %slice3A_978 = vector.extract_strided_slice %get3A_797 {offsets = [15], sizes = [1], strides = [1]} : vector<16xi32> to vector<1xi32>
    %squeeze3A_979 = vector.extract %slice3A_978[0] : i32 from vector<1xi32>
    %dma_start3A_980 = arith.constant 79 : i32
    %dma_start3A_981 = arith.constant 0 : i32
    %dma_start3A_982 = tpu.memref_slice %arg12[%dma_start3A_980, %dma_start3A_981] : memref<96x3xf32, #tpu.memory_space<vmem>> -> memref<1x3xf32, #tpu.memory_space<vmem>>
    %dma_start3A_983 = arith.constant 0 : i32
    %dma_start3A_984 = tpu.memref_slice %arg3[%squeeze3A_979, %dma_start3A_983] : memref<100000x3xf32, #tpu.memory_space<hbm>> -> memref<1x3xf32, #tpu.memory_space<hbm>>
    %dma_start3A_985 = arith.constant 79 : i32
    %dma_start3A_986 = arith.constant 0 : i32
    %dma_start3A_987 = tpu.memref_slice %arg12[%dma_start3A_985, %dma_start3A_986] : memref<96x3xf32, #tpu.memory_space<vmem>> -> memref<1x3xf32, #tpu.memory_space<vmem>>
    %dma_start3A_988 = arith.constant 0 : i32
    %dma_start3A_989 = tpu.memref_slice %arg3[%squeeze3A_979, %dma_start3A_988] : memref<100000x3xf32, #tpu.memory_space<hbm>> -> memref<1x3xf32, #tpu.memory_space<hbm>>
    tpu.enqueue_dma source(%dma_start3A_989 : memref<1x3xf32, #tpu.memory_space<hbm>>) target(%dma_start3A_987 : memref<1x3xf32, #tpu.memory_space<vmem>>) target_semaphore(%arg19 : memref<!tpu.dma_semaphore, #tpu.memory_space<semaphore_mem>>)
    %get3A_990 = arith.constant 80 : index
    %get3A_991 = tpu.vector_load %arg9[%get3A_990] {strides = array<i32>} : memref<96xi32, #tpu.memory_space<vmem>>, vector<16xi32>,
    %get3A_992 = vector.shape_cast %get3A_991 : vector<16xi32> to vector<16xi32>
    %slice3A_993 = vector.extract_strided_slice %get3A_992 {offsets = [0], sizes = [1], strides = [1]} : vector<16xi32> to vector<1xi32>
    %squeeze3A_994 = vector.extract %slice3A_993[0] : i32 from vector<1xi32>
    %dma_start3A_995 = arith.constant 80 : i32
    %dma_start3A_996 = arith.constant 0 : i32
    %dma_start3A_997 = tpu.memref_slice %arg12[%dma_start3A_995, %dma_start3A_996] : memref<96x3xf32, #tpu.memory_space<vmem>> -> memref<1x3xf32, #tpu.memory_space<vmem>>
    %dma_start3A_998 = arith.constant 0 : i32
    %dma_start3A_999 = tpu.memref_slice %arg3[%squeeze3A_994, %dma_start3A_998] : memref<100000x3xf32, #tpu.memory_space<hbm>> -> memref<1x3xf32, #tpu.memory_space<hbm>>
    %dma_start3A_1000 = arith.constant 80 : i32
    %dma_start3A_1001 = arith.constant 0 : i32
    %dma_start3A_1002 = tpu.memref_slice %arg12[%dma_start3A_1000, %dma_start3A_1001] : memref<96x3xf32, #tpu.memory_space<vmem>> -> memref<1x3xf32, #tpu.memory_space<vmem>>
    %dma_start3A_1003 = arith.constant 0 : i32
    %dma_start3A_1004 = tpu.memref_slice %arg3[%squeeze3A_994, %dma_start3A_1003] : memref<100000x3xf32, #tpu.memory_space<hbm>> -> memref<1x3xf32, #tpu.memory_space<hbm>>
    tpu.enqueue_dma source(%dma_start3A_1004 : memref<1x3xf32, #tpu.memory_space<hbm>>) target(%dma_start3A_1002 : memref<1x3xf32, #tpu.memory_space<vmem>>) target_semaphore(%arg19 : memref<!tpu.dma_semaphore, #tpu.memory_space<semaphore_mem>>)
    %slice3A_1005 = vector.extract_strided_slice %get3A_992 {offsets = [1], sizes = [1], strides = [1]} : vector<16xi32> to vector<1xi32>
    %squeeze3A_1006 = vector.extract %slice3A_1005[0] : i32 from vector<1xi32>
    %dma_start3A_1007 = arith.constant 81 : i32
    %dma_start3A_1008 = arith.constant 0 : i32
    %dma_start3A_1009 = tpu.memref_slice %arg12[%dma_start3A_1007, %dma_start3A_1008] : memref<96x3xf32, #tpu.memory_space<vmem>> -> memref<1x3xf32, #tpu.memory_space<vmem>>
    %dma_start3A_1010 = arith.constant 0 : i32
    %dma_start3A_1011 = tpu.memref_slice %arg3[%squeeze3A_1006, %dma_start3A_1010] : memref<100000x3xf32, #tpu.memory_space<hbm>> -> memref<1x3xf32, #tpu.memory_space<hbm>>
    %dma_start3A_1012 = arith.constant 81 : i32
    %dma_start3A_1013 = arith.constant 0 : i32
    %dma_start3A_1014 = tpu.memref_slice %arg12[%dma_start3A_1012, %dma_start3A_1013] : memref<96x3xf32, #tpu.memory_space<vmem>> -> memref<1x3xf32, #tpu.memory_space<vmem>>
    %dma_start3A_1015 = arith.constant 0 : i32
    %dma_start3A_1016 = tpu.memref_slice %arg3[%squeeze3A_1006, %dma_start3A_1015] : memref<100000x3xf32, #tpu.memory_space<hbm>> -> memref<1x3xf32, #tpu.memory_space<hbm>>
    tpu.enqueue_dma source(%dma_start3A_1016 : memref<1x3xf32, #tpu.memory_space<hbm>>) target(%dma_start3A_1014 : memref<1x3xf32, #tpu.memory_space<vmem>>) target_semaphore(%arg19 : memref<!tpu.dma_semaphore, #tpu.memory_space<semaphore_mem>>)
    %slice3A_1017 = vector.extract_strided_slice %get3A_992 {offsets = [2], sizes = [1], strides = [1]} : vector<16xi32> to vector<1xi32>
    %squeeze3A_1018 = vector.extract %slice3A_1017[0] : i32 from vector<1xi32>
    %dma_start3A_1019 = arith.constant 82 : i32
    %dma_start3A_1020 = arith.constant 0 : i32
    %dma_start3A_1021 = tpu.memref_slice %arg12[%dma_start3A_1019, %dma_start3A_1020] : memref<96x3xf32, #tpu.memory_space<vmem>> -> memref<1x3xf32, #tpu.memory_space<vmem>>
    %dma_start3A_1022 = arith.constant 0 : i32
    %dma_start3A_1023 = tpu.memref_slice %arg3[%squeeze3A_1018, %dma_start3A_1022] : memref<100000x3xf32, #tpu.memory_space<hbm>> -> memref<1x3xf32, #tpu.memory_space<hbm>>
    %dma_start3A_1024 = arith.constant 82 : i32
    %dma_start3A_1025 = arith.constant 0 : i32
    %dma_start3A_1026 = tpu.memref_slice %arg12[%dma_start3A_1024, %dma_start3A_1025] : memref<96x3xf32, #tpu.memory_space<vmem>> -> memref<1x3xf32, #tpu.memory_space<vmem>>
    %dma_start3A_1027 = arith.constant 0 : i32
    %dma_start3A_1028 = tpu.memref_slice %arg3[%squeeze3A_1018, %dma_start3A_1027] : memref<100000x3xf32, #tpu.memory_space<hbm>> -> memref<1x3xf32, #tpu.memory_space<hbm>>
    tpu.enqueue_dma source(%dma_start3A_1028 : memref<1x3xf32, #tpu.memory_space<hbm>>) target(%dma_start3A_1026 : memref<1x3xf32, #tpu.memory_space<vmem>>) target_semaphore(%arg19 : memref<!tpu.dma_semaphore, #tpu.memory_space<semaphore_mem>>)
    %slice3A_1029 = vector.extract_strided_slice %get3A_992 {offsets = [3], sizes = [1], strides = [1]} : vector<16xi32> to vector<1xi32>
    %squeeze3A_1030 = vector.extract %slice3A_1029[0] : i32 from vector<1xi32>
    %dma_start3A_1031 = arith.constant 83 : i32
    %dma_start3A_1032 = arith.constant 0 : i32
    %dma_start3A_1033 = tpu.memref_slice %arg12[%dma_start3A_1031, %dma_start3A_1032] : memref<96x3xf32, #tpu.memory_space<vmem>> -> memref<1x3xf32, #tpu.memory_space<vmem>>
    %dma_start3A_1034 = arith.constant 0 : i32
    %dma_start3A_1035 = tpu.memref_slice %arg3[%squeeze3A_1030, %dma_start3A_1034] : memref<100000x3xf32, #tpu.memory_space<hbm>> -> memref<1x3xf32, #tpu.memory_space<hbm>>
    %dma_start3A_1036 = arith.constant 83 : i32
    %dma_start3A_1037 = arith.constant 0 : i32
    %dma_start3A_1038 = tpu.memref_slice %arg12[%dma_start3A_1036, %dma_start3A_1037] : memref<96x3xf32, #tpu.memory_space<vmem>> -> memref<1x3xf32, #tpu.memory_space<vmem>>
    %dma_start3A_1039 = arith.constant 0 : i32
    %dma_start3A_1040 = tpu.memref_slice %arg3[%squeeze3A_1030, %dma_start3A_1039] : memref<100000x3xf32, #tpu.memory_space<hbm>> -> memref<1x3xf32, #tpu.memory_space<hbm>>
    tpu.enqueue_dma source(%dma_start3A_1040 : memref<1x3xf32, #tpu.memory_space<hbm>>) target(%dma_start3A_1038 : memref<1x3xf32, #tpu.memory_space<vmem>>) target_semaphore(%arg19 : memref<!tpu.dma_semaphore, #tpu.memory_space<semaphore_mem>>)
    %slice3A_1041 = vector.extract_strided_slice %get3A_992 {offsets = [4], sizes = [1], strides = [1]} : vector<16xi32> to vector<1xi32>
    %squeeze3A_1042 = vector.extract %slice3A_1041[0] : i32 from vector<1xi32>
    %dma_start3A_1043 = arith.constant 84 : i32
    %dma_start3A_1044 = arith.constant 0 : i32
    %dma_start3A_1045 = tpu.memref_slice %arg12[%dma_start3A_1043, %dma_start3A_1044] : memref<96x3xf32, #tpu.memory_space<vmem>> -> memref<1x3xf32, #tpu.memory_space<vmem>>
    %dma_start3A_1046 = arith.constant 0 : i32
    %dma_start3A_1047 = tpu.memref_slice %arg3[%squeeze3A_1042, %dma_start3A_1046] : memref<100000x3xf32, #tpu.memory_space<hbm>> -> memref<1x3xf32, #tpu.memory_space<hbm>>
    %dma_start3A_1048 = arith.constant 84 : i32
    %dma_start3A_1049 = arith.constant 0 : i32
    %dma_start3A_1050 = tpu.memref_slice %arg12[%dma_start3A_1048, %dma_start3A_1049] : memref<96x3xf32, #tpu.memory_space<vmem>> -> memref<1x3xf32, #tpu.memory_space<vmem>>
    %dma_start3A_1051 = arith.constant 0 : i32
    %dma_start3A_1052 = tpu.memref_slice %arg3[%squeeze3A_1042, %dma_start3A_1051] : memref<100000x3xf32, #tpu.memory_space<hbm>> -> memref<1x3xf32, #tpu.memory_space<hbm>>
    tpu.enqueue_dma source(%dma_start3A_1052 : memref<1x3xf32, #tpu.memory_space<hbm>>) target(%dma_start3A_1050 : memref<1x3xf32, #tpu.memory_space<vmem>>) target_semaphore(%arg19 : memref<!tpu.dma_semaphore, #tpu.memory_space<semaphore_mem>>)
    %slice3A_1053 = vector.extract_strided_slice %get3A_992 {offsets = [5], sizes = [1], strides = [1]} : vector<16xi32> to vector<1xi32>
    %squeeze3A_1054 = vector.extract %slice3A_1053[0] : i32 from vector<1xi32>
    %dma_start3A_1055 = arith.constant 85 : i32
    %dma_start3A_1056 = arith.constant 0 : i32
    %dma_start3A_1057 = tpu.memref_slice %arg12[%dma_start3A_1055, %dma_start3A_1056] : memref<96x3xf32, #tpu.memory_space<vmem>> -> memref<1x3xf32, #tpu.memory_space<vmem>>
    %dma_start3A_1058 = arith.constant 0 : i32
    %dma_start3A_1059 = tpu.memref_slice %arg3[%squeeze3A_1054, %dma_start3A_1058] : memref<100000x3xf32, #tpu.memory_space<hbm>> -> memref<1x3xf32, #tpu.memory_space<hbm>>
    %dma_start3A_1060 = arith.constant 85 : i32
    %dma_start3A_1061 = arith.constant 0 : i32
    %dma_start3A_1062 = tpu.memref_slice %arg12[%dma_start3A_1060, %dma_start3A_1061] : memref<96x3xf32, #tpu.memory_space<vmem>> -> memref<1x3xf32, #tpu.memory_space<vmem>>
    %dma_start3A_1063 = arith.constant 0 : i32
    %dma_start3A_1064 = tpu.memref_slice %arg3[%squeeze3A_1054, %dma_start3A_1063] : memref<100000x3xf32, #tpu.memory_space<hbm>> -> memref<1x3xf32, #tpu.memory_space<hbm>>
    tpu.enqueue_dma source(%dma_start3A_1064 : memref<1x3xf32, #tpu.memory_space<hbm>>) target(%dma_start3A_1062 : memref<1x3xf32, #tpu.memory_space<vmem>>) target_semaphore(%arg19 : memref<!tpu.dma_semaphore, #tpu.memory_space<semaphore_mem>>)
    %slice3A_1065 = vector.extract_strided_slice %get3A_992 {offsets = [6], sizes = [1], strides = [1]} : vector<16xi32> to vector<1xi32>
    %squeeze3A_1066 = vector.extract %slice3A_1065[0] : i32 from vector<1xi32>
    %dma_start3A_1067 = arith.constant 86 : i32
    %dma_start3A_1068 = arith.constant 0 : i32
    %dma_start3A_1069 = tpu.memref_slice %arg12[%dma_start3A_1067, %dma_start3A_1068] : memref<96x3xf32, #tpu.memory_space<vmem>> -> memref<1x3xf32, #tpu.memory_space<vmem>>
    %dma_start3A_1070 = arith.constant 0 : i32
    %dma_start3A_1071 = tpu.memref_slice %arg3[%squeeze3A_1066, %dma_start3A_1070] : memref<100000x3xf32, #tpu.memory_space<hbm>> -> memref<1x3xf32, #tpu.memory_space<hbm>>
    %dma_start3A_1072 = arith.constant 86 : i32
    %dma_start3A_1073 = arith.constant 0 : i32
    %dma_start3A_1074 = tpu.memref_slice %arg12[%dma_start3A_1072, %dma_start3A_1073] : memref<96x3xf32, #tpu.memory_space<vmem>> -> memref<1x3xf32, #tpu.memory_space<vmem>>
    %dma_start3A_1075 = arith.constant 0 : i32
    %dma_start3A_1076 = tpu.memref_slice %arg3[%squeeze3A_1066, %dma_start3A_1075] : memref<100000x3xf32, #tpu.memory_space<hbm>> -> memref<1x3xf32, #tpu.memory_space<hbm>>
    tpu.enqueue_dma source(%dma_start3A_1076 : memref<1x3xf32, #tpu.memory_space<hbm>>) target(%dma_start3A_1074 : memref<1x3xf32, #tpu.memory_space<vmem>>) target_semaphore(%arg19 : memref<!tpu.dma_semaphore, #tpu.memory_space<semaphore_mem>>)
    %slice3A_1077 = vector.extract_strided_slice %get3A_992 {offsets = [7], sizes = [1], strides = [1]} : vector<16xi32> to vector<1xi32>
    %squeeze3A_1078 = vector.extract %slice3A_1077[0] : i32 from vector<1xi32>
    %dma_start3A_1079 = arith.constant 87 : i32
    %dma_start3A_1080 = arith.constant 0 : i32
    %dma_start3A_1081 = tpu.memref_slice %arg12[%dma_start3A_1079, %dma_start3A_1080] : memref<96x3xf32, #tpu.memory_space<vmem>> -> memref<1x3xf32, #tpu.memory_space<vmem>>
    %dma_start3A_1082 = arith.constant 0 : i32
    %dma_start3A_1083 = tpu.memref_slice %arg3[%squeeze3A_1078, %dma_start3A_1082] : memref<100000x3xf32, #tpu.memory_space<hbm>> -> memref<1x3xf32, #tpu.memory_space<hbm>>
    %dma_start3A_1084 = arith.constant 87 : i32
    %dma_start3A_1085 = arith.constant 0 : i32
    %dma_start3A_1086 = tpu.memref_slice %arg12[%dma_start3A_1084, %dma_start3A_1085] : memref<96x3xf32, #tpu.memory_space<vmem>> -> memref<1x3xf32, #tpu.memory_space<vmem>>
    %dma_start3A_1087 = arith.constant 0 : i32
    %dma_start3A_1088 = tpu.memref_slice %arg3[%squeeze3A_1078, %dma_start3A_1087] : memref<100000x3xf32, #tpu.memory_space<hbm>> -> memref<1x3xf32, #tpu.memory_space<hbm>>
    tpu.enqueue_dma source(%dma_start3A_1088 : memref<1x3xf32, #tpu.memory_space<hbm>>) target(%dma_start3A_1086 : memref<1x3xf32, #tpu.memory_space<vmem>>) target_semaphore(%arg19 : memref<!tpu.dma_semaphore, #tpu.memory_space<semaphore_mem>>)
    %slice3A_1089 = vector.extract_strided_slice %get3A_992 {offsets = [8], sizes = [1], strides = [1]} : vector<16xi32> to vector<1xi32>
    %squeeze3A_1090 = vector.extract %slice3A_1089[0] : i32 from vector<1xi32>
    %dma_start3A_1091 = arith.constant 88 : i32
    %dma_start3A_1092 = arith.constant 0 : i32
    %dma_start3A_1093 = tpu.memref_slice %arg12[%dma_start3A_1091, %dma_start3A_1092] : memref<96x3xf32, #tpu.memory_space<vmem>> -> memref<1x3xf32, #tpu.memory_space<vmem>>
    %dma_start3A_1094 = arith.constant 0 : i32
    %dma_start3A_1095 = tpu.memref_slice %arg3[%squeeze3A_1090, %dma_start3A_1094] : memref<100000x3xf32, #tpu.memory_space<hbm>> -> memref<1x3xf32, #tpu.memory_space<hbm>>
    %dma_start3A_1096 = arith.constant 88 : i32
    %dma_start3A_1097 = arith.constant 0 : i32
    %dma_start3A_1098 = tpu.memref_slice %arg12[%dma_start3A_1096, %dma_start3A_1097] : memref<96x3xf32, #tpu.memory_space<vmem>> -> memref<1x3xf32, #tpu.memory_space<vmem>>
    %dma_start3A_1099 = arith.constant 0 : i32
    %dma_start3A_1100 = tpu.memref_slice %arg3[%squeeze3A_1090, %dma_start3A_1099] : memref<100000x3xf32, #tpu.memory_space<hbm>> -> memref<1x3xf32, #tpu.memory_space<hbm>>
    tpu.enqueue_dma source(%dma_start3A_1100 : memref<1x3xf32, #tpu.memory_space<hbm>>) target(%dma_start3A_1098 : memref<1x3xf32, #tpu.memory_space<vmem>>) target_semaphore(%arg19 : memref<!tpu.dma_semaphore, #tpu.memory_space<semaphore_mem>>)
    %slice3A_1101 = vector.extract_strided_slice %get3A_992 {offsets = [9], sizes = [1], strides = [1]} : vector<16xi32> to vector<1xi32>
    %squeeze3A_1102 = vector.extract %slice3A_1101[0] : i32 from vector<1xi32>
    %dma_start3A_1103 = arith.constant 89 : i32
    %dma_start3A_1104 = arith.constant 0 : i32
    %dma_start3A_1105 = tpu.memref_slice %arg12[%dma_start3A_1103, %dma_start3A_1104] : memref<96x3xf32, #tpu.memory_space<vmem>> -> memref<1x3xf32, #tpu.memory_space<vmem>>
    %dma_start3A_1106 = arith.constant 0 : i32
    %dma_start3A_1107 = tpu.memref_slice %arg3[%squeeze3A_1102, %dma_start3A_1106] : memref<100000x3xf32, #tpu.memory_space<hbm>> -> memref<1x3xf32, #tpu.memory_space<hbm>>
    %dma_start3A_1108 = arith.constant 89 : i32
    %dma_start3A_1109 = arith.constant 0 : i32
    %dma_start3A_1110 = tpu.memref_slice %arg12[%dma_start3A_1108, %dma_start3A_1109] : memref<96x3xf32, #tpu.memory_space<vmem>> -> memref<1x3xf32, #tpu.memory_space<vmem>>
    %dma_start3A_1111 = arith.constant 0 : i32
    %dma_start3A_1112 = tpu.memref_slice %arg3[%squeeze3A_1102, %dma_start3A_1111] : memref<100000x3xf32, #tpu.memory_space<hbm>> -> memref<1x3xf32, #tpu.memory_space<hbm>>
    tpu.enqueue_dma source(%dma_start3A_1112 : memref<1x3xf32, #tpu.memory_space<hbm>>) target(%dma_start3A_1110 : memref<1x3xf32, #tpu.memory_space<vmem>>) target_semaphore(%arg19 : memref<!tpu.dma_semaphore, #tpu.memory_space<semaphore_mem>>)
    %slice3A_1113 = vector.extract_strided_slice %get3A_992 {offsets = [10], sizes = [1], strides = [1]} : vector<16xi32> to vector<1xi32>
    %squeeze3A_1114 = vector.extract %slice3A_1113[0] : i32 from vector<1xi32>
    %dma_start3A_1115 = arith.constant 90 : i32
    %dma_start3A_1116 = arith.constant 0 : i32
    %dma_start3A_1117 = tpu.memref_slice %arg12[%dma_start3A_1115, %dma_start3A_1116] : memref<96x3xf32, #tpu.memory_space<vmem>> -> memref<1x3xf32, #tpu.memory_space<vmem>>
    %dma_start3A_1118 = arith.constant 0 : i32
    %dma_start3A_1119 = tpu.memref_slice %arg3[%squeeze3A_1114, %dma_start3A_1118] : memref<100000x3xf32, #tpu.memory_space<hbm>> -> memref<1x3xf32, #tpu.memory_space<hbm>>
    %dma_start3A_1120 = arith.constant 90 : i32
    %dma_start3A_1121 = arith.constant 0 : i32
    %dma_start3A_1122 = tpu.memref_slice %arg12[%dma_start3A_1120, %dma_start3A_1121] : memref<96x3xf32, #tpu.memory_space<vmem>> -> memref<1x3xf32, #tpu.memory_space<vmem>>
    %dma_start3A_1123 = arith.constant 0 : i32
    %dma_start3A_1124 = tpu.memref_slice %arg3[%squeeze3A_1114, %dma_start3A_1123] : memref<100000x3xf32, #tpu.memory_space<hbm>> -> memref<1x3xf32, #tpu.memory_space<hbm>>
    tpu.enqueue_dma source(%dma_start3A_1124 : memref<1x3xf32, #tpu.memory_space<hbm>>) target(%dma_start3A_1122 : memref<1x3xf32, #tpu.memory_space<vmem>>) target_semaphore(%arg19 : memref<!tpu.dma_semaphore, #tpu.memory_space<semaphore_mem>>)
    %slice3A_1125 = vector.extract_strided_slice %get3A_992 {offsets = [11], sizes = [1], strides = [1]} : vector<16xi32> to vector<1xi32>
    %squeeze3A_1126 = vector.extract %slice3A_1125[0] : i32 from vector<1xi32>
    %dma_start3A_1127 = arith.constant 91 : i32
    %dma_start3A_1128 = arith.constant 0 : i32
    %dma_start3A_1129 = tpu.memref_slice %arg12[%dma_start3A_1127, %dma_start3A_1128] : memref<96x3xf32, #tpu.memory_space<vmem>> -> memref<1x3xf32, #tpu.memory_space<vmem>>
    %dma_start3A_1130 = arith.constant 0 : i32
    %dma_start3A_1131 = tpu.memref_slice %arg3[%squeeze3A_1126, %dma_start3A_1130] : memref<100000x3xf32, #tpu.memory_space<hbm>> -> memref<1x3xf32, #tpu.memory_space<hbm>>
    %dma_start3A_1132 = arith.constant 91 : i32
    %dma_start3A_1133 = arith.constant 0 : i32
    %dma_start3A_1134 = tpu.memref_slice %arg12[%dma_start3A_1132, %dma_start3A_1133] : memref<96x3xf32, #tpu.memory_space<vmem>> -> memref<1x3xf32, #tpu.memory_space<vmem>>
    %dma_start3A_1135 = arith.constant 0 : i32
    %dma_start3A_1136 = tpu.memref_slice %arg3[%squeeze3A_1126, %dma_start3A_1135] : memref<100000x3xf32, #tpu.memory_space<hbm>> -> memref<1x3xf32, #tpu.memory_space<hbm>>
    tpu.enqueue_dma source(%dma_start3A_1136 : memref<1x3xf32, #tpu.memory_space<hbm>>) target(%dma_start3A_1134 : memref<1x3xf32, #tpu.memory_space<vmem>>) target_semaphore(%arg19 : memref<!tpu.dma_semaphore, #tpu.memory_space<semaphore_mem>>)
    %slice3A_1137 = vector.extract_strided_slice %get3A_992 {offsets = [12], sizes = [1], strides = [1]} : vector<16xi32> to vector<1xi32>
    %squeeze3A_1138 = vector.extract %slice3A_1137[0] : i32 from vector<1xi32>
    %dma_start3A_1139 = arith.constant 92 : i32
    %dma_start3A_1140 = arith.constant 0 : i32
    %dma_start3A_1141 = tpu.memref_slice %arg12[%dma_start3A_1139, %dma_start3A_1140] : memref<96x3xf32, #tpu.memory_space<vmem>> -> memref<1x3xf32, #tpu.memory_space<vmem>>
    %dma_start3A_1142 = arith.constant 0 : i32
    %dma_start3A_1143 = tpu.memref_slice %arg3[%squeeze3A_1138, %dma_start3A_1142] : memref<100000x3xf32, #tpu.memory_space<hbm>> -> memref<1x3xf32, #tpu.memory_space<hbm>>
    %dma_start3A_1144 = arith.constant 92 : i32
    %dma_start3A_1145 = arith.constant 0 : i32
    %dma_start3A_1146 = tpu.memref_slice %arg12[%dma_start3A_1144, %dma_start3A_1145] : memref<96x3xf32, #tpu.memory_space<vmem>> -> memref<1x3xf32, #tpu.memory_space<vmem>>
    %dma_start3A_1147 = arith.constant 0 : i32
    %dma_start3A_1148 = tpu.memref_slice %arg3[%squeeze3A_1138, %dma_start3A_1147] : memref<100000x3xf32, #tpu.memory_space<hbm>> -> memref<1x3xf32, #tpu.memory_space<hbm>>
    tpu.enqueue_dma source(%dma_start3A_1148 : memref<1x3xf32, #tpu.memory_space<hbm>>) target(%dma_start3A_1146 : memref<1x3xf32, #tpu.memory_space<vmem>>) target_semaphore(%arg19 : memref<!tpu.dma_semaphore, #tpu.memory_space<semaphore_mem>>)
    %slice3A_1149 = vector.extract_strided_slice %get3A_992 {offsets = [13], sizes = [1], strides = [1]} : vector<16xi32> to vector<1xi32>
    %squeeze3A_1150 = vector.extract %slice3A_1149[0] : i32 from vector<1xi32>
    %dma_start3A_1151 = arith.constant 93 : i32
    %dma_start3A_1152 = arith.constant 0 : i32
    %dma_start3A_1153 = tpu.memref_slice %arg12[%dma_start3A_1151, %dma_start3A_1152] : memref<96x3xf32, #tpu.memory_space<vmem>> -> memref<1x3xf32, #tpu.memory_space<vmem>>
    %dma_start3A_1154 = arith.constant 0 : i32
    %dma_start3A_1155 = tpu.memref_slice %arg3[%squeeze3A_1150, %dma_start3A_1154] : memref<100000x3xf32, #tpu.memory_space<hbm>> -> memref<1x3xf32, #tpu.memory_space<hbm>>
    %dma_start3A_1156 = arith.constant 93 : i32
    %dma_start3A_1157 = arith.constant 0 : i32
    %dma_start3A_1158 = tpu.memref_slice %arg12[%dma_start3A_1156, %dma_start3A_1157] : memref<96x3xf32, #tpu.memory_space<vmem>> -> memref<1x3xf32, #tpu.memory_space<vmem>>
    %dma_start3A_1159 = arith.constant 0 : i32
    %dma_start3A_1160 = tpu.memref_slice %arg3[%squeeze3A_1150, %dma_start3A_1159] : memref<100000x3xf32, #tpu.memory_space<hbm>> -> memref<1x3xf32, #tpu.memory_space<hbm>>
    tpu.enqueue_dma source(%dma_start3A_1160 : memref<1x3xf32, #tpu.memory_space<hbm>>) target(%dma_start3A_1158 : memref<1x3xf32, #tpu.memory_space<vmem>>) target_semaphore(%arg19 : memref<!tpu.dma_semaphore, #tpu.memory_space<semaphore_mem>>)
    %slice3A_1161 = vector.extract_strided_slice %get3A_992 {offsets = [14], sizes = [1], strides = [1]} : vector<16xi32> to vector<1xi32>
    %squeeze3A_1162 = vector.extract %slice3A_1161[0] : i32 from vector<1xi32>
    %dma_start3A_1163 = arith.constant 94 : i32
    %dma_start3A_1164 = arith.constant 0 : i32
    %dma_start3A_1165 = tpu.memref_slice %arg12[%dma_start3A_1163, %dma_start3A_1164] : memref<96x3xf32, #tpu.memory_space<vmem>> -> memref<1x3xf32, #tpu.memory_space<vmem>>
    %dma_start3A_1166 = arith.constant 0 : i32
    %dma_start3A_1167 = tpu.memref_slice %arg3[%squeeze3A_1162, %dma_start3A_1166] : memref<100000x3xf32, #tpu.memory_space<hbm>> -> memref<1x3xf32, #tpu.memory_space<hbm>>
    %dma_start3A_1168 = arith.constant 94 : i32
    %dma_start3A_1169 = arith.constant 0 : i32
    %dma_start3A_1170 = tpu.memref_slice %arg12[%dma_start3A_1168, %dma_start3A_1169] : memref<96x3xf32, #tpu.memory_space<vmem>> -> memref<1x3xf32, #tpu.memory_space<vmem>>
    %dma_start3A_1171 = arith.constant 0 : i32
    %dma_start3A_1172 = tpu.memref_slice %arg3[%squeeze3A_1162, %dma_start3A_1171] : memref<100000x3xf32, #tpu.memory_space<hbm>> -> memref<1x3xf32, #tpu.memory_space<hbm>>
    tpu.enqueue_dma source(%dma_start3A_1172 : memref<1x3xf32, #tpu.memory_space<hbm>>) target(%dma_start3A_1170 : memref<1x3xf32, #tpu.memory_space<vmem>>) target_semaphore(%arg19 : memref<!tpu.dma_semaphore, #tpu.memory_space<semaphore_mem>>)
    %slice3A_1173 = vector.extract_strided_slice %get3A_992 {offsets = [15], sizes = [1], strides = [1]} : vector<16xi32> to vector<1xi32>
    %squeeze3A_1174 = vector.extract %slice3A_1173[0] : i32 from vector<1xi32>
    %dma_start3A_1175 = arith.constant 95 : i32
    %dma_start3A_1176 = arith.constant 0 : i32
    %dma_start3A_1177 = tpu.memref_slice %arg12[%dma_start3A_1175, %dma_start3A_1176] : memref<96x3xf32, #tpu.memory_space<vmem>> -> memref<1x3xf32, #tpu.memory_space<vmem>>
    %dma_start3A_1178 = arith.constant 0 : i32
    %dma_start3A_1179 = tpu.memref_slice %arg3[%squeeze3A_1174, %dma_start3A_1178] : memref<100000x3xf32, #tpu.memory_space<hbm>> -> memref<1x3xf32, #tpu.memory_space<hbm>>
    %dma_start3A_1180 = arith.constant 95 : i32
    %dma_start3A_1181 = arith.constant 0 : i32
    %dma_start3A_1182 = tpu.memref_slice %arg12[%dma_start3A_1180, %dma_start3A_1181] : memref<96x3xf32, #tpu.memory_space<vmem>> -> memref<1x3xf32, #tpu.memory_space<vmem>>
    %dma_start3A_1183 = arith.constant 0 : i32
    %dma_start3A_1184 = tpu.memref_slice %arg3[%squeeze3A_1174, %dma_start3A_1183] : memref<100000x3xf32, #tpu.memory_space<hbm>> -> memref<1x3xf32, #tpu.memory_space<hbm>>
    tpu.enqueue_dma source(%dma_start3A_1184 : memref<1x3xf32, #tpu.memory_space<hbm>>) target(%dma_start3A_1182 : memref<1x3xf32, #tpu.memory_space<vmem>>) target_semaphore(%arg19 : memref<!tpu.dma_semaphore, #tpu.memory_space<semaphore_mem>>)
    %dma_wait3A_1185 = arith.constant 0 : i32
    %dma_wait3A_1186 = tpu.memref_slice %arg4[%mul3A_4, %dma_wait3A_1185] : memref<1024x256xf32, #tpu.memory_space<hbm>> -> memref<32x256xf32, #tpu.memory_space<hbm>>
    %dma_wait3A_1187 = arith.constant 0 : i32
    %dma_wait3A_1188 = tpu.memref_slice %arg4[%mul3A_4, %dma_wait3A_1187] : memref<1024x256xf32, #tpu.memory_space<hbm>> -> memref<32x256xf32, #tpu.memory_space<hbm>>
    tpu.wait_dma2 semaphore(%arg15 : memref<!tpu.dma_semaphore, #tpu.memory_space<semaphore_mem>>) src(%dma_wait3A_1188 : memref<32x256xf32, #tpu.memory_space<hbm>>) dst(%arg11 : memref<32x256xf32, #tpu.memory_space<vmem>>)
    %dma_wait3A_1189 = arith.constant 0 : i32
    %dma_wait3A_1190 = tpu.memref_slice %arg5[%mul3A_4, %dma_wait3A_1189] : memref<1024x3xf32, #tpu.memory_space<hbm>> -> memref<32x3xf32, #tpu.memory_space<hbm>>
    %dma_wait3A_1191 = arith.constant 0 : i32
    %dma_wait3A_1192 = tpu.memref_slice %arg5[%mul3A_4, %dma_wait3A_1191] : memref<1024x3xf32, #tpu.memory_space<hbm>> -> memref<32x3xf32, #tpu.memory_space<hbm>>
    tpu.wait_dma2 semaphore(%arg15 : memref<!tpu.dma_semaphore, #tpu.memory_space<semaphore_mem>>) src(%dma_wait3A_1192 : memref<32x3xf32, #tpu.memory_space<hbm>>) dst(%arg13 : memref<32x3xf32, #tpu.memory_space<vmem>>)
    %add3A_1193 = arith.constant 3072 : i32
    %add3A_1194 = arith.addi %add3A_1193, %mul3A_4 : i32
    %dma_start3A_1195 = arith.constant 0 : i32
    %dma_start3A_1196 = tpu.memref_slice %arg7[%add3A_1194, %dma_start3A_1195] : memref<4096x256xf32, #tpu.memory_space<hbm>> -> memref<32x256xf32, #tpu.memory_space<hbm>>
    %dma_start3A_1197 = arith.constant 0 : i32
    %dma_start3A_1198 = tpu.memref_slice %arg7[%add3A_1194, %dma_start3A_1197] : memref<4096x256xf32, #tpu.memory_space<hbm>> -> memref<32x256xf32, #tpu.memory_space<hbm>>
    tpu.enqueue_dma source(%arg11 : memref<32x256xf32, #tpu.memory_space<vmem>>) target(%dma_start3A_1198 : memref<32x256xf32, #tpu.memory_space<hbm>>) target_semaphore(%arg17 : memref<!tpu.dma_semaphore, #tpu.memory_space<semaphore_mem>>)
    %add3A_1199 = arith.constant 3072 : i32
    %add3A_1200 = arith.addi %add3A_1199, %mul3A_4 : i32
    %dma_start3A_1201 = arith.constant 0 : i32
    %dma_start3A_1202 = tpu.memref_slice %arg8[%add3A_1200, %dma_start3A_1201] : memref<4096x3xf32, #tpu.memory_space<hbm>> -> memref<32x3xf32, #tpu.memory_space<hbm>>
    %dma_start3A_1203 = arith.constant 0 : i32
    %dma_start3A_1204 = tpu.memref_slice %arg8[%add3A_1200, %dma_start3A_1203] : memref<4096x3xf32, #tpu.memory_space<hbm>> -> memref<32x3xf32, #tpu.memory_space<hbm>>
    tpu.enqueue_dma source(%arg13 : memref<32x3xf32, #tpu.memory_space<vmem>>) target(%dma_start3A_1204 : memref<32x3xf32, #tpu.memory_space<hbm>>) target_semaphore(%arg17 : memref<!tpu.dma_semaphore, #tpu.memory_space<semaphore_mem>>)
    %dma_wait3A_1205 = arith.constant 0 : i32
    %dma_wait3A_1206 = arith.constant 0 : i32
    %dma_wait3A_1207 = tpu.memref_slice %arg2[%dma_wait3A_1205, %dma_wait3A_1206] : memref<100000x256xf32, #tpu.memory_space<hbm>> -> memref<100000x256xf32, #tpu.memory_space<hbm>>
    tpu.wait_indirect_dma semaphore(%arg16 : memref<!tpu.dma_semaphore, #tpu.memory_space<semaphore_mem>>) src(%dma_wait3A_1207 : memref<100000x256xf32, #tpu.memory_space<hbm>>) dst(%arg10 : memref<96x256xf32, #tpu.memory_space<vmem>>)
    %dma_wait3A_1208 = arith.constant 0 : i32
    %dma_wait3A_1209 = arith.constant 0 : i32
    %dma_wait3A_1210 = tpu.memref_slice %arg12[%dma_wait3A_1208, %dma_wait3A_1209] : memref<96x3xf32, #tpu.memory_space<vmem>> -> memref<48x3xf32, #tpu.memory_space<vmem>>
    %dma_wait3A_1211 = arith.constant 0 : i32
    %dma_wait3A_1212 = arith.constant 0 : i32
    %dma_wait3A_1213 = tpu.memref_slice %arg3[%dma_wait3A_1211, %dma_wait3A_1212] : memref<100000x3xf32, #tpu.memory_space<hbm>> -> memref<48x3xf32, #tpu.memory_space<hbm>>
    %dma_wait3A_1214 = arith.constant 0 : i32
    %dma_wait3A_1215 = arith.constant 0 : i32
    %dma_wait3A_1216 = tpu.memref_slice %arg12[%dma_wait3A_1214, %dma_wait3A_1215] : memref<96x3xf32, #tpu.memory_space<vmem>> -> memref<48x3xf32, #tpu.memory_space<vmem>>
    %dma_wait3A_1217 = arith.constant 0 : i32
    %dma_wait3A_1218 = arith.constant 0 : i32
    %dma_wait3A_1219 = tpu.memref_slice %arg3[%dma_wait3A_1217, %dma_wait3A_1218] : memref<100000x3xf32, #tpu.memory_space<hbm>> -> memref<48x3xf32, #tpu.memory_space<hbm>>
    tpu.wait_dma2 semaphore(%arg18 : memref<!tpu.dma_semaphore, #tpu.memory_space<semaphore_mem>>) src(%dma_wait3A_1219 : memref<48x3xf32, #tpu.memory_space<hbm>>) dst(%dma_wait3A_1216 : memref<48x3xf32, #tpu.memory_space<vmem>>)
    %dma_wait3A_1220 = arith.constant 48 : i32
    %dma_wait3A_1221 = arith.constant 0 : i32
    %dma_wait3A_1222 = tpu.memref_slice %arg12[%dma_wait3A_1220, %dma_wait3A_1221] : memref<96x3xf32, #tpu.memory_space<vmem>> -> memref<48x3xf32, #tpu.memory_space<vmem>>
    %dma_wait3A_1223 = arith.constant 0 : i32
    %dma_wait3A_1224 = arith.constant 0 : i32
    %dma_wait3A_1225 = tpu.memref_slice %arg3[%dma_wait3A_1223, %dma_wait3A_1224] : memref<100000x3xf32, #tpu.memory_space<hbm>> -> memref<48x3xf32, #tpu.memory_space<hbm>>
    %dma_wait3A_1226 = arith.constant 48 : i32
    %dma_wait3A_1227 = arith.constant 0 : i32
    %dma_wait3A_1228 = tpu.memref_slice %arg12[%dma_wait3A_1226, %dma_wait3A_1227] : memref<96x3xf32, #tpu.memory_space<vmem>> -> memref<48x3xf32, #tpu.memory_space<vmem>>
    %dma_wait3A_1229 = arith.constant 0 : i32
    %dma_wait3A_1230 = arith.constant 0 : i32
    %dma_wait3A_1231 = tpu.memref_slice %arg3[%dma_wait3A_1229, %dma_wait3A_1230] : memref<100000x3xf32, #tpu.memory_space<hbm>> -> memref<48x3xf32, #tpu.memory_space<hbm>>
    tpu.wait_dma2 semaphore(%arg19 : memref<!tpu.dma_semaphore, #tpu.memory_space<semaphore_mem>>) src(%dma_wait3A_1231 : memref<48x3xf32, #tpu.memory_space<hbm>>) dst(%dma_wait3A_1228 : memref<48x3xf32, #tpu.memory_space<vmem>>)
    %dma_start3A_1232 = arith.constant 0 : i32
    %dma_start3A_1233 = tpu.memref_slice %arg7[%mul3A_2, %dma_start3A_1232] : memref<4096x256xf32, #tpu.memory_space<hbm>> -> memref<96x256xf32, #tpu.memory_space<hbm>>
    %dma_start3A_1234 = arith.constant 0 : i32
    %dma_start3A_1235 = tpu.memref_slice %arg7[%mul3A_2, %dma_start3A_1234] : memref<4096x256xf32, #tpu.memory_space<hbm>> -> memref<96x256xf32, #tpu.memory_space<hbm>>
    tpu.enqueue_dma source(%arg10 : memref<96x256xf32, #tpu.memory_space<vmem>>) target(%dma_start3A_1235 : memref<96x256xf32, #tpu.memory_space<hbm>>) target_semaphore(%arg17 : memref<!tpu.dma_semaphore, #tpu.memory_space<semaphore_mem>>)
    %dma_start3A_1236 = arith.constant 0 : i32
    %dma_start3A_1237 = tpu.memref_slice %arg8[%mul3A_2, %dma_start3A_1236] : memref<4096x3xf32, #tpu.memory_space<hbm>> -> memref<96x3xf32, #tpu.memory_space<hbm>>
    %dma_start3A_1238 = arith.constant 0 : i32
    %dma_start3A_1239 = tpu.memref_slice %arg8[%mul3A_2, %dma_start3A_1238] : memref<4096x3xf32, #tpu.memory_space<hbm>> -> memref<96x3xf32, #tpu.memory_space<hbm>>
    tpu.enqueue_dma source(%arg12 : memref<96x3xf32, #tpu.memory_space<vmem>>) target(%dma_start3A_1239 : memref<96x3xf32, #tpu.memory_space<hbm>>) target_semaphore(%arg17 : memref<!tpu.dma_semaphore, #tpu.memory_space<semaphore_mem>>)
    %dma_wait3A_1240 = arith.constant 0 : i32
    %dma_wait3A_1241 = tpu.memref_slice %arg7[%add3A_1194, %dma_wait3A_1240] : memref<4096x256xf32, #tpu.memory_space<hbm>> -> memref<32x256xf32, #tpu.memory_space<hbm>>
    %dma_wait3A_1242 = arith.constant 0 : i32
    %dma_wait3A_1243 = tpu.memref_slice %arg7[%add3A_1194, %dma_wait3A_1242] : memref<4096x256xf32, #tpu.memory_space<hbm>> -> memref<32x256xf32, #tpu.memory_space<hbm>>
    tpu.wait_dma2 semaphore(%arg17 : memref<!tpu.dma_semaphore, #tpu.memory_space<semaphore_mem>>) src(%arg11 : memref<32x256xf32, #tpu.memory_space<vmem>>) dst(%dma_wait3A_1243 : memref<32x256xf32, #tpu.memory_space<hbm>>)
    %dma_wait3A_1244 = arith.constant 0 : i32
    %dma_wait3A_1245 = tpu.memref_slice %arg8[%add3A_1200, %dma_wait3A_1244] : memref<4096x3xf32, #tpu.memory_space<hbm>> -> memref<32x3xf32, #tpu.memory_space<hbm>>
    %dma_wait3A_1246 = arith.constant 0 : i32
    %dma_wait3A_1247 = tpu.memref_slice %arg8[%add3A_1200, %dma_wait3A_1246] : memref<4096x3xf32, #tpu.memory_space<hbm>> -> memref<32x3xf32, #tpu.memory_space<hbm>>
    tpu.wait_dma2 semaphore(%arg17 : memref<!tpu.dma_semaphore, #tpu.memory_space<semaphore_mem>>) src(%arg13 : memref<32x3xf32, #tpu.memory_space<vmem>>) dst(%dma_wait3A_1247 : memref<32x3xf32, #tpu.memory_space<hbm>>)
    %dma_wait3A_1248 = arith.constant 0 : i32
    %dma_wait3A_1249 = tpu.memref_slice %arg7[%mul3A_2, %dma_wait3A_1248] : memref<4096x256xf32, #tpu.memory_space<hbm>> -> memref<96x256xf32, #tpu.memory_space<hbm>>
    %dma_wait3A_1250 = arith.constant 0 : i32
    %dma_wait3A_1251 = tpu.memref_slice %arg7[%mul3A_2, %dma_wait3A_1250] : memref<4096x256xf32, #tpu.memory_space<hbm>> -> memref<96x256xf32, #tpu.memory_space<hbm>>
    tpu.wait_dma2 semaphore(%arg17 : memref<!tpu.dma_semaphore, #tpu.memory_space<semaphore_mem>>) src(%arg10 : memref<96x256xf32, #tpu.memory_space<vmem>>) dst(%dma_wait3A_1251 : memref<96x256xf32, #tpu.memory_space<hbm>>)
    %dma_wait3A_1252 = arith.constant 0 : i32
    %dma_wait3A_1253 = tpu.memref_slice %arg8[%mul3A_2, %dma_wait3A_1252] : memref<4096x3xf32, #tpu.memory_space<hbm>> -> memref<96x3xf32, #tpu.memory_space<hbm>>
    %dma_wait3A_1254 = arith.constant 0 : i32
    %dma_wait3A_1255 = tpu.memref_slice %arg8[%mul3A_2, %dma_wait3A_1254] : memref<4096x3xf32, #tpu.memory_space<hbm>> -> memref<96x3xf32, #tpu.memory_space<hbm>>
    tpu.wait_dma2 semaphore(%arg17 : memref<!tpu.dma_semaphore, #tpu.memory_space<semaphore_mem>>) src(%arg12 : memref<96x3xf32, #tpu.memory_space<vmem>>) dst(%dma_wait3A_1255 : memref<96x3xf32, #tpu.memory_space<hbm>>)
    return
  }
}

</mosaic_0001>

<sc_bundles>
// kernel: kernel.3.cloned.1.call-start
scs
__scs_entry_jumppad:
0x0: {  	(pc) =	sbr.rel $0x88, $3  }
0x1: {  	(tag) =	ssettag $0x0;
	lr =	simm.s32 $0x1  }
0x2: {  	[smem:$0x3F9D] =	sst lr;
	_ =	strace $0xD0000000  }
0x3: {  	_ = 	snop  }
0x4: {  	_ = 	snop  }
0x5: {  	_ = 	snop  }
0x6: {  	_ = 	snop  }
0x7: {  	_ = 	snop  }
__scs_overlays_trampoline_lowered:
0x8: {  	[smem:$0x3FAC] =	sst s0  }
0x9: {  	[smem:$0x3FAD] =	sst s1  }
0xa: {  	[smem:$0x3FAE] =	sst s2  }
0xb: {  	[smem:$0x3FAF] =	sst s3  }
0xc: {  	[smem:$0x3FB0] =	sst s4  }
0xd: {  	[smem:$0x3FB1] =	sst s5  }
0xe: {  	[smem:$0x3FB2] =	sst s6  }
0xf: {  	[smem:$0x3FB3] =	sst s7  }
0x10: {  	[smem:$0x3FB4] =	sst s8  }
0x11: {  	[smem:$0x3FB5] =	sst s9;
	s0 =	simm.s32 @!p0 $0x0  }
0x12: {  	s1 =	sld [smem:$0x3F9B];
	s0 =	simm.s32 @p0 $0x1  }
0x13: {  	[smem:$0x3FB6] =	sst s0;
	s0 =	simm.s32 @!p1 $0x0  }
0x14: {  	s2 =	sld [smem:$0x3F9A];
	s0 =	simm.s32 @p1 $0x1  }
0x15: {  	[smem:$0x3FB7] =	sst s0;
	s0 =	simm.s32 @!p2 $0x0  }
0x16: {  	s3 =	sld [smem:$0x3FDB];
	s0 =	simm.s32 @p2 $0x1  }
0x17: {  	s4 =	simm.s32 $0x1BF5;
	[smem:$0x3FB9] =	sst s0  }
0x18: {  	s0 =	sld [smem:$0x3F9C];
	_ =	swait.ge [sflag:s4], $0x0  }
0x19: {  	s7 =	sld [smem:$0x3F9D]  }
0x1a: {  	s8 =	sadd.s32 $0xFFFFE003, lr  }
0x1b: {  	s9 =	sadd.s32 $0xFFFFFEF7, lr;
	s5 =	simm.s32 $0xFFFFFFFF;
	p2 =	slt.u32 s8, $0xFFFFF086  }
0x1c: {  	p1 =	slt.u32 s9, $0xF7A;
	s5 =	simm.s32 @!p2 $0x0  }
0x1d: {  	s5 =	simm.s32 @p1 $0x1;
	p0 =	seq.s32 s7, s2  }
0x1e: {  	s7 =	smul.u32 @!p0 $0xF7A, s2;
	p2 =	seq.s32 @!p0 s5, $0x0  }
0x1f: {  	s9 =	smul.u32 $0xF7A, s1;
	s8 =	simm.s32 @!p0 $0x1BF5;
	p2 =	por !p2, p0  }
0x20: {  	[sflag:s8] =	ssyncset.s32 @!p0 $0xFFFFF086;
	s6 =	sadd.s32 @!p0 s3, s7;
	s7 =	simm.s32 @!p0 $0x108  }
0x21: {  	s3 =	sadd.s32 s3, s9;
	s6 =	sadd.s32 @!p0 $0x88, s6;
	s7 =	simm.s32 @p2 $0x1082  }
0x22: {  	[simem:s7], [sflag:s8] =	dma.local @!p0 [hbm:s6], $0xF7A  }
0x23: {  	s9 =	sor.u32 $0xD0000000, s2;
	s6 =	simm.s32 $0x108;
	_ =	swait.ge @!p0 [sflag:s8], $0x0  }
0x24: {  	s3 =	sadd.s32 $0x88, s3;
	s6 =	simm.s32 @!p1 $0x1082;
	[sflag:s4] =	ssyncset.s32 $0xFFFFF086  }
0x25: {  	[simem:s6], [sflag:s4] =	dma.local [hbm:s3], $0xF7A  }
0x26: {  	[smem:$0x3F9D] =	sst s1;
	(tag) =	ssettag s2;
	_ =	strace s9  }
0x27: {  	s1 =	sld [smem:$0x3FAD]  }
0x28: {  	s2 =	sld [smem:$0x3FAE]  }
0x29: {  	s4 =	sld [smem:$0x3FB0]  }
0x2a: {  	p0 =	seq.s32 s5, $0x0;
	s5 =	sld [smem:$0x3FB1]  }
0x2b: {  	s6 =	sld [smem:$0x3FB2]  }
0x2c: {  	s7 =	sld [smem:$0x3FB3]  }
0x2d: {  	s3 =	simm.s32 $0x108;
	s8 =	sld [smem:$0x3FB4]  }
0x2e: {  	s3 =	simm.s32 @!p0 $0x1082;
	s9 =	sld [smem:$0x3FB5]  }
0x2f: {  	lr =	sadd.s32 s0, s3;
	s0 =	sld [smem:$0x3FAC]  }
0x30: {  	s3 =	sld [smem:$0x3FAF]  }
0x31: {  	[smem:$0x3FB8] =	sst s10  }
0x32: {  	s10 =	sld [smem:$0x3FB6];
	_ =	sdelay $0x3  }
0x33: {  	p0 =	seq.s32 s10, $0x1;
	s10 =	sld [smem:$0x3FB8];
	_ =	sdelay $0x3  }
0x34: {  	[smem:$0x3FB8] =	sst s10  }
0x35: {  	s10 =	sld [smem:$0x3FB7];
	_ =	sdelay $0x3  }
0x36: {  	p1 =	seq.s32 s10, $0x1;
	s10 =	sld [smem:$0x3FB8];
	_ =	sdelay $0x3  }
0x37: {  	[smem:$0x3FB8] =	sst s10  }
0x38: {  	s10 =	sld [smem:$0x3FB9]  }
0x39: {  	_ = 	snop;
	(pc) =	sbr.ind lr, $3  }
0x3a: {  	_ = 	snop  }
0x3b: {  	_ = 	snop  }
0x3c: {  	p2 =	seq.s32 s10, $0x1;
	s10 =	sld [smem:$0x3FB8]  }
0x3d: {  	_ =	shalt  }
0x3e: {  	_ =	shalt  }
0x3f: {  	_ =	shalt  }
0x40: {  	_ =	shalt  }
0x41: {  	_ =	shalt  }
0x42: {  	_ =	shalt  }
0x43: {  	_ =	shalt  }
0x44: {  	_ =	shalt  }
0x45: {  	_ =	shalt  }
0x46: {  	_ =	shalt  }
0x47: {  	_ =	shalt  }
0x48: {  	_ =	shalt  }
0x49: {  	_ =	shalt  }
0x4a: {  	_ =	shalt  }
0x4b: {  	_ =	shalt  }
0x4c: {  	_ =	shalt  }
0x4d: {  	_ =	shalt  }
0x4e: {  	_ =	shalt  }
0x4f: {  	_ =	shalt  }
0x50: {  	_ =	shalt  }
0x51: {  	_ =	shalt  }
0x52: {  	_ =	shalt  }
0x53: {  	_ =	shalt  }
0x54: {  	_ =	shalt  }
0x55: {  	_ =	shalt  }
0x56: {  	_ =	shalt  }
0x57: {  	_ =	shalt  }
0x58: {  	_ =	shalt  }
0x59: {  	_ =	shalt  }
0x5a: {  	_ =	shalt  }
0x5b: {  	_ =	shalt  }
0x5c: {  	_ =	shalt  }
0x5d: {  	_ =	shalt  }
0x5e: {  	_ =	shalt  }
0x5f: {  	_ =	shalt  }
0x60: {  	_ =	shalt  }
0x61: {  	_ =	shalt  }
0x62: {  	_ =	shalt  }
0x63: {  	_ =	shalt  }
0x64: {  	_ =	shalt  }
0x65: {  	_ =	shalt  }
0x66: {  	_ =	shalt  }
0x67: {  	_ =	shalt  }
0x68: {  	_ =	shalt  }
0x69: {  	_ =	shalt  }
0x6a: {  	_ =	shalt  }
0x6b: {  	_ =	shalt  }
0x6c: {  	_ =	shalt  }
0x6d: {  	_ =	shalt  }
0x6e: {  	_ =	shalt  }
0x6f: {  	_ =	shalt  }
0x70: {  	_ =	shalt  }
0x71: {  	_ =	shalt  }
0x72: {  	_ =	shalt  }
0x73: {  	_ =	shalt  }
0x74: {  	_ =	shalt  }
0x75: {  	_ =	shalt  }
0x76: {  	_ =	shalt  }
0x77: {  	_ =	shalt  }
0x78: {  	_ =	shalt  }
0x79: {  	_ =	shalt  }
0x7a: {  	_ =	shalt  }
0x7b: {  	_ =	shalt  }
0x7c: {  	_ =	shalt  }
0x7d: {  	_ =	shalt  }
0x7e: {  	_ =	shalt  }
0x7f: {  	_ =	shalt  }
0x80: {  	_ =	shalt  }
0x81: {  	_ =	shalt  }
0x82: {  	_ =	shalt  }
0x83: {  	_ =	shalt  }
0x84: {  	_ =	shalt  }
0x85: {  	_ =	shalt  }
0x86: {  	_ =	shalt  }
0x87: {  	_ =	shalt  }
.Lfunc_end0:
.L_simem_size_0:
called_computation_lowered:
.L_overlay_start_0:
0x88: {  	s2 =	sld [smem:$0x3FD9]  }
0x89: {  	s3 =	sld [smem:$0x3FFE];
	_ =	sdelay $0x1  }
0x8a: {  	s1 =	srdreg.scid  }
0x8b: {  	s0 =	sand.u32 $0x1, s1  }
0x8c: {  	s14 =	sshll.u32 s0, $0xA;
	s2 =	sadd.s32 s3, s2  }
0x8d: {  	s2 =	sadd.s32 s2, s14  }
0x8e: {  	[smem:$0x3FC4] =	sst s2  }
0x8f: {  	_ = 	snop  }
0x90: {  	s2 =	sld [smem:$0x3FD0];
	_ =	sdelay $0x1  }
0x91: {  	s15 =	sld [smem:$0x3FC9]  }
0x92: {  	s5 =	simm.s32 $0xA;
	s6 =	simm.s32 $0x10;
	s4 =	sld [smem:$0x3FC7]  }
0x93: {  	[smem:s6], [sflag:s5] =	dma.local [hbm:s2], $0x1  }
0x94: {  	_ =	swait.eq [sflag:s5], $0x1  }
0x95: {  	[sflag:s5] =	ssyncset.done $0x0  }
0x96: {  	s16 =	sld [smem:$0x10];
	[sflag:s5] =	ssyncadd.s32 $0xFFFFFFFF  }
0x97: {  	s17 =	sld [smem:$0x11];
	(tm) =	ssettm $0x1  }
0x98: {  	s18 =	sld [smem:$0x3FFB];
	_ =	sdelay $0x3  }
0x99: {  	_ =	strace s18  }
0x9a: {  	s6 =	sld [smem:$0x3FFC];
	_ =	sdelay $0x3  }
0x9b: {  	_ =	strace s6  }
0x9c: {  	s6 =	sld [smem:$0x3FFD];
	_ =	sdelay $0x3  }
0x9d: {  	_ =	strace s6  }
0x9e: {  	_ =	strace $0x8FFFFFFF  }
0x9f: {  	s19 =	sld [smem:$0x3FDB];
	_ =	sdelay $0x1  }
0xa0: {  	s7 =	simm.s32 $_scs_section_size  }
0xa1: {  	s8 =	simm.s32 $_size__tile_overlayer_lowered;
	s9 =	simm.s32 $_tile_overlayer_lowered  }
0xa2: {  	s22 =	simm.s32 $0x1BFF;
	s21 =	sshll.u32 s9, $0x1;
	s6 =	sadd.s32 s7, s19  }
0xa3: {  	s10 =	simm.s32 $0x0;
	s20 =	sshll.u32 s8, $0x1;
	s8 =	sadd.s32 s21, s6  }
0xa4: {  	[timem:s10], [sflag:s22] =	dma.local [hbm:s8], s20  }
0xa5: {  	_ =	swait.ge [sflag:s22], s20  }
0xa6: {  	s7 =	ssub.s32 $0x0, s20;
	[sflag:s22] =	ssyncset.done $0x0  }
0xa7: {  	[sflag:s22] =	ssyncadd.s32 s7;
	_ =	sdelay $0x1  }
0xa8: {  	s23 =	simm.s32 $0x1B8B  }
0xa9: {  	_ =	swait.ge [sflag:s23], $0x1  }
0xaa: {  	[sflag:s23] =	ssyncset.done $0x0  }
0xab: {  	s25 =	simm.s32 $0x1B8E;
	s24 =	sld [smem:$0x3FFE];
	[sflag:s23] =	ssyncadd.s32 $0xFFFFFFFF  }
0xac: {  	s26 =	simm.s32 $execute0_lowered;
	[smem:$0x3FD2] =	sst s25  }
0xad: {  	s8 =	sshll.u32 s26, $0x1;
	_ =	strace $0x80000046;
	[dreg:$0x1] =	wrdreg $0xFFFFFFFF  }
0xae: {  	s28 =	simm.s32 $_size_execute0_lowered;
	s6 =	sadd.s32 s6, s8;
	[dreg:$0x0] =	wrdreg $0x0  }
0xaf: {  	s8 =	sshll.u32 s28, $0x1;
	[dreg:$0x2] =	wrdreg s6  }
0xb0: {  	[dreg:$0x3] =	wrdreg s8  }
0xb1: {  	[dreg:$0x4] =	wrdreg $0xC0  }
0xb2: {  	_ =	task [dreg:s10], $0x5FFFF  }
0xb3: {  	[dreg:$0x1] =	wrdreg $0xFFFFFFFF  }
0xb4: {  	[dreg:$0x0] =	wrdreg $0x60  }
0xb5: {  	[dreg:$0x2] =	wrdreg s15  }
0xb6: {  	[dreg:$0x3] =	wrdreg s24  }
0xb7: {  	[dreg:$0x4] =	wrdreg s4  }
0xb8: {  	[dreg:$0x5] =	wrdreg s17  }
0xb9: {  	[dreg:$0x6] =	wrdreg s16  }
0xba: {  	[dreg:$0x7] =	wrdreg $0x9  }
0xbb: {  	_ =	task.clear_ibuf [dreg:s10], $0x8FFFF;
	_ =	strace $0x90000046  }
0xbc: {  	s29 =	simm.s32 $0x9;
	_ =	strace $0x80000048  }
0xbd: {  	_ =	swait.ge [sflag:s29], $0x1  }
0xbe: {  	[sflag:s29] =	ssyncadd.s32 $0xFFFFFFFF  }
0xbf: {  	_ =	strace $0x90000048  }
0xc0: {  	_ =	sfence  }
0xc1: {  	s30 =	sld [smem:$0x0];
	_ =	sdelay $0x2  }
0xc2: {  	s31 =	sshll.u32 s1, $0xD;
	s1 =	sshrl.u32 s1, $0x2  }
0xc3: {  	s3 =	sand.u32 $0x4000, s31;
	s1 =	sadd.s32 s1, s30  }
0xc4: {  	s0 =	sor.u32 s3, s0;
	s1 =	sshll.u32 s1, $0x11  }
0xc5: {  	s0 =	sor.u32 s1, s0  }
0xc6: {  	s0 =	sadd.s32 $0x8F2B, s0  }
0xc7: {  	[sflag:s0] =	ssyncadd.remote.s32 $0x1  }
0xc8: {  	_ =	sfence.sel $0xFFFF  }
0xc9: {  	[dreg:$0x0] =	wrdreg $0xFFFFFFFF;
	(pc) =	sbr.abs _section_cstart, $3  }
0xca: {  	[dreg:$0x1] =	wrdreg $0xFFFFFFFF  }
0xcb: {  	_ =	task.clear_ibuf [dreg:s10], $0x2FFFF;
	_ =	strace $0x9FFFFFFF  }
0xcc: {  	(tm) =	ssettm $0x7FFFFFFF  }
0xcd: {  	_ =	shalt  }
tec
execute0_lowered:
.L_overlay_start_1:
0x0: {  	(tag) =	ssettag $0x1  }
0x1: {  	s0 =	rddreg [dreg:$0x0]  }
0x2: {  	s4 =	rddreg [dreg:$0x1]  }
0x3: {  	s6 =	rddreg [dreg:$0x2]  }
0x4: {  	s7 =	rddreg [dreg:$0x3]  }
0x5: {  	s2 =	srdreg.scid;
	s8 =	rddreg [dreg:$0x4]  }
0x6: {  	s3 =	simm.s32 $0x0;
	s5 =	sand.u32 $0x1, s2;
	s2 =	rddreg [dreg:$0x5]  }
0x7: {  	s20 =	simm.s32 $0x880;
	[smem:$0x7FF] =	sst s3  }
0x8: {  	s21 =	simm.s32 $0x1080;
	_ =	strace $0x80000047;
	[dreg:$0xd] =	wrdreg s20  }
0x9: {  	s22 =	simm.s32 $0x1880;
	[dreg:$0xe] =	wrdreg s21  }
0xa: {  	s23 =	simm.s32 $0x2080;
	[dreg:$0xf] =	wrdreg s22  }
0xb: {  	s24 =	simm.s32 $0x2880;
	[dreg:$0x10] =	wrdreg s23  }
0xc: {  	s25 =	simm.s32 $0x3080;
	[dreg:$0x11] =	wrdreg s24  }
0xd: {  	s26 =	simm.s32 $0x3880;
	[dreg:$0x12] =	wrdreg s25  }
0xe: {  	s28 =	simm.s32 $0x4080;
	[dreg:$0x13] =	wrdreg s26  }
0xf: {  	s29 =	simm.s32 $0x4880;
	[dreg:$0x14] =	wrdreg s28  }
0x10: {  	s30 =	simm.s32 $0x5080;
	[dreg:$0x15] =	wrdreg s29  }
0x11: {  	[dreg:$0x16] =	wrdreg s30;
	s20 =	simm.s32 $0x8780  }
0x12: {  	s21 =	simm.s32 $0x8800;
	[smem:$0x7AC] =	sst s20  }
0x13: {  	s1 =	stileid.u32;
	s22 =	simm.s32 $0x8880;
	[smem:$0x7AD] =	sst s21  }
0x14: {  	s9 =	sshll.u32 s1, $0x1;
	s23 =	simm.s32 $0x8900;
	[smem:$0x7AE] =	sst s22  }
0x15: {  	s9 =	sor.u32 s5, s9;
	s24 =	simm.s32 $0x8980;
	[smem:$0x7AF] =	sst s23  }
0x16: {  	s25 =	simm.s32 $0x8A00;
	s26 =	simm.s32 $0x8A80;
	[smem:$0x7B0] =	sst s24  }
0x17: {  	s28 =	simm.s32 $0x8B00;
	s29 =	simm.s32 $0x8B80;
	[smem:$0x7B1] =	sst s25  }
0x18: {  	s30 =	simm.s32 $0x8C00;
	s10 =	smul.u32 $0xC, s9;
	[smem:$0x7B2] =	sst s26  }
0x19: {  	s11 =	sshll.u32 s9, $0x9;
	s31 =	sshll.u32 s9, $0xA;
	[smem:$0x7B3] =	sst s28  }
0x1a: {  	s12 =	sshll.u32 s9, $0x5;
	s15 =	smul.u32 $0xC00, s9;
	[smem:$0x7B4] =	sst s29  }
0x1b: {  	s17 =	smul.u32 $0x600, s9;
	s9 =	simm.s32 $0x8200;
	[smem:$0x7B5] =	sst s30  }
0x1c: {  	s20 =	simm.s32 $0x9380;
	[dreg:$0x1a] =	wrdreg s9  }
0x1d: {  	s21 =	simm.s32 $0x9400;
	[smem:$0x7C4] =	sst s20  }
0x1e: {  	s22 =	simm.s32 $0x9480;
	[smem:$0x7C5] =	sst s21  }
0x1f: {  	s23 =	simm.s32 $0x9500;
	[smem:$0x7C6] =	sst s22  }
0x20: {  	s24 =	simm.s32 $0x9580;
	[smem:$0x7C7] =	sst s23  }
0x21: {  	s25 =	simm.s32 $0x9600;
	[smem:$0x7C8] =	sst s24  }
0x22: {  	s26 =	simm.s32 $0x9680;
	[smem:$0x7C9] =	sst s25  }
0x23: {  	s28 =	simm.s32 $0x9700;
	[smem:$0x7CA] =	sst s26  }
0x24: {  	s29 =	simm.s32 $0x9780;
	[smem:$0x7CB] =	sst s28  }
0x25: {  	s30 =	simm.s32 $0x9800;
	[smem:$0x7CC] =	sst s29  }
0x26: {  	s6 =	sadd.s32 s6, s31;
	[smem:$0x7CD] =	sst s30  }
0x27: {  	s31 =	simm.s32 $0x5880;
	[dreg:$0x7] =	wrdreg s6  }
0x28: {  	s9 =	simm.s32 $0x8E00;
	[dreg:$0x17] =	wrdreg s31  }
0x29: {  	s20 =	simm.s32 $0x9F80;
	[smem:$0x7B9] =	sst s9  }
0x2a: {  	s21 =	simm.s32 $0xA000;
	[smem:$0x7DC] =	sst s20  }
0x2b: {  	s22 =	simm.s32 $0xA080;
	[smem:$0x7DD] =	sst s21  }
0x2c: {  	s23 =	simm.s32 $0xA100;
	[smem:$0x7DE] =	sst s22  }
0x2d: {  	s24 =	simm.s32 $0xA180;
	[smem:$0x7DF] =	sst s23  }
0x2e: {  	s25 =	simm.s32 $0xA200;
	[smem:$0x7E0] =	sst s24  }
0x2f: {  	s26 =	simm.s32 $0xA280;
	[smem:$0x7E1] =	sst s25  }
0x30: {  	s28 =	simm.s32 $0xA300;
	[smem:$0x7E2] =	sst s26  }
0x31: {  	s29 =	simm.s32 $0xA380;
	[smem:$0x7E3] =	sst s28  }
0x32: {  	s30 =	simm.s32 $0xA400;
	[smem:$0x7E4] =	sst s29  }
0x33: {  	s11 =	sadd.s32 s11, s4;
	s7 =	sadd.s32 s7, s10;
	[smem:$0x7E5] =	sst s30  }
0x34: {  	s11 =	sadd.s32 $0xA00, s11;
	[dreg:$0x6] =	wrdreg s7  }
0x35: {  	s13 =	sadd.s32 $0x18B400, s4;
	s18 =	sadd.s32 s8, s15;
	[dreg:$0x8] =	wrdreg s11  }
0x36: {  	s19 =	sadd.s32 s13, s17;
	[dreg:$0xb] =	wrdreg s18  }
0x37: {  	s10 =	simm.s32 $0x8280;
	[dreg:$0xc] =	wrdreg s19  }
0x38: {  	s15 =	simm.s32 $0x8500;
	[dreg:$0x1b] =	wrdreg s10  }
0x39: {  	s17 =	simm.s32 $0x8600;
	[smem:$0x7A7] =	sst s15  }
0x3a: {  	s31 =	simm.s32 $0x8C80;
	[smem:$0x7A9] =	sst s17  }
0x3b: {  	s9 =	simm.s32 $0x9A00;
	[smem:$0x7B6] =	sst s31  }
0x3c: {  	s20 =	simm.s32 $0xAB80;
	[smem:$0x7D1] =	sst s9  }
0x3d: {  	s21 =	simm.s32 $0xAC00;
	[smem:$0x7F4] =	sst s20  }
0x3e: {  	s23 =	simm.s32 $0xAC80;
	[smem:$0x7F5] =	sst s21  }
0x3f: {  	s24 =	simm.s32 $0xAD00;
	[smem:$0x7F6] =	sst s23  }
0x40: {  	s25 =	simm.s32 $0xAD80;
	[smem:$0x7F7] =	sst s24  }
0x41: {  	s26 =	simm.s32 $0xAE00;
	[smem:$0x7F8] =	sst s25  }
0x42: {  	s28 =	simm.s32 $0xAE80;
	[smem:$0x7F9] =	sst s26  }
0x43: {  	s12 =	sor.u32 $0xC00, s12;
	s29 =	simm.s32 $0xAF00;
	[smem:$0x7FA] =	sst s28  }
0x44: {  	s14 =	sshll.u32 s12, $0x5;
	s30 =	simm.s32 $0xAF80;
	[smem:$0x7FB] =	sst s29  }
0x45: {  	s6 =	sadd.s32 s8, s14;
	[smem:$0x7FC] =	sst s30  }
0x46: {  	s8 =	simm.s32 $0x8180;
	[dreg:$0x9] =	wrdreg s6  }
0x47: {  	s11 =	simm.s32 $0x8300;
	[dreg:$0x19] =	wrdreg s8  }
0x48: {  	s7 =	sshll.u32 s12, $0x4;
	s12 =	simm.s32 $0x8380;
	[dreg:$0x1c] =	wrdreg s11  }
0x49: {  	s14 =	simm.s32 $0x8480;
	[dreg:$0x1d] =	wrdreg s12  }
0x4a: {  	s18 =	simm.s32 $0x8680;
	[dreg:$0x1f] =	wrdreg s14  }
0x4b: {  	s19 =	simm.s32 $0x8700;
	[smem:$0x7AA] =	sst s18  }
0x4c: {  	s10 =	simm.s32 $0x8E80;
	[smem:$0x7AB] =	sst s19  }
0x4d: {  	s15 =	simm.s32 $0x9100;
	[smem:$0x7BA] =	sst s10  }
0x4e: {  	s17 =	simm.s32 $0x9200;
	[smem:$0x7BF] =	sst s15  }
0x4f: {  	s31 =	simm.s32 $0x9880;
	[smem:$0x7C1] =	sst s17  }
0x50: {  	s9 =	simm.s32 $0xA600;
	[smem:$0x7CE] =	sst s31  }
0x51: {  	s16 =	sadd.s32 s13, s7;
	[smem:$0x7E9] =	sst s9  }
0x52: {  	s7 =	simm.s32 $0x8100;
	[dreg:$0xa] =	wrdreg s16  }
0x53: {  	s13 =	simm.s32 $0x8400;
	[dreg:$0x18] =	wrdreg s7  }
0x54: {  	s8 =	simm.s32 $0x8D80;
	[dreg:$0x1e] =	wrdreg s13  }
0x55: {  	s11 =	simm.s32 $0x8F00;
	[smem:$0x7B8] =	sst s8  }
0x56: {  	s12 =	simm.s32 $0x8F80;
	[smem:$0x7BB] =	sst s11  }
0x57: {  	s14 =	simm.s32 $0x9080;
	[smem:$0x7BC] =	sst s12  }
0x58: {  	s18 =	simm.s32 $0x9280;
	[smem:$0x7BE] =	sst s14  }
0x59: {  	s19 =	simm.s32 $0x9300;
	[smem:$0x7C2] =	sst s18  }
0x5a: {  	s10 =	simm.s32 $0x9A80;
	[smem:$0x7C3] =	sst s19  }
0x5b: {  	s15 =	simm.s32 $0x9D00;
	[smem:$0x7D2] =	sst s10  }
0x5c: {  	s17 =	simm.s32 $0x9E00;
	[smem:$0x7D7] =	sst s15  }
0x5d: {  	s31 =	simm.s32 $0xA480;
	[smem:$0x7D9] =	sst s17  }
0x5e: {  	s16 =	simm.s32 $0x8580;
	[smem:$0x7E6] =	sst s31  }
0x5f: {  	s7 =	simm.s32 $0x8D00;
	[smem:$0x7A8] =	sst s16  }
0x60: {  	s13 =	simm.s32 $0x9000;
	[smem:$0x7B7] =	sst s7  }
0x61: {  	s8 =	simm.s32 $0x9980;
	[smem:$0x7BD] =	sst s13  }
0x62: {  	s11 =	simm.s32 $0x9B00;
	[smem:$0x7D0] =	sst s8  }
0x63: {  	s12 =	simm.s32 $0x9B80;
	[smem:$0x7D3] =	sst s11  }
0x64: {  	s14 =	simm.s32 $0x9C80;
	[smem:$0x7D4] =	sst s12  }
0x65: {  	s18 =	simm.s32 $0x9E80;
	[smem:$0x7D6] =	sst s14  }
0x66: {  	s19 =	simm.s32 $0x9F00;
	[smem:$0x7DA] =	sst s18  }
0x67: {  	s10 =	simm.s32 $0xA680;
	[smem:$0x7DB] =	sst s19  }
0x68: {  	s15 =	simm.s32 $0xA900;
	[smem:$0x7EA] =	sst s10  }
0x69: {  	s17 =	simm.s32 $0xAA00;
	[smem:$0x7EF] =	sst s15  }
0x6a: {  	s31 =	simm.s32 $0xB000;
	[smem:$0x7F1] =	sst s17  }
0x6b: {  	s5 =	ssub.s32 $0x2, s5;
	s16 =	simm.s32 $0x9180;
	[smem:$0x7FD] =	sst s31  }
0x6c: {  	s4 =	sadd.s32 $0x4A00, s4;
	s7 =	simm.s32 $0x9900;
	[smem:$0x7C0] =	sst s16  }
0x6d: {  	s22 =	sshrl.u32 s5, $0x1;
	s13 =	simm.s32 $0x9C00;
	[smem:$0x7CF] =	sst s7  }
0x6e: {  	s5 =	ssub.s32 s5, s22;
	s8 =	simm.s32 $0xA580;
	[smem:$0x7D5] =	sst s13  }
0x6f: {  	s5 =	smax.u32 s5, $0x1;
	s11 =	simm.s32 $0xA700;
	[smem:$0x7E8] =	sst s8  }
0x70: {  	s6 =	simm.s32 $0x6080;
	s12 =	simm.s32 $0xA780;
	[smem:$0x7EB] =	sst s11  }
0x71: {  	s9 =	simm.s32 $0x80;
	s14 =	simm.s32 $0xA880;
	[smem:$0x7EC] =	sst s12  }
0x72: {  	s18 =	simm.s32 $0xAA80;
	s19 =	simm.s32 $0xAB00;
	[smem:$0x7EE] =	sst s14  }
0x73: {  	s10 =	simm.s32 $0x8080;
	s15 =	simm.s32 $0x4;
	[smem:$0x7F2] =	sst s18  }
0x74: {  	s16 =	simm.s32 $0x9D80;
	s7 =	simm.s32 $0xA500;
	[smem:$0x7F3] =	sst s19  }
0x75: {  	s13 =	simm.s32 $0xA800;
	s8 =	simm.s32 $0x1;
	[smem:$0x7D8] =	sst s16  }
0x76: {  	v2 =	vlaneseq.u32;
	s11 =	simm.s32 $0x2;
	s12 =	simm.s32 $0x3;
	[smem:$0x7E7] =	sst s7  }
0x77: {  	vm0 =	vmmov $0xffff;
	v1 =	vshrl.u32 v2, $0x3;
	s14 =	simm.s32 $0x6;
	[smem:$0x7ED] =	sst s13;
	s16 =	simm.s32 $0xA980  }
0x78: {  	v0 =	vand.u32 $0x7, v2;
	v2 =	vor.u32 $0x8, v2;
	v1 =	vmul.u32 $0x8, v1;
	s7 =	simm.s32 $0xB080;
	s13 =	simm.s32 $0x5;
	[smem:$0x7F0] =	sst s16  }
.LBB2_1:
0x79: {  	s16 =	rddreg [dreg:$0x6]  }
0x7a: {  	[tilespmem:s3], [sflag:$0x1] =	stream.linear.gather [hbm4b:s16+s3], $0x60, $0x38;
	[tilespmem:$0xC080] =	vst v63  }
0x7b: {  	s17 =	rddreg [dreg:$0x7]  }
0x7c: {  	[tilespmem:s6], [sflag:$0x2] =	stream.linear.gather [hbm4b:s17+s3], $0x2000, $0x38;
	[tilespmem:$0xC080] =	vst v63  }
0x7d: {  	s19 =	rddreg [dreg:$0x8]  }
0x7e: {  	[tilespmem:s7], [sflag:$0x2] =	stream.linear.gather [hbm4b:s19+s3], $0x1000, $0x38;
	[tilespmem:$0xC080] =	vst v63  }
0x7f: {  	_ =	swait.ge [sflag:s8], $0x60  }
0x80: {  	[sflag:s8] =	ssyncset.done $0x0  }
0x81: {  	[sflag:s8] =	ssyncadd.s32 $0xFFFFFFA0  }
0x82: {  	v3 =	vld [tilespmem:$0x0];
	_ =	sdelay $0x4  }
0x83: {  	v4 =	vshll.u32 v3, $0x1  }
0x84: {  	v3 =	vand.u32 $0x7, v3;
	v4 =	vand.u32 $0xFFFFFFF0, v4  }
0x85: {  	v3 =	vor.u32 v3, v4  }
0x86: {  	v4 =	vperm.xlane v3, v0;
	_ =	sdelay $0x1  }
0x87: {  	v3 =	vperm.xlane v3, v2;
	v4 =	vadd.s32 v1, v4;
	_ =	sdelay $0x1  }
0x88: {  	v3 =	vadd.s32 v1, v3;
	_ =	sdelay $0x2  }
0x89: {  	[tilespmem:s9], [sflag:$0x3] =	stream.indirect_vreg.gather [hbm4b:s0+s3], $0x80, v4, vm0, $0xb8;
	[tilespmem:$0xC080] =	vst v63  }
0x8a: {  	s20 =	rddreg [dreg:$0xd]  }
0x8b: {  	[tilespmem:s20], [sflag:$0x3] =	stream.indirect_vreg.gather [hbm4b:s0+s3], $0x80, v3, vm0, $0xb8;
	[tilespmem:$0xC080] =	vst v63  }
0x8c: {  	v3 =	vld [tilespmem:$0x10];
	_ =	sdelay $0x4  }
0x8d: {  	v59 =	vshll.u32 v3, $0x1  }
0x8e: {  	v3 =	vand.u32 $0x7, v3;
	v4 =	vand.u32 $0xFFFFFFF0, v59  }
0x8f: {  	v3 =	vor.u32 v3, v4  }
0x90: {  	v4 =	vperm.xlane v3, v0;
	_ =	sdelay $0x1  }
0x91: {  	v3 =	vperm.xlane v3, v2;
	v4 =	vadd.s32 v1, v4;
	_ =	sdelay $0x1  }
0x92: {  	v3 =	vadd.s32 v1, v3;
	_ =	sdelay $0x1  }
0x93: {  	s21 =	rddreg [dreg:$0xe]  }
0x94: {  	[tilespmem:s21], [sflag:$0x3] =	stream.indirect_vreg.gather [hbm4b:s0+s3], $0x80, v4, vm0, $0xb8;
	[tilespmem:$0xC080] =	vst v63  }
0x95: {  	s22 =	rddreg [dreg:$0xf]  }
0x96: {  	[tilespmem:s22], [sflag:$0x3] =	stream.indirect_vreg.gather [hbm4b:s0+s3], $0x80, v3, vm0, $0xb8;
	[tilespmem:$0xC080] =	vst v63  }
0x97: {  	v3 =	vld [tilespmem:$0x20];
	_ =	sdelay $0x4  }
0x98: {  	v60 =	vshll.u32 v3, $0x1  }
0x99: {  	v3 =	vand.u32 $0x7, v3;
	v4 =	vand.u32 $0xFFFFFFF0, v60  }
0x9a: {  	v3 =	vor.u32 v3, v4  }
0x9b: {  	v4 =	vperm.xlane v3, v0;
	_ =	sdelay $0x1  }
0x9c: {  	v3 =	vperm.xlane v3, v2;
	v4 =	vadd.s32 v1, v4;
	_ =	sdelay $0x1  }
0x9d: {  	v3 =	vadd.s32 v1, v3;
	_ =	sdelay $0x1  }
0x9e: {  	s23 =	rddreg [dreg:$0x10]  }
0x9f: {  	[tilespmem:s23], [sflag:$0x3] =	stream.indirect_vreg.gather [hbm4b:s0+s3], $0x80, v4, vm0, $0xb8;
	[tilespmem:$0xC080] =	vst v63  }
0xa0: {  	s24 =	rddreg [dreg:$0x11]  }
0xa1: {  	[tilespmem:s24], [sflag:$0x3] =	stream.indirect_vreg.gather [hbm4b:s0+s3], $0x80, v3, vm0, $0xb8;
	[tilespmem:$0xC080] =	vst v63  }
0xa2: {  	v3 =	vld [tilespmem:$0x30];
	_ =	sdelay $0x4  }
0xa3: {  	v61 =	vshll.u32 v3, $0x1  }
0xa4: {  	v3 =	vand.u32 $0x7, v3;
	v4 =	vand.u32 $0xFFFFFFF0, v61  }
0xa5: {  	v3 =	vor.u32 v3, v4  }
0xa6: {  	v4 =	vperm.xlane v3, v0;
	_ =	sdelay $0x1  }
0xa7: {  	v3 =	vperm.xlane v3, v2;
	v4 =	vadd.s32 v1, v4;
	_ =	sdelay $0x1  }
0xa8: {  	v3 =	vadd.s32 v1, v3;
	_ =	sdelay $0x1  }
0xa9: {  	s25 =	rddreg [dreg:$0x12]  }
0xaa: {  	[tilespmem:s25], [sflag:$0x3] =	stream.indirect_vreg.gather [hbm4b:s0+s3], $0x80, v4, vm0, $0xb8;
	[tilespmem:$0xC080] =	vst v63  }
0xab: {  	s26 =	rddreg [dreg:$0x13]  }
0xac: {  	[tilespmem:s26], [sflag:$0x3] =	stream.indirect_vreg.gather [hbm4b:s0+s3], $0x80, v3, vm0, $0xb8;
	[tilespmem:$0xC080] =	vst v63  }
0xad: {  	v3 =	vld [tilespmem:$0x40];
	_ =	sdelay $0x4  }
0xae: {  	v62 =	vshll.u32 v3, $0x1  }
0xaf: {  	v3 =	vand.u32 $0x7, v3;
	v4 =	vand.u32 $0xFFFFFFF0, v62  }
0xb0: {  	v3 =	vor.u32 v3, v4  }
0xb1: {  	v4 =	vperm.xlane v3, v0;
	_ =	sdelay $0x1  }
0xb2: {  	v3 =	vperm.xlane v3, v2;
	v4 =	vadd.s32 v1, v4;
	_ =	sdelay $0x1  }
0xb3: {  	v3 =	vadd.s32 v1, v3;
	_ =	sdelay $0x1  }
0xb4: {  	s28 =	rddreg [dreg:$0x14]  }
0xb5: {  	[tilespmem:s28], [sflag:$0x3] =	stream.indirect_vreg.gather [hbm4b:s0+s3], $0x80, v4, vm0, $0xb8;
	[tilespmem:$0xC080] =	vst v63  }
0xb6: {  	s29 =	rddreg [dreg:$0x15]  }
0xb7: {  	[tilespmem:s29], [sflag:$0x3] =	stream.indirect_vreg.gather [hbm4b:s0+s3], $0x80, v3, vm0, $0xb8;
	[tilespmem:$0xC080] =	vst v63  }
0xb8: {  	v3 =	vld [tilespmem:$0x50];
	_ =	sdelay $0x4  }
0xb9: {  	v63 =	vshll.u32 v3, $0x1  }
0xba: {  	v3 =	vand.u32 $0x7, v3;
	v4 =	vand.u32 $0xFFFFFFF0, v63  }
0xbb: {  	v3 =	vor.u32 v3, v4  }
0xbc: {  	v4 =	vperm.xlane v3, v0;
	_ =	sdelay $0x1  }
0xbd: {  	v3 =	vperm.xlane v3, v2;
	v4 =	vadd.s32 v1, v4;
	_ =	sdelay $0x1  }
0xbe: {  	v3 =	vadd.s32 v1, v3;
	_ =	sdelay $0x1  }
0xbf: {  	s30 =	rddreg [dreg:$0x16]  }
0xc0: {  	[tilespmem:s30], [sflag:$0x3] =	stream.indirect_vreg.gather [hbm4b:s0+s3], $0x80, v4, vm0, $0xb8;
	[tilespmem:$0xC080] =	vst v63  }
0xc1: {  	s31 =	rddreg [dreg:$0x17]  }
0xc2: {  	[tilespmem:s31], [sflag:$0x3] =	stream.indirect_vreg.gather [hbm4b:s0+s3], $0x80, v3, vm0, $0xb8;
	[tilespmem:$0xC080] =	vst v63  }
0xc3: {  	v3 =	vld [tilespmem:$0x0];
	_ =	sdelay $0x4  }
0xc4: {  	v3 =	vshll.u32 v3, $0x4  }
0xc5: {  	(v2sf) =	vpush v3, $0x0;
	_ =	sdelay $0x1  }
0xc6: {  	(v2sf) =	vpush v3, $0x1;
	_ =	sdelay $0x1  }
0xc7: {  	(v2sf) =	vpush v3, $0x2;
	_ =	sdelay $0x2  }
0xc8: {  	(v2sf) =	vpush v3, $0x3;
	_ =	sdelay $0x7  }
0xc9: {  	s18 =	spop (v2sf);
	(v2sf) =	vpush v3, $0x4;
	_ =	sdelay $0x1  }
0xca: {  	s19 =	spop (v2sf);
	(v2sf) =	vpush v3, $0x5;
	_ =	sdelay $0x1  }
0xcb: {  	s21 =	spop (v2sf);
	(v2sf) =	vpush v3, $0x6;
	_ =	sdelay $0x1  }
0xcc: {  	s16 =	sand.u32 $0x1FFFFFF0, s18  }
0xcd: {  	s16 =	sadd.s32 s4, s16;
	s23 =	spop (v2sf);
	(v2sf) =	vpush v3, $0x7  }
0xce: {  	[tilespmem:s10], [sflag:$0x5] =	stream.linear.gather [hbm4b:s16+s3], $0x80, $0x38;
	[tilespmem:$0xC080] =	vst v63  }
0xcf: {  	s16 =	sand.u32 $0x1FFFFFF0, s19  }
0xd0: {  	s20 =	rddreg [dreg:$0x18];
	s16 =	sadd.s32 s4, s16  }
0xd1: {  	[tilespmem:s20], [sflag:$0x5] =	stream.linear.gather [hbm4b:s16+s3], $0x80, $0x38;
	[tilespmem:$0xC080] =	vst v63  }
0xd2: {  	s16 =	sand.u32 $0x1FFFFFF0, s21  }
0xd3: {  	s22 =	rddreg [dreg:$0x19];
	s16 =	sadd.s32 s4, s16  }
0xd4: {  	[tilespmem:s22], [sflag:$0x5] =	stream.linear.gather [hbm4b:s16+s3], $0x80, $0x38;
	[tilespmem:$0xC080] =	vst v63  }
0xd5: {  	s25 =	spop (v2sf);
	(v2sf) =	vpush v3, $0x8  }
0xd6: {  	s16 =	sand.u32 $0x1FFFFFF0, s23  }
0xd7: {  	s24 =	rddreg [dreg:$0x1a];
	s16 =	sadd.s32 s4, s16;
	s28 =	spop (v2sf);
	(v2sf) =	vpush v3, $0x9  }
0xd8: {  	[tilespmem:s24], [sflag:$0x5] =	stream.linear.gather [hbm4b:s16+s3], $0x80, $0x38;
	[tilespmem:$0xC080] =	vst v63  }
0xd9: {  	s16 =	sand.u32 $0x1FFFFFF0, s25;
	s30 =	spop (v2sf);
	(v2sf) =	vpush v3, $0xA  }
0xda: {  	s26 =	rddreg [dreg:$0x1b];
	s16 =	sadd.s32 s4, s16  }
0xdb: {  	[tilespmem:s26], [sflag:$0x5] =	stream.linear.gather [hbm4b:s16+s3], $0x80, $0x38;
	[tilespmem:$0xC080] =	vst v63  }
0xdc: {  	s17 =	spop (v2sf);
	(v2sf) =	vpush v3, $0xB  }
0xdd: {  	s16 =	sand.u32 $0x1FFFFFF0, s28  }
0xde: {  	s29 =	rddreg [dreg:$0x1c];
	s16 =	sadd.s32 s4, s16  }
0xdf: {  	[tilespmem:s29], [sflag:$0x5] =	stream.linear.gather [hbm4b:s16+s3], $0x80, $0x38;
	[tilespmem:$0xC080] =	vst v63  }
0xe0: {  	s16 =	sand.u32 $0x1FFFFFF0, s30  }
0xe1: {  	s31 =	rddreg [dreg:$0x1d];
	s16 =	sadd.s32 s4, s16  }
0xe2: {  	[tilespmem:s31], [sflag:$0x5] =	stream.linear.gather [hbm4b:s16+s3], $0x80, $0x38;
	[tilespmem:$0xC080] =	vst v63  }
0xe3: {  	s16 =	sand.u32 $0x1FFFFFF0, s17  }
0xe4: {  	s18 =	rddreg [dreg:$0x1e];
	s16 =	sadd.s32 s4, s16;
	s19 =	spop (v2sf);
	(v2sf) =	vpush v3, $0xC  }
0xe5: {  	[tilespmem:s18], [sflag:$0x5] =	stream.linear.gather [hbm4b:s16+s3], $0x80, $0x38;
	[tilespmem:$0xC080] =	vst v63  }
0xe6: {  	s21 =	spop (v2sf);
	(v2sf) =	vpush v3, $0xD  }
0xe7: {  	s20 =	rddreg [dreg:$0x1f];
	s16 =	sand.u32 $0x1FFFFFF0, s19  }
0xe8: {  	s22 =	sld [smem:$0x7A7];
	s16 =	sadd.s32 s4, s16;
	s23 =	spop (v2sf)  }
0xe9: {  	(v2sf) =	vpush v3, $0xE;
	[tilespmem:s20], [sflag:$0x5] =	stream.linear.gather [hbm4b:s16+s3], $0x80, $0x38;
	[tilespmem:$0xC080] =	vst v63  }
0xea: {  	s16 =	sand.u32 $0x1FFFFFF0, s21  }
0xeb: {  	s24 =	sld [smem:$0x7A8];
	s25 =	spop (v2sf);
	s16 =	sadd.s32 s4, s16  }
0xec: {  	(v2sf) =	vpush v3, $0xF;
	[tilespmem:s22], [sflag:$0x5] =	stream.linear.gather [hbm4b:s16+s3], $0x80, $0x38;
	[tilespmem:$0xC080] =	vst v63  }
0xed: {  	s16 =	sand.u32 $0x1FFFFFF0, s23  }
0xee: {  	s26 =	sld [smem:$0x7A9];
	s16 =	sadd.s32 s4, s16  }
0xef: {  	[tilespmem:s24], [sflag:$0x5] =	stream.linear.gather [hbm4b:s16+s3], $0x80, $0x38;
	[tilespmem:$0xC080] =	vst v63  }
0xf0: {  	s16 =	sand.u32 $0x1FFFFFF0, s25  }
0xf1: {  	s16 =	sadd.s32 s4, s16  }
0xf2: {  	[tilespmem:s26], [sflag:$0x5] =	stream.linear.gather [hbm4b:s16+s3], $0x80, $0x38;
	[tilespmem:$0xC080] =	vst v63  }
0xf3: {  	s29 =	sld [smem:$0x7AA];
	s28 =	spop (v2sf)  }
0xf4: {  	s16 =	sand.u32 $0x1FFFFFF0, s28  }
0xf5: {  	s31 =	sld [smem:$0x7AB];
	s30 =	spop (v2sf);
	s16 =	sadd.s32 s4, s16  }
0xf6: {  	[tilespmem:s29], [sflag:$0x5] =	stream.linear.gather [hbm4b:s16+s3], $0x80, $0x38;
	[tilespmem:$0xC080] =	vst v63  }
0xf7: {  	s16 =	sand.u32 $0x1FFFFFF0, s30  }
0xf8: {  	s18 =	sld [smem:$0x7AC];
	s17 =	spop (v2sf);
	s16 =	sadd.s32 s4, s16  }
0xf9: {  	[tilespmem:s31], [sflag:$0x5] =	stream.linear.gather [hbm4b:s16+s3], $0x80, $0x38;
	[tilespmem:$0xC080] =	vst v63  }
0xfa: {  	s16 =	sand.u32 $0x1FFFFFF0, s17  }
0xfb: {  	s20 =	sld [smem:$0x7AD];
	s19 =	spop (v2sf);
	s16 =	sadd.s32 s4, s16  }
0xfc: {  	[tilespmem:s18], [sflag:$0x5] =	stream.linear.gather [hbm4b:s16+s3], $0x80, $0x38;
	[tilespmem:$0xC080] =	vst v63  }
0xfd: {  	s16 =	sand.u32 $0x1FFFFFF0, s19  }
0xfe: {  	s16 =	sadd.s32 s4, s16  }
0xff: {  	[tilespmem:s20], [sflag:$0x5] =	stream.linear.gather [hbm4b:s16+s3], $0x80, $0x38;
	[tilespmem:$0xC080] =	vst v63  }
0x100: {  	v3 =	vld [tilespmem:$0x10];
	_ =	sdelay $0x4  }
0x101: {  	v3 =	vshll.u32 v3, $0x4  }
0x102: {  	(v2sf) =	vpush v3, $0x0;
	_ =	sdelay $0x1  }
0x103: {  	(v2sf) =	vpush v3, $0x1;
	_ =	sdelay $0x1  }
0x104: {  	(v2sf) =	vpush v3, $0x2;
	_ =	sdelay $0x2  }
0x105: {  	(v2sf) =	vpush v3, $0x3;
	_ =	sdelay $0x7  }
0x106: {  	s21 =	spop (v2sf);
	(v2sf) =	vpush v3, $0x4;
	_ =	sdelay $0x1  }
0x107: {  	s23 =	spop (v2sf);
	(v2sf) =	vpush v3, $0x5;
	_ =	sdelay $0x1  }
0x108: {  	s25 =	spop (v2sf);
	(v2sf) =	vpush v3, $0x6  }
0x109: {  	s22 =	sld [smem:$0x7AE]  }
0x10a: {  	s16 =	sand.u32 $0x1FFFFFF0, s21  }
0x10b: {  	s24 =	sld [smem:$0x7AF];
	s16 =	sadd.s32 s4, s16;
	s28 =	spop (v2sf);
	(v2sf) =	vpush v3, $0x7  }
0x10c: {  	[tilespmem:s22], [sflag:$0x5] =	stream.linear.gather [hbm4b:s16+s3], $0x80, $0x38;
	[tilespmem:$0xC080] =	vst v63  }
0x10d: {  	s16 =	sand.u32 $0x1FFFFFF0, s23  }
0x10e: {  	s26 =	sld [smem:$0x7B0];
	s16 =	sadd.s32 s4, s16  }
0x10f: {  	[tilespmem:s24], [sflag:$0x5] =	stream.linear.gather [hbm4b:s16+s3], $0x80, $0x38;
	[tilespmem:$0xC080] =	vst v63  }
0x110: {  	s16 =	sand.u32 $0x1FFFFFF0, s25  }
0x111: {  	s16 =	sadd.s32 s4, s16  }
0x112: {  	[tilespmem:s26], [sflag:$0x5] =	stream.linear.gather [hbm4b:s16+s3], $0x80, $0x38;
	[tilespmem:$0xC080] =	vst v63  }
0x113: {  	s29 =	sld [smem:$0x7B1];
	s30 =	spop (v2sf);
	(v2sf) =	vpush v3, $0x8  }
0x114: {  	s16 =	sand.u32 $0x1FFFFFF0, s28  }
0x115: {  	s31 =	sld [smem:$0x7B2];
	s16 =	sadd.s32 s4, s16;
	s17 =	spop (v2sf);
	(v2sf) =	vpush v3, $0x9  }
0x116: {  	[tilespmem:s29], [sflag:$0x5] =	stream.linear.gather [hbm4b:s16+s3], $0x80, $0x38;
	[tilespmem:$0xC080] =	vst v63  }
0x117: {  	s16 =	sand.u32 $0x1FFFFFF0, s30;
	s19 =	spop (v2sf);
	(v2sf) =	vpush v3, $0xA  }
0x118: {  	s16 =	sadd.s32 s4, s16  }
0x119: {  	[tilespmem:s31], [sflag:$0x5] =	stream.linear.gather [hbm4b:s16+s3], $0x80, $0x38;
	[tilespmem:$0xC080] =	vst v63  }
0x11a: {  	s18 =	sld [smem:$0x7B3];
	s21 =	spop (v2sf);
	(v2sf) =	vpush v3, $0xB  }
0x11b: {  	s16 =	sand.u32 $0x1FFFFFF0, s17  }
0x11c: {  	s20 =	sld [smem:$0x7B4];
	s16 =	sadd.s32 s4, s16  }
0x11d: {  	[tilespmem:s18], [sflag:$0x5] =	stream.linear.gather [hbm4b:s16+s3], $0x80, $0x38;
	[tilespmem:$0xC080] =	vst v63  }
0x11e: {  	s16 =	sand.u32 $0x1FFFFFF0, s19  }
0x11f: {  	s22 =	sld [smem:$0x7B5];
	s16 =	sadd.s32 s4, s16  }
0x120: {  	[tilespmem:s20], [sflag:$0x5] =	stream.linear.gather [hbm4b:s16+s3], $0x80, $0x38;
	[tilespmem:$0xC080] =	vst v63  }
0x121: {  	s16 =	sand.u32 $0x1FFFFFF0, s21  }
0x122: {  	s16 =	sadd.s32 s4, s16;
	s23 =	spop (v2sf);
	(v2sf) =	vpush v3, $0xC  }
0x123: {  	[tilespmem:s22], [sflag:$0x5] =	stream.linear.gather [hbm4b:s16+s3], $0x80, $0x38;
	[tilespmem:$0xC080] =	vst v63  }
0x124: {  	s24 =	sld [smem:$0x7B6];
	s25 =	spop (v2sf);
	(v2sf) =	vpush v3, $0xD  }
0x125: {  	s16 =	sand.u32 $0x1FFFFFF0, s23  }
0x126: {  	s26 =	sld [smem:$0x7B7];
	s16 =	sadd.s32 s4, s16;
	s28 =	spop (v2sf)  }
0x127: {  	(v2sf) =	vpush v3, $0xE;
	[tilespmem:s24], [sflag:$0x5] =	stream.linear.gather [hbm4b:s16+s3], $0x80, $0x38;
	[tilespmem:$0xC080] =	vst v63  }
0x128: {  	s16 =	sand.u32 $0x1FFFFFF0, s25  }
0x129: {  	s29 =	sld [smem:$0x7B8];
	s30 =	spop (v2sf);
	s16 =	sadd.s32 s4, s16  }
0x12a: {  	(v2sf) =	vpush v3, $0xF;
	[tilespmem:s26], [sflag:$0x5] =	stream.linear.gather [hbm4b:s16+s3], $0x80, $0x38;
	[tilespmem:$0xC080] =	vst v63  }
0x12b: {  	s16 =	sand.u32 $0x1FFFFFF0, s28  }
0x12c: {  	s31 =	sld [smem:$0x7B9];
	s16 =	sadd.s32 s4, s16  }
0x12d: {  	[tilespmem:s29], [sflag:$0x5] =	stream.linear.gather [hbm4b:s16+s3], $0x80, $0x38;
	[tilespmem:$0xC080] =	vst v63  }
0x12e: {  	s16 =	sand.u32 $0x1FFFFFF0, s30  }
0x12f: {  	s16 =	sadd.s32 s4, s16  }
0x130: {  	[tilespmem:s31], [sflag:$0x5] =	stream.linear.gather [hbm4b:s16+s3], $0x80, $0x38;
	[tilespmem:$0xC080] =	vst v63  }
0x131: {  	s18 =	sld [smem:$0x7BA];
	s17 =	spop (v2sf)  }
0x132: {  	s16 =	sand.u32 $0x1FFFFFF0, s17  }
0x133: {  	s20 =	sld [smem:$0x7BB];
	s19 =	spop (v2sf);
	s16 =	sadd.s32 s4, s16  }
0x134: {  	[tilespmem:s18], [sflag:$0x5] =	stream.linear.gather [hbm4b:s16+s3], $0x80, $0x38;
	[tilespmem:$0xC080] =	vst v63  }
0x135: {  	s16 =	sand.u32 $0x1FFFFFF0, s19  }
0x136: {  	s22 =	sld [smem:$0x7BC];
	s21 =	spop (v2sf);
	s16 =	sadd.s32 s4, s16  }
0x137: {  	[tilespmem:s20], [sflag:$0x5] =	stream.linear.gather [hbm4b:s16+s3], $0x80, $0x38;
	[tilespmem:$0xC080] =	vst v63  }
0x138: {  	s16 =	sand.u32 $0x1FFFFFF0, s21  }
0x139: {  	s24 =	sld [smem:$0x7BD];
	s23 =	spop (v2sf);
	s16 =	sadd.s32 s4, s16  }
0x13a: {  	[tilespmem:s22], [sflag:$0x5] =	stream.linear.gather [hbm4b:s16+s3], $0x80, $0x38;
	[tilespmem:$0xC080] =	vst v63  }
0x13b: {  	s16 =	sand.u32 $0x1FFFFFF0, s23  }
0x13c: {  	s16 =	sadd.s32 s4, s16  }
0x13d: {  	[tilespmem:s24], [sflag:$0x5] =	stream.linear.gather [hbm4b:s16+s3], $0x80, $0x38;
	[tilespmem:$0xC080] =	vst v63  }
0x13e: {  	v3 =	vld [tilespmem:$0x20];
	_ =	sdelay $0x4  }
0x13f: {  	v3 =	vshll.u32 v3, $0x4  }
0x140: {  	(v2sf) =	vpush v3, $0x0;
	_ =	sdelay $0x1  }
0x141: {  	(v2sf) =	vpush v3, $0x1;
	_ =	sdelay $0x1  }
0x142: {  	(v2sf) =	vpush v3, $0x2;
	_ =	sdelay $0x2  }
0x143: {  	(v2sf) =	vpush v3, $0x3;
	_ =	sdelay $0x7  }
0x144: {  	s25 =	spop (v2sf);
	(v2sf) =	vpush v3, $0x4;
	_ =	sdelay $0x1  }
0x145: {  	s28 =	spop (v2sf);
	(v2sf) =	vpush v3, $0x5;
	_ =	sdelay $0x1  }
0x146: {  	s30 =	spop (v2sf);
	(v2sf) =	vpush v3, $0x6  }
0x147: {  	s26 =	sld [smem:$0x7BE]  }
0x148: {  	s16 =	sand.u32 $0x1FFFFFF0, s25  }
0x149: {  	s29 =	sld [smem:$0x7BF];
	s16 =	sadd.s32 s4, s16;
	s17 =	spop (v2sf);
	(v2sf) =	vpush v3, $0x7  }
0x14a: {  	[tilespmem:s26], [sflag:$0x5] =	stream.linear.gather [hbm4b:s16+s3], $0x80, $0x38;
	[tilespmem:$0xC080] =	vst v63  }
0x14b: {  	s16 =	sand.u32 $0x1FFFFFF0, s28  }
0x14c: {  	s31 =	sld [smem:$0x7C0];
	s16 =	sadd.s32 s4, s16  }
0x14d: {  	[tilespmem:s29], [sflag:$0x5] =	stream.linear.gather [hbm4b:s16+s3], $0x80, $0x38;
	[tilespmem:$0xC080] =	vst v63  }
0x14e: {  	s16 =	sand.u32 $0x1FFFFFF0, s30  }
0x14f: {  	s16 =	sadd.s32 s4, s16  }
0x150: {  	[tilespmem:s31], [sflag:$0x5] =	stream.linear.gather [hbm4b:s16+s3], $0x80, $0x38;
	[tilespmem:$0xC080] =	vst v63  }
0x151: {  	s18 =	sld [smem:$0x7C1];
	s19 =	spop (v2sf);
	(v2sf) =	vpush v3, $0x8  }
0x152: {  	s16 =	sand.u32 $0x1FFFFFF0, s17  }
0x153: {  	s20 =	sld [smem:$0x7C2];
	s16 =	sadd.s32 s4, s16;
	s21 =	spop (v2sf);
	(v2sf) =	vpush v3, $0x9  }
0x154: {  	[tilespmem:s18], [sflag:$0x5] =	stream.linear.gather [hbm4b:s16+s3], $0x80, $0x38;
	[tilespmem:$0xC080] =	vst v63  }
0x155: {  	s16 =	sand.u32 $0x1FFFFFF0, s19;
	s23 =	spop (v2sf);
	(v2sf) =	vpush v3, $0xA  }
0x156: {  	s16 =	sadd.s32 s4, s16  }
0x157: {  	[tilespmem:s20], [sflag:$0x5] =	stream.linear.gather [hbm4b:s16+s3], $0x80, $0x38;
	[tilespmem:$0xC080] =	vst v63  }
0x158: {  	s22 =	sld [smem:$0x7C3];
	s25 =	spop (v2sf);
	(v2sf) =	vpush v3, $0xB  }
0x159: {  	s16 =	sand.u32 $0x1FFFFFF0, s21  }
0x15a: {  	s24 =	sld [smem:$0x7C4];
	s16 =	sadd.s32 s4, s16  }
0x15b: {  	[tilespmem:s22], [sflag:$0x5] =	stream.linear.gather [hbm4b:s16+s3], $0x80, $0x38;
	[tilespmem:$0xC080] =	vst v63  }
0x15c: {  	s16 =	sand.u32 $0x1FFFFFF0, s23  }
0x15d: {  	s26 =	sld [smem:$0x7C5];
	s16 =	sadd.s32 s4, s16  }
0x15e: {  	[tilespmem:s24], [sflag:$0x5] =	stream.linear.gather [hbm4b:s16+s3], $0x80, $0x38;
	[tilespmem:$0xC080] =	vst v63  }
0x15f: {  	s16 =	sand.u32 $0x1FFFFFF0, s25  }
0x160: {  	s16 =	sadd.s32 s4, s16;
	s28 =	spop (v2sf);
	(v2sf) =	vpush v3, $0xC  }
0x161: {  	[tilespmem:s26], [sflag:$0x5] =	stream.linear.gather [hbm4b:s16+s3], $0x80, $0x38;
	[tilespmem:$0xC080] =	vst v63  }
0x162: {  	s29 =	sld [smem:$0x7C6];
	s30 =	spop (v2sf);
	(v2sf) =	vpush v3, $0xD  }
0x163: {  	s16 =	sand.u32 $0x1FFFFFF0, s28  }
0x164: {  	s31 =	sld [smem:$0x7C7];
	s16 =	sadd.s32 s4, s16;
	s17 =	spop (v2sf)  }
0x165: {  	(v2sf) =	vpush v3, $0xE;
	[tilespmem:s29], [sflag:$0x5] =	stream.linear.gather [hbm4b:s16+s3], $0x80, $0x38;
	[tilespmem:$0xC080] =	vst v63  }
0x166: {  	s16 =	sand.u32 $0x1FFFFFF0, s30  }
0x167: {  	s18 =	sld [smem:$0x7C8];
	s19 =	spop (v2sf);
	s16 =	sadd.s32 s4, s16  }
0x168: {  	(v2sf) =	vpush v3, $0xF;
	[tilespmem:s31], [sflag:$0x5] =	stream.linear.gather [hbm4b:s16+s3], $0x80, $0x38;
	[tilespmem:$0xC080] =	vst v63  }
0x169: {  	s16 =	sand.u32 $0x1FFFFFF0, s17  }
0x16a: {  	s20 =	sld [smem:$0x7C9];
	s16 =	sadd.s32 s4, s16  }
0x16b: {  	[tilespmem:s18], [sflag:$0x5] =	stream.linear.gather [hbm4b:s16+s3], $0x80, $0x38;
	[tilespmem:$0xC080] =	vst v63  }
0x16c: {  	s16 =	sand.u32 $0x1FFFFFF0, s19  }
0x16d: {  	s16 =	sadd.s32 s4, s16  }
0x16e: {  	[tilespmem:s20], [sflag:$0x5] =	stream.linear.gather [hbm4b:s16+s3], $0x80, $0x38;
	[tilespmem:$0xC080] =	vst v63  }
0x16f: {  	s22 =	sld [smem:$0x7CA];
	s21 =	spop (v2sf)  }
0x170: {  	s16 =	sand.u32 $0x1FFFFFF0, s21  }
0x171: {  	s24 =	sld [smem:$0x7CB];
	s23 =	spop (v2sf);
	s16 =	sadd.s32 s4, s16  }
0x172: {  	[tilespmem:s22], [sflag:$0x5] =	stream.linear.gather [hbm4b:s16+s3], $0x80, $0x38;
	[tilespmem:$0xC080] =	vst v63  }
0x173: {  	s16 =	sand.u32 $0x1FFFFFF0, s23  }
0x174: {  	s26 =	sld [smem:$0x7CC];
	s25 =	spop (v2sf);
	s16 =	sadd.s32 s4, s16  }
0x175: {  	[tilespmem:s24], [sflag:$0x5] =	stream.linear.gather [hbm4b:s16+s3], $0x80, $0x38;
	[tilespmem:$0xC080] =	vst v63  }
0x176: {  	s16 =	sand.u32 $0x1FFFFFF0, s25  }
0x177: {  	s29 =	sld [smem:$0x7CD];
	s28 =	spop (v2sf);
	s16 =	sadd.s32 s4, s16  }
0x178: {  	[tilespmem:s26], [sflag:$0x5] =	stream.linear.gather [hbm4b:s16+s3], $0x80, $0x38;
	[tilespmem:$0xC080] =	vst v63  }
0x179: {  	s16 =	sand.u32 $0x1FFFFFF0, s28  }
0x17a: {  	s16 =	sadd.s32 s4, s16  }
0x17b: {  	[tilespmem:s29], [sflag:$0x5] =	stream.linear.gather [hbm4b:s16+s3], $0x80, $0x38;
	[tilespmem:$0xC080] =	vst v63  }
0x17c: {  	v3 =	vld [tilespmem:$0x30];
	_ =	sdelay $0x4  }
0x17d: {  	v3 =	vshll.u32 v3, $0x4  }
0x17e: {  	(v2sf) =	vpush v3, $0x0;
	_ =	sdelay $0x1  }
0x17f: {  	(v2sf) =	vpush v3, $0x1;
	_ =	sdelay $0x1  }
0x180: {  	(v2sf) =	vpush v3, $0x2;
	_ =	sdelay $0x2  }
0x181: {  	(v2sf) =	vpush v3, $0x3;
	_ =	sdelay $0x7  }
0x182: {  	s30 =	spop (v2sf);
	(v2sf) =	vpush v3, $0x4;
	_ =	sdelay $0x1  }
0x183: {  	s17 =	spop (v2sf);
	(v2sf) =	vpush v3, $0x5;
	_ =	sdelay $0x1  }
0x184: {  	s19 =	spop (v2sf);
	(v2sf) =	vpush v3, $0x6  }
0x185: {  	s31 =	sld [smem:$0x7CE]  }
0x186: {  	s16 =	sand.u32 $0x1FFFFFF0, s30  }
0x187: {  	s18 =	sld [smem:$0x7CF];
	s16 =	sadd.s32 s4, s16;
	s21 =	spop (v2sf);
	(v2sf) =	vpush v3, $0x7  }
0x188: {  	[tilespmem:s31], [sflag:$0x6] =	stream.linear.gather [hbm4b:s16+s3], $0x80, $0x38;
	[tilespmem:$0xC080] =	vst v63  }
0x189: {  	s16 =	sand.u32 $0x1FFFFFF0, s17  }
0x18a: {  	s20 =	sld [smem:$0x7D0];
	s16 =	sadd.s32 s4, s16  }
0x18b: {  	[tilespmem:s18], [sflag:$0x6] =	stream.linear.gather [hbm4b:s16+s3], $0x80, $0x38;
	[tilespmem:$0xC080] =	vst v63  }
0x18c: {  	s16 =	sand.u32 $0x1FFFFFF0, s19  }
0x18d: {  	s16 =	sadd.s32 s4, s16  }
0x18e: {  	[tilespmem:s20], [sflag:$0x6] =	stream.linear.gather [hbm4b:s16+s3], $0x80, $0x38;
	[tilespmem:$0xC080] =	vst v63  }
0x18f: {  	s22 =	sld [smem:$0x7D1];
	s23 =	spop (v2sf);
	(v2sf) =	vpush v3, $0x8  }
0x190: {  	s16 =	sand.u32 $0x1FFFFFF0, s21  }
0x191: {  	s24 =	sld [smem:$0x7D2];
	s16 =	sadd.s32 s4, s16;
	s25 =	spop (v2sf);
	(v2sf) =	vpush v3, $0x9  }
0x192: {  	[tilespmem:s22], [sflag:$0x6] =	stream.linear.gather [hbm4b:s16+s3], $0x80, $0x38;
	[tilespmem:$0xC080] =	vst v63  }
0x193: {  	s16 =	sand.u32 $0x1FFFFFF0, s23;
	s28 =	spop (v2sf);
	(v2sf) =	vpush v3, $0xA  }
0x194: {  	s16 =	sadd.s32 s4, s16  }
0x195: {  	[tilespmem:s24], [sflag:$0x6] =	stream.linear.gather [hbm4b:s16+s3], $0x80, $0x38;
	[tilespmem:$0xC080] =	vst v63  }
0x196: {  	s26 =	sld [smem:$0x7D3];
	s30 =	spop (v2sf);
	(v2sf) =	vpush v3, $0xB  }
0x197: {  	s16 =	sand.u32 $0x1FFFFFF0, s25  }
0x198: {  	s29 =	sld [smem:$0x7D4];
	s16 =	sadd.s32 s4, s16  }
0x199: {  	[tilespmem:s26], [sflag:$0x6] =	stream.linear.gather [hbm4b:s16+s3], $0x80, $0x38;
	[tilespmem:$0xC080] =	vst v63  }
0x19a: {  	s16 =	sand.u32 $0x1FFFFFF0, s28  }
0x19b: {  	s31 =	sld [smem:$0x7D5];
	s16 =	sadd.s32 s4, s16  }
0x19c: {  	[tilespmem:s29], [sflag:$0x6] =	stream.linear.gather [hbm4b:s16+s3], $0x80, $0x38;
	[tilespmem:$0xC080] =	vst v63  }
0x19d: {  	s16 =	sand.u32 $0x1FFFFFF0, s30  }
0x19e: {  	s16 =	sadd.s32 s4, s16;
	s17 =	spop (v2sf);
	(v2sf) =	vpush v3, $0xC  }
0x19f: {  	[tilespmem:s31], [sflag:$0x6] =	stream.linear.gather [hbm4b:s16+s3], $0x80, $0x38;
	[tilespmem:$0xC080] =	vst v63  }
0x1a0: {  	s18 =	sld [smem:$0x7D6];
	s19 =	spop (v2sf);
	(v2sf) =	vpush v3, $0xD  }
0x1a1: {  	s16 =	sand.u32 $0x1FFFFFF0, s17  }
0x1a2: {  	s20 =	sld [smem:$0x7D7];
	s16 =	sadd.s32 s4, s16;
	s21 =	spop (v2sf)  }
0x1a3: {  	(v2sf) =	vpush v3, $0xE;
	[tilespmem:s18], [sflag:$0x6] =	stream.linear.gather [hbm4b:s16+s3], $0x80, $0x38;
	[tilespmem:$0xC080] =	vst v63  }
0x1a4: {  	s16 =	sand.u32 $0x1FFFFFF0, s19  }
0x1a5: {  	s22 =	sld [smem:$0x7D8];
	s23 =	spop (v2sf);
	s16 =	sadd.s32 s4, s16  }
0x1a6: {  	(v2sf) =	vpush v3, $0xF;
	[tilespmem:s20], [sflag:$0x6] =	stream.linear.gather [hbm4b:s16+s3], $0x80, $0x38;
	[tilespmem:$0xC080] =	vst v63  }
0x1a7: {  	s16 =	sand.u32 $0x1FFFFFF0, s21  }
0x1a8: {  	s24 =	sld [smem:$0x7D9];
	s16 =	sadd.s32 s4, s16  }
0x1a9: {  	[tilespmem:s22], [sflag:$0x6] =	stream.linear.gather [hbm4b:s16+s3], $0x80, $0x38;
	[tilespmem:$0xC080] =	vst v63  }
0x1aa: {  	s16 =	sand.u32 $0x1FFFFFF0, s23  }
0x1ab: {  	s16 =	sadd.s32 s4, s16  }
0x1ac: {  	[tilespmem:s24], [sflag:$0x6] =	stream.linear.gather [hbm4b:s16+s3], $0x80, $0x38;
	[tilespmem:$0xC080] =	vst v63  }
0x1ad: {  	s26 =	sld [smem:$0x7DA];
	s25 =	spop (v2sf)  }
0x1ae: {  	s16 =	sand.u32 $0x1FFFFFF0, s25  }
0x1af: {  	s29 =	sld [smem:$0x7DB];
	s28 =	spop (v2sf);
	s16 =	sadd.s32 s4, s16  }
0x1b0: {  	[tilespmem:s26], [sflag:$0x6] =	stream.linear.gather [hbm4b:s16+s3], $0x80, $0x38;
	[tilespmem:$0xC080] =	vst v63  }
0x1b1: {  	s16 =	sand.u32 $0x1FFFFFF0, s28  }
0x1b2: {  	s31 =	sld [smem:$0x7DC];
	s30 =	spop (v2sf);
	s16 =	sadd.s32 s4, s16  }
0x1b3: {  	[tilespmem:s29], [sflag:$0x6] =	stream.linear.gather [hbm4b:s16+s3], $0x80, $0x38;
	[tilespmem:$0xC080] =	vst v63  }
0x1b4: {  	s16 =	sand.u32 $0x1FFFFFF0, s30  }
0x1b5: {  	s18 =	sld [smem:$0x7DD];
	s17 =	spop (v2sf);
	s16 =	sadd.s32 s4, s16  }
0x1b6: {  	[tilespmem:s31], [sflag:$0x6] =	stream.linear.gather [hbm4b:s16+s3], $0x80, $0x38;
	[tilespmem:$0xC080] =	vst v63  }
0x1b7: {  	s16 =	sand.u32 $0x1FFFFFF0, s17  }
0x1b8: {  	s16 =	sadd.s32 s4, s16  }
0x1b9: {  	[tilespmem:s18], [sflag:$0x6] =	stream.linear.gather [hbm4b:s16+s3], $0x80, $0x38;
	[tilespmem:$0xC080] =	vst v63  }
0x1ba: {  	v3 =	vld [tilespmem:$0x40];
	_ =	sdelay $0x4  }
0x1bb: {  	v3 =	vshll.u32 v3, $0x4  }
0x1bc: {  	(v2sf) =	vpush v3, $0x0;
	_ =	sdelay $0x1  }
0x1bd: {  	(v2sf) =	vpush v3, $0x1;
	_ =	sdelay $0x1  }
0x1be: {  	(v2sf) =	vpush v3, $0x2;
	_ =	sdelay $0x2  }
0x1bf: {  	(v2sf) =	vpush v3, $0x3;
	_ =	sdelay $0x7  }
0x1c0: {  	s19 =	spop (v2sf);
	(v2sf) =	vpush v3, $0x4;
	_ =	sdelay $0x1  }
0x1c1: {  	s21 =	spop (v2sf);
	(v2sf) =	vpush v3, $0x5;
	_ =	sdelay $0x1  }
0x1c2: {  	s23 =	spop (v2sf);
	(v2sf) =	vpush v3, $0x6  }
0x1c3: {  	s20 =	sld [smem:$0x7DE]  }
0x1c4: {  	s16 =	sand.u32 $0x1FFFFFF0, s19  }
0x1c5: {  	s22 =	sld [smem:$0x7DF];
	s16 =	sadd.s32 s4, s16;
	s25 =	spop (v2sf);
	(v2sf) =	vpush v3, $0x7  }
0x1c6: {  	[tilespmem:s20], [sflag:$0x6] =	stream.linear.gather [hbm4b:s16+s3], $0x80, $0x38;
	[tilespmem:$0xC080] =	vst v63  }
0x1c7: {  	s16 =	sand.u32 $0x1FFFFFF0, s21  }
0x1c8: {  	s24 =	sld [smem:$0x7E0];
	s16 =	sadd.s32 s4, s16  }
0x1c9: {  	[tilespmem:s22], [sflag:$0x6] =	stream.linear.gather [hbm4b:s16+s3], $0x80, $0x38;
	[tilespmem:$0xC080] =	vst v63  }
0x1ca: {  	s16 =	sand.u32 $0x1FFFFFF0, s23  }
0x1cb: {  	s16 =	sadd.s32 s4, s16  }
0x1cc: {  	[tilespmem:s24], [sflag:$0x6] =	stream.linear.gather [hbm4b:s16+s3], $0x80, $0x38;
	[tilespmem:$0xC080] =	vst v63  }
0x1cd: {  	s26 =	sld [smem:$0x7E1];
	s28 =	spop (v2sf);
	(v2sf) =	vpush v3, $0x8  }
0x1ce: {  	s16 =	sand.u32 $0x1FFFFFF0, s25  }
0x1cf: {  	s29 =	sld [smem:$0x7E2];
	s16 =	sadd.s32 s4, s16;
	s30 =	spop (v2sf);
	(v2sf) =	vpush v3, $0x9  }
0x1d0: {  	[tilespmem:s26], [sflag:$0x6] =	stream.linear.gather [hbm4b:s16+s3], $0x80, $0x38;
	[tilespmem:$0xC080] =	vst v63  }
0x1d1: {  	s16 =	sand.u32 $0x1FFFFFF0, s28;
	s17 =	spop (v2sf);
	(v2sf) =	vpush v3, $0xA  }
0x1d2: {  	s16 =	sadd.s32 s4, s16  }
0x1d3: {  	[tilespmem:s29], [sflag:$0x6] =	stream.linear.gather [hbm4b:s16+s3], $0x80, $0x38;
	[tilespmem:$0xC080] =	vst v63  }
0x1d4: {  	s31 =	sld [smem:$0x7E3];
	s19 =	spop (v2sf);
	(v2sf) =	vpush v3, $0xB  }
0x1d5: {  	s16 =	sand.u32 $0x1FFFFFF0, s30  }
0x1d6: {  	s18 =	sld [smem:$0x7E4];
	s16 =	sadd.s32 s4, s16  }
0x1d7: {  	[tilespmem:s31], [sflag:$0x6] =	stream.linear.gather [hbm4b:s16+s3], $0x80, $0x38;
	[tilespmem:$0xC080] =	vst v63  }
0x1d8: {  	s16 =	sand.u32 $0x1FFFFFF0, s17  }
0x1d9: {  	s20 =	sld [smem:$0x7E5];
	s16 =	sadd.s32 s4, s16  }
0x1da: {  	[tilespmem:s18], [sflag:$0x6] =	stream.linear.gather [hbm4b:s16+s3], $0x80, $0x38;
	[tilespmem:$0xC080] =	vst v63  }
0x1db: {  	s16 =	sand.u32 $0x1FFFFFF0, s19  }
0x1dc: {  	s16 =	sadd.s32 s4, s16;
	s21 =	spop (v2sf);
	(v2sf) =	vpush v3, $0xC  }
0x1dd: {  	[tilespmem:s20], [sflag:$0x6] =	stream.linear.gather [hbm4b:s16+s3], $0x80, $0x38;
	[tilespmem:$0xC080] =	vst v63  }
0x1de: {  	s22 =	sld [smem:$0x7E6];
	s23 =	spop (v2sf);
	(v2sf) =	vpush v3, $0xD  }
0x1df: {  	s16 =	sand.u32 $0x1FFFFFF0, s21  }
0x1e0: {  	s24 =	sld [smem:$0x7E7];
	s16 =	sadd.s32 s4, s16;
	s25 =	spop (v2sf)  }
0x1e1: {  	(v2sf) =	vpush v3, $0xE;
	[tilespmem:s22], [sflag:$0x6] =	stream.linear.gather [hbm4b:s16+s3], $0x80, $0x38;
	[tilespmem:$0xC080] =	vst v63  }
0x1e2: {  	s16 =	sand.u32 $0x1FFFFFF0, s23  }
0x1e3: {  	s26 =	sld [smem:$0x7E8];
	s28 =	spop (v2sf);
	s16 =	sadd.s32 s4, s16  }
0x1e4: {  	(v2sf) =	vpush v3, $0xF;
	[tilespmem:s24], [sflag:$0x6] =	stream.linear.gather [hbm4b:s16+s3], $0x80, $0x38;
	[tilespmem:$0xC080] =	vst v63  }
0x1e5: {  	s16 =	sand.u32 $0x1FFFFFF0, s25  }
0x1e6: {  	s29 =	sld [smem:$0x7E9];
	s16 =	sadd.s32 s4, s16  }
0x1e7: {  	[tilespmem:s26], [sflag:$0x6] =	stream.linear.gather [hbm4b:s16+s3], $0x80, $0x38;
	[tilespmem:$0xC080] =	vst v63  }
0x1e8: {  	s16 =	sand.u32 $0x1FFFFFF0, s28  }
0x1e9: {  	s16 =	sadd.s32 s4, s16  }
0x1ea: {  	[tilespmem:s29], [sflag:$0x6] =	stream.linear.gather [hbm4b:s16+s3], $0x80, $0x38;
	[tilespmem:$0xC080] =	vst v63  }
0x1eb: {  	s31 =	sld [smem:$0x7EA];
	s30 =	spop (v2sf)  }
0x1ec: {  	s16 =	sand.u32 $0x1FFFFFF0, s30  }
0x1ed: {  	s18 =	sld [smem:$0x7EB];
	s17 =	spop (v2sf);
	s16 =	sadd.s32 s4, s16  }
0x1ee: {  	[tilespmem:s31], [sflag:$0x6] =	stream.linear.gather [hbm4b:s16+s3], $0x80, $0x38;
	[tilespmem:$0xC080] =	vst v63  }
0x1ef: {  	s16 =	sand.u32 $0x1FFFFFF0, s17  }
0x1f0: {  	s20 =	sld [smem:$0x7EC];
	s19 =	spop (v2sf);
	s16 =	sadd.s32 s4, s16  }
0x1f1: {  	[tilespmem:s18], [sflag:$0x6] =	stream.linear.gather [hbm4b:s16+s3], $0x80, $0x38;
	[tilespmem:$0xC080] =	vst v63  }
0x1f2: {  	s16 =	sand.u32 $0x1FFFFFF0, s19  }
0x1f3: {  	s22 =	sld [smem:$0x7ED];
	s21 =	spop (v2sf);
	s16 =	sadd.s32 s4, s16  }
0x1f4: {  	[tilespmem:s20], [sflag:$0x6] =	stream.linear.gather [hbm4b:s16+s3], $0x80, $0x38;
	[tilespmem:$0xC080] =	vst v63  }
0x1f5: {  	s16 =	sand.u32 $0x1FFFFFF0, s21  }
0x1f6: {  	s16 =	sadd.s32 s4, s16  }
0x1f7: {  	[tilespmem:s22], [sflag:$0x6] =	stream.linear.gather [hbm4b:s16+s3], $0x80, $0x38;
	[tilespmem:$0xC080] =	vst v63  }
0x1f8: {  	v3 =	vld [tilespmem:$0x50];
	_ =	sdelay $0x4  }
0x1f9: {  	v3 =	vshll.u32 v3, $0x4  }
0x1fa: {  	(v2sf) =	vpush v3, $0x0;
	_ =	sdelay $0x1  }
0x1fb: {  	(v2sf) =	vpush v3, $0x1;
	_ =	sdelay $0x1  }
0x1fc: {  	(v2sf) =	vpush v3, $0x2;
	_ =	sdelay $0x2  }
0x1fd: {  	(v2sf) =	vpush v3, $0x3;
	_ =	sdelay $0x7  }
0x1fe: {  	s23 =	spop (v2sf);
	(v2sf) =	vpush v3, $0x4;
	_ =	sdelay $0x1  }
0x1ff: {  	s25 =	spop (v2sf);
	(v2sf) =	vpush v3, $0x5;
	_ =	sdelay $0x1  }
0x200: {  	s28 =	spop (v2sf);
	(v2sf) =	vpush v3, $0x6  }
0x201: {  	s24 =	sld [smem:$0x7EE]  }
0x202: {  	s16 =	sand.u32 $0x1FFFFFF0, s23  }
0x203: {  	s26 =	sld [smem:$0x7EF];
	s16 =	sadd.s32 s4, s16;
	s30 =	spop (v2sf);
	(v2sf) =	vpush v3, $0x7  }
0x204: {  	[tilespmem:s24], [sflag:$0x6] =	stream.linear.gather [hbm4b:s16+s3], $0x80, $0x38;
	[tilespmem:$0xC080] =	vst v63  }
0x205: {  	s16 =	sand.u32 $0x1FFFFFF0, s25  }
0x206: {  	s29 =	sld [smem:$0x7F0];
	s16 =	sadd.s32 s4, s16  }
0x207: {  	[tilespmem:s26], [sflag:$0x6] =	stream.linear.gather [hbm4b:s16+s3], $0x80, $0x38;
	[tilespmem:$0xC080] =	vst v63  }
0x208: {  	s16 =	sand.u32 $0x1FFFFFF0, s28  }
0x209: {  	s16 =	sadd.s32 s4, s16  }
0x20a: {  	[tilespmem:s29], [sflag:$0x6] =	stream.linear.gather [hbm4b:s16+s3], $0x80, $0x38;
	[tilespmem:$0xC080] =	vst v63  }
0x20b: {  	s31 =	sld [smem:$0x7F1];
	s17 =	spop (v2sf);
	(v2sf) =	vpush v3, $0x8  }
0x20c: {  	s16 =	sand.u32 $0x1FFFFFF0, s30  }
0x20d: {  	s18 =	sld [smem:$0x7F2];
	s16 =	sadd.s32 s4, s16;
	s19 =	spop (v2sf);
	(v2sf) =	vpush v3, $0x9  }
0x20e: {  	[tilespmem:s31], [sflag:$0x6] =	stream.linear.gather [hbm4b:s16+s3], $0x80, $0x38;
	[tilespmem:$0xC080] =	vst v63  }
0x20f: {  	s16 =	sand.u32 $0x1FFFFFF0, s17;
	s21 =	spop (v2sf);
	(v2sf) =	vpush v3, $0xA  }
0x210: {  	s16 =	sadd.s32 s4, s16  }
0x211: {  	[tilespmem:s18], [sflag:$0x6] =	stream.linear.gather [hbm4b:s16+s3], $0x80, $0x38;
	[tilespmem:$0xC080] =	vst v63  }
0x212: {  	s20 =	sld [smem:$0x7F3];
	s23 =	spop (v2sf);
	(v2sf) =	vpush v3, $0xB  }
0x213: {  	s16 =	sand.u32 $0x1FFFFFF0, s19  }
0x214: {  	s22 =	sld [smem:$0x7F4];
	s16 =	sadd.s32 s4, s16  }
0x215: {  	[tilespmem:s20], [sflag:$0x6] =	stream.linear.gather [hbm4b:s16+s3], $0x80, $0x38;
	[tilespmem:$0xC080] =	vst v63  }
0x216: {  	s16 =	sand.u32 $0x1FFFFFF0, s21  }
0x217: {  	s24 =	sld [smem:$0x7F5];
	s16 =	sadd.s32 s4, s16  }
0x218: {  	[tilespmem:s22], [sflag:$0x6] =	stream.linear.gather [hbm4b:s16+s3], $0x80, $0x38;
	[tilespmem:$0xC080] =	vst v63  }
0x219: {  	s16 =	sand.u32 $0x1FFFFFF0, s23  }
0x21a: {  	s16 =	sadd.s32 s4, s16;
	s25 =	spop (v2sf);
	(v2sf) =	vpush v3, $0xC  }
0x21b: {  	[tilespmem:s24], [sflag:$0x6] =	stream.linear.gather [hbm4b:s16+s3], $0x80, $0x38;
	[tilespmem:$0xC080] =	vst v63  }
0x21c: {  	s26 =	sld [smem:$0x7F6];
	s28 =	spop (v2sf);
	(v2sf) =	vpush v3, $0xD  }
0x21d: {  	s16 =	sand.u32 $0x1FFFFFF0, s25  }
0x21e: {  	s29 =	sld [smem:$0x7F7];
	s16 =	sadd.s32 s4, s16;
	s30 =	spop (v2sf)  }
0x21f: {  	(v2sf) =	vpush v3, $0xE;
	[tilespmem:s26], [sflag:$0x6] =	stream.linear.gather [hbm4b:s16+s3], $0x80, $0x38;
	[tilespmem:$0xC080] =	vst v63  }
0x220: {  	s16 =	sand.u32 $0x1FFFFFF0, s28  }
0x221: {  	s31 =	sld [smem:$0x7F8];
	s17 =	spop (v2sf);
	s16 =	sadd.s32 s4, s16  }
0x222: {  	(v2sf) =	vpush v3, $0xF;
	[tilespmem:s29], [sflag:$0x6] =	stream.linear.gather [hbm4b:s16+s3], $0x80, $0x38;
	[tilespmem:$0xC080] =	vst v63  }
0x223: {  	s16 =	sand.u32 $0x1FFFFFF0, s30  }
0x224: {  	s18 =	sld [smem:$0x7F9];
	s16 =	sadd.s32 s4, s16  }
0x225: {  	[tilespmem:s31], [sflag:$0x6] =	stream.linear.gather [hbm4b:s16+s3], $0x80, $0x38;
	[tilespmem:$0xC080] =	vst v63  }
0x226: {  	s16 =	sand.u32 $0x1FFFFFF0, s17  }
0x227: {  	s16 =	sadd.s32 s4, s16  }
0x228: {  	[tilespmem:s18], [sflag:$0x6] =	stream.linear.gather [hbm4b:s16+s3], $0x80, $0x38;
	[tilespmem:$0xC080] =	vst v63  }
0x229: {  	s20 =	sld [smem:$0x7FA];
	s19 =	spop (v2sf)  }
0x22a: {  	s16 =	sand.u32 $0x1FFFFFF0, s19  }
0x22b: {  	s22 =	sld [smem:$0x7FB];
	s21 =	spop (v2sf);
	s16 =	sadd.s32 s4, s16  }
0x22c: {  	[tilespmem:s20], [sflag:$0x6] =	stream.linear.gather [hbm4b:s16+s3], $0x80, $0x38;
	[tilespmem:$0xC080] =	vst v63  }
0x22d: {  	s16 =	sand.u32 $0x1FFFFFF0, s21  }
0x22e: {  	s24 =	sld [smem:$0x7FC];
	s23 =	spop (v2sf);
	s16 =	sadd.s32 s4, s16  }
0x22f: {  	[tilespmem:s22], [sflag:$0x6] =	stream.linear.gather [hbm4b:s16+s3], $0x80, $0x38;
	[tilespmem:$0xC080] =	vst v63  }
0x230: {  	s16 =	sand.u32 $0x1FFFFFF0, s23  }
0x231: {  	s26 =	sld [smem:$0x7FD];
	s25 =	spop (v2sf);
	s16 =	sadd.s32 s4, s16  }
0x232: {  	[tilespmem:s24], [sflag:$0x6] =	stream.linear.gather [hbm4b:s16+s3], $0x80, $0x38;
	[tilespmem:$0xC080] =	vst v63  }
0x233: {  	s16 =	sand.u32 $0x1FFFFFF0, s25  }
0x234: {  	s16 =	sadd.s32 s4, s16  }
0x235: {  	[tilespmem:s26], [sflag:$0x6] =	stream.linear.gather [hbm4b:s16+s3], $0x80, $0x38;
	[tilespmem:$0xC080] =	vst v63  }
0x236: {  	_ =	swait.ge [sflag:s11], $0x2000  }
0x237: {  	[sflag:s11] =	ssyncset.done $0x0  }
0x238: {  	[sflag:s11] =	ssyncadd.s32 $0xFFFFE000  }
0x239: {  	_ =	swait.ge [sflag:s11], $0x1000  }
0x23a: {  	[sflag:s11] =	ssyncset.done $0x0  }
0x23b: {  	s28 =	rddreg [dreg:$0x9];
	[sflag:s11] =	ssyncadd.s32 $0xFFFFF000  }
0x23c: {  	[hbm4b:s28+s3] =	stream.linear.scatter [tilespmem:s6], [sflag:$0x4], $0x2000, $0x38;
	[tilespmem:$0xC080] =	vst v63  }
0x23d: {  	s29 =	rddreg [dreg:$0xa]  }
0x23e: {  	[hbm4b:s29+s3] =	stream.linear.scatter [tilespmem:s7], [sflag:$0x4], $0x1000, $0x38;
	[tilespmem:$0xC080] =	vst v63  }
0x23f: {  	_ =	swait.ge [sflag:s12], $0x6000  }
0x240: {  	[sflag:s12] =	ssyncset.done $0x0  }
0x241: {  	[sflag:s12] =	ssyncadd.s32 $0xFFFFA000  }
0x242: {  	_ =	swait.ge [sflag:s13], $0x1800  }
0x243: {  	[sflag:s13] =	ssyncset.done $0x0  }
0x244: {  	[sflag:s13] =	ssyncadd.s32 $0xFFFFE800  }
0x245: {  	_ =	swait.ge [sflag:s14], $0x1800  }
0x246: {  	[sflag:s14] =	ssyncset.done $0x0  }
0x247: {  	s30 =	rddreg [dreg:$0xb];
	[sflag:s14] =	ssyncadd.s32 $0xFFFFE800  }
0x248: {  	[hbm4b:s30+s3] =	stream.linear.scatter [tilespmem:s9], [sflag:$0x4], $0x6000, $0x38;
	[tilespmem:$0xC080] =	vst v63  }
0x249: {  	s31 =	rddreg [dreg:$0xc]  }
0x24a: {  	[hbm4b:s31+s3] =	stream.linear.scatter [tilespmem:s10], [sflag:$0x4], $0x3000, $0x38;
	[tilespmem:$0xC080] =	vst v63  }
0x24b: {  	_ =	swait.ge [sflag:s15], $0x2000  }
0x24c: {  	[sflag:s15] =	ssyncset.done $0x0  }
0x24d: {  	[sflag:s15] =	ssyncadd.s32 $0xFFFFE000  }
0x24e: {  	_ =	swait.ge [sflag:s15], $0x1000  }
0x24f: {  	[sflag:s15] =	ssyncset.done $0x0  }
0x250: {  	[sflag:s15] =	ssyncadd.s32 $0xFFFFF000  }
0x251: {  	p0 =	sne.s32 s5, $0x1;
	_ =	swait.ge [sflag:s15], $0x6000  }
.Ltmp0:
0x252: {  	[sflag:s15] =	ssyncset.done $0x0;
	(pc) =	sbr.rel @p0 .LBB2_1-.Ltmp0, $4  }
0x253: {  	[sflag:s15] =	ssyncadd.s32 $0xFFFFA000  }
0x254: {  	_ =	swait.ge [sflag:s15], $0x3000  }
0x255: {  	[sflag:s15] =	ssyncset.done $0x0  }
0x256: {  	s5 =	sadd.s32 $0xFFFFFFFF, s5;
	[sflag:s15] =	ssyncadd.s32 $0xFFFFD000  }
0x257: {  	_ =	sfence.sel $0x180000  }
0x258: {  	[bflag:$0x0] =	sbarrier.arrive $0xFFFF  }
0x259: {  	p0 =	sne.s32 s1, $0x0;
	_ =	strace $0x90000047  }
0x25a: {  	s0 =	sadd.s32 @!p0 $0x100000, s2;
	[bflag:$0x2] =	sbarrier.arrive $0xFFFF  }
0x25b: {  	[sflag:s0] =	ssyncadd.tile.s32 @!p0 $0x1;
	_ =	shalt  }
.Lfunc_end2:
_tile_overlayer_lowered:
.L_overlay_start_2:
0x25c: {  	(tag) =	ssettag $0x2  }
0x25d: {  	s0 =	rddreg [dreg:$0x0];
	s2 =	stileid.u32  }
0x25e: {  	s1 =	rddreg [dreg:$0x1];
	p0 =	sne.s32 s2, $0x0  }
0x25f: {  	s3 =	rddreg [dreg:$0x2];
	[bflag:$0x3] =	sbarrier.arrive $0xFFFF;
	s2 =	simm.s32 @!p0 $0x1C07  }
0x260: {  	[timem:s3], [sflag:s2] =	dma.local @!p0 [hbm:s0], s1  }
0x261: {  	s0 =	simm.s32 @!p0 $0x7  }
0x262: {  	_ =	swait.ge @!p0 [sflag:s0], s1  }
0x263: {  	s1 =	ssub.s32 @!p0 $0x0, s1;
	[sflag:s0] =	ssyncset.done @!p0 $0x0  }
0x264: {  	[sflag:s0] =	ssyncadd.s32 @!p0 s1  }
0x265: {  	[bflag:$0x3] =	sbarrier.arrive $0xFFFF  }
0x266: {  	_ =	shalt  }

</sc_bundles>
